<compile_context>
chip_gen: v7x
topology: tpu7x:2x2x1
jax: 0.10.2.dev20260603
libtpu: 0.0.44.dev20260713+nightly
codegen_flags: <defaults>
</compile_context>

<pallas_src>
import functools

import jax
import jax.numpy as jnp
from jax import lax
from jax.experimental import pallas as pl
from jax.experimental.pallas import tpu as pltpu
from jax.experimental.pallas import tpu_sc as plsc

_BG = 512


def _sc_gather_packed(table, x2d):
    B, L = x2d.shape
    V, D = table.shape
    info = plsc.get_sparse_core_info()
    NW = info.num_cores * info.num_subcores
    BPW = B // NW
    TB = 8
    assert B % NW == 0 and L % TB == 0 and BPW % 16 == 0 and BPW <= 128
    NTB = L // TB
    NBLK = B // (4 * _BG)
    WPB = NW // NBLK
    WPG = _BG // BPW
    assert NW % NBLK == 0 and _BG % BPW == 0
    mesh = plsc.VectorSubcoreMesh(core_axis_name="c", subcore_axis_name="s")

    @functools.partial(
        pl.kernel,
        mesh=mesh,
        out_type=jax.ShapeDtypeStruct((L, B // 4, 4 * D), jnp.float32),
        compiler_params=pltpu.CompilerParams(
            use_tc_tiling_on_sc=False, needs_layout_passes=False
        ),
        scratch_types=[
            pltpu.VMEM((BPW, TB), jnp.int32),
            pltpu.VMEM((TB * BPW,), jnp.int32),
            pltpu.VMEM((TB, BPW, D), jnp.float32),
            pltpu.SemaphoreType.DMA,
        ],
    )
    def gather_kernel(table_hbm, x_hbm, out_hbm, xtile_v, idx_v, rows_v, sem):
        wid = lax.axis_index("s") * info.num_cores + lax.axis_index("c")
        b0 = wid * BPW
        blk = wid // WPB
        rem = wid % WPB
        cgrp = rem // WPG
        g0 = blk * _BG + (rem % WPG) * BPW
        lane = lax.iota(jnp.int32, 16)

        def tblock(tb, carry):
            pltpu.sync_copy(
                x_hbm.at[pl.ds(b0, BPW), pl.ds(tb * TB, TB)], xtile_v
            )
            for t in range(TB):
                col = jnp.full((16,), t, jnp.int32)
                for g in range(BPW // 16):
                    rows = lane + (g * 16)
                    idx_v[pl.ds(t * BPW + g * 16, 16)] = plsc.load_gather(
                        xtile_v, [rows, col]
                    )
            copies = [
                pltpu.async_copy(
                    table_hbm.at[idx_v.at[pl.ds(t * BPW, BPW)]],
                    rows_v.at[t],
                    sem,
                )
                for t in range(TB)
            ]
            for c in copies:
                c.wait()
            pltpu.sync_copy(
                rows_v,
                out_hbm.at[
                    pl.ds(tb * TB, TB), pl.ds(g0, BPW), pl.ds(cgrp * D, D)
                ],
            )
            return carry

        lax.fori_loop(0, NTB, tblock, 0)

    return gather_kernel(table, x2d)


def _tc_rnn_decode(
    x_encP, W_ih4T, W_hh4T, b_h4T, W_outST, b_outT, B, col0, y_prev=None, bL=8
):
    L, G, E4 = x_encP.shape
    H4 = W_hh4T.shape[0]
    O = W_outST.shape[1]
    bG = _BG
    assert G % bG == 0 and L % bL == 0

    def body(x_ref, wih_ref, whh_ref, bh_ref, wout_ref, bout_ref, *rest):
        y_ref, h_ref = rest[-2], rest[-1]

        @pl.when(pl.program_id(1) == 0)
        def _():
            h_ref[...] = jnp.zeros_like(h_ref)

        h = h_ref[...]
        wih = wih_ref[...]
        whh = whh_ref[...]
        bh = bh_ref[...]
        bout = bout_ref[...]
        for t in range(bL):
            xtT = x_ref[t].T
            h = jnp.tanh(
                jnp.dot(wih, xtT, preferred_element_type=jnp.float32)
                + jnp.dot(whh, h, preferred_element_type=jnp.float32)
                + bh
            )
            for c in range(4):
                y_ref[t * O:(t + 1) * O, c * bG:(c + 1) * bG] = (
                    jnp.dot(wout_ref[c], h, preferred_element_type=jnp.float32)
                    + bout
                )
        h_ref[...] = h

    in_specs = [
        pl.BlockSpec((bL, bG, E4), lambda b, l: (l, b, 0)),
        pl.BlockSpec((H4, E4), lambda b, l: (0, 0)),
        pl.BlockSpec((H4, H4), lambda b, l: (0, 0)),
        pl.BlockSpec((H4, 1), lambda b, l: (0, 0)),
        pl.BlockSpec((4, O, H4), lambda b, l: (0, 0, 0)),
        pl.BlockSpec((O, 1), lambda b, l: (0, 0)),
    ]
    args = [x_encP, W_ih4T, W_hh4T, b_h4T, W_outST, b_outT]
    aliases = {}
    if y_prev is not None:
        in_specs.append(pl.BlockSpec(memory_space=pltpu.MemorySpace.HBM))
        args.append(y_prev)
        aliases = {6: 0}
    return pl.pallas_call(
        body,
        grid=(G // bG, L // bL),
        in_specs=in_specs,
        out_specs=pl.BlockSpec((bL * O, 4 * bG), lambda b, l: (l, col0 + b)),
        out_shape=jax.ShapeDtypeStruct((L * O, B), jnp.float32),
        scratch_shapes=[pltpu.VMEM((H4, bG), jnp.float32)],
        input_output_aliases=aliases,
        compiler_params=pltpu.CompilerParams(
            dimension_semantics=("parallel", "arbitrary")
        ),
    )(*args)


def kernel(x, emb, W_ih, W_hh, b_h, W_out, b_out):
    B, L = x.shape
    H = W_hh.shape[0]
    O = W_out.shape[1]
    emb_lin = jax.lax.optimization_barrier(emb.reshape(-1))
    embL = emb_lin.reshape(emb.shape)
    xi = x.astype(jnp.int32)
    Bh = B // 2
    x_encP0 = _sc_gather_packed(embL, xi[:Bh])
    x_encP1 = _sc_gather_packed(embL, xi[Bh:])
    I4 = jnp.eye(4, dtype=jnp.float32)
    W_ih4T = jnp.kron(I4, W_ih.T)
    W_hh4T = jnp.kron(I4, W_hh.T)
    W_out4 = jnp.kron(I4, W_out)
    W_outST = jnp.stack([W_out4[:, c * O:(c + 1) * O].T for c in range(4)])
    b_h4T = jnp.tile(b_h, 4).reshape(4 * H, 1)
    b_outT = b_out.reshape(O, 1)
    yT = _tc_rnn_decode(
        x_encP0, W_ih4T, W_hh4T, b_h4T, W_outST, b_outT, B, col0=0
    )
    yT = _tc_rnn_decode(
        x_encP1, W_ih4T, W_hh4T, b_h4T, W_outST, b_outT, B, col0=1, y_prev=yT
    )
    return yT.T.reshape(B, L, O)

# --- scband reference (transcript-rebuilt; emitter-appended) ---
"""Pipeline reference for scband-gen-31679678775571 (READ-ONLY COPY).

The authoritative reference and input builder live on the scoring server;
editing this copy changes nothing except your own understanding.
"""

import jax, jax.numpy as jnp
import numpy as np

VOCAB = 1000000
ENC_OUT = 32
DIM_H = 64
DIM_OUT = 64
B = 4096
L = 200

def setup_inputs(seed: int = 0) -> dict:
    key = jax.random.key(seed)
    k_x, k_emb, k_ih, k_hh, k_bh, k_wo, k_bo = jax.random.split(key, 7)
    x = jax.random.randint(k_x, (B, L), 0, VOCAB, dtype=jnp.int64) if jax.config.jax_enable_x64 else jax.random.randint(k_x, (B, L), 0, VOCAB, dtype=jnp.int32)
    emb = jax.random.normal(k_emb, (VOCAB, ENC_OUT), dtype=jnp.float32) * 0.02
    W_ih = jax.random.normal(k_ih, (ENC_OUT, DIM_H), dtype=jnp.float32) * (1.0 / np.sqrt(ENC_OUT))
    W_hh = jax.random.normal(k_hh, (DIM_H, DIM_H), dtype=jnp.float32) * (1.0 / np.sqrt(DIM_H))
    b_h = jnp.zeros((DIM_H,), dtype=jnp.float32)
    W_out = jax.random.normal(k_wo, (DIM_H, DIM_OUT), dtype=jnp.float32) * (1.0 / np.sqrt(DIM_H))
    b_out = jnp.zeros((DIM_OUT,), dtype=jnp.float32)
    return {"x": x, "emb": emb, "W_ih": W_ih, "W_hh": W_hh, "b_h": b_h, "W_out": W_out, "b_out": b_out}

def reference(x, emb, W_ih, W_hh, b_h, W_out, b_out):
    # self.enc(x.long()) -> embedding gather (SparseCore-mappable)
    x_enc = jnp.take(emb, x, axis=0)  # [B, L, ENC_OUT]
    # self.rnn(x_enc): simple Elman RNN over sequence, hidden dim DIM_H
    h0 = jnp.zeros((x.shape[0], W_hh.shape[0]), dtype=jnp.float32)
    xs = jnp.swapaxes(x_enc, 0, 1)  # [L, B, ENC_OUT]
    def step(h, xt):
        h_new = jnp.tanh(xt @ W_ih + h @ W_hh + b_h).astype(h.dtype)
        return h_new, h_new
    _, hs = jax.lax.scan(step, h0, xs)  # [L, B, DIM_H]
    h = jnp.swapaxes(hs, 0, 1)  # [B, L, DIM_H]
    # self.rnn.decode(h): linear projection to DIM_OUT
    y = h @ W_out + b_out  # [B, L, DIM_OUT]
    return y

if __name__ == "__main__":
    import jax
    _d = setup_inputs()
    print(jax.jit(kernel)(*tuple(_d.values())))

</pallas_src>

<mosaic_0001>
#map = affine_map<(d0, d1) -> (0, 0)>
#map1 = affine_map<(d0, d1) -> (0, 0, 0)>
module attributes {stable_mosaic.version = 14 : i64} {
  func.func @gather_kernel(%arg0: i32, %arg1: i32, %arg2: memref<1000000x32xf32, #tpu.memory_space<hbm>>, %arg3: memref<2048x200xi32, #tpu.memory_space<hbm>>, %arg4: memref<200x512x128xf32, #tpu.memory_space<hbm>>, %arg5: memref<64x8xi32, #tpu.memory_space<vmem>>, %arg6: memref<512xi32, #tpu.memory_space<vmem>>, %arg7: memref<8x64x32xf32, #tpu.memory_space<vmem>>, %arg8: memref<!tpu.dma_semaphore, #tpu.memory_space<semaphore_mem>>) attributes {dimension_semantics = [#tpu.dimension_semantics<core_parallel>, #tpu.dimension_semantics<subcore_parallel>], iteration_bounds = array<i64: 2, 16>, scalar_prefetch = 0 : i64, scratch_operands = 4 : i64, tpu.core_type = #tpu.core_type<sc_vector_subcore>, window_params = [{transform_indices = #map}, {transform_indices = #map}, {transform_indices = #map1}]} {
    %mul3A = arith.constant 2 : i32
    %mul3A_0 = arith.muli %arg1, %mul3A : i32
    %add3A = arith.addi %mul3A_0, %arg0 : i32
    %mul3A_1 = arith.constant 64 : i32
    %mul3A_2 = arith.muli %add3A, %mul3A_1 : i32
    %jit3A = arith.constant 32 : i32
    %div3A = arith.divsi %add3A, %jit3A : i32
    %sign3A = arith.constant 0 : i32
    %sign3A_3 = arith.cmpi sgt, %add3A, %sign3A : i32
    %sign3A_4 = arith.extui %sign3A_3 : i1 to i32
    %sign3A_5 = arith.constant 0 : i32
    %sign3A_6 = arith.cmpi slt, %add3A, %sign3A_5 : i32
    %sign3A_7 = arith.extui %sign3A_6 : i1 to i32
    %sign3A_8 = arith.subi %sign3A_4, %sign3A_7 : i32
    %sign3A_9 = arith.constant 0 : i32
    %sign3A_10 = arith.cmpi sgt, %jit3A, %sign3A_9 : i32
    %sign3A_11 = arith.extui %sign3A_10 : i1 to i32
    %sign3A_12 = arith.constant 0 : i32
    %sign3A_13 = arith.cmpi slt, %jit3A, %sign3A_12 : i32
    %sign3A_14 = arith.extui %sign3A_13 : i1 to i32
    %sign3A_15 = arith.subi %sign3A_11, %sign3A_14 : i32
    %ne3A = arith.cmpi ne, %sign3A_8, %sign3A_15 : i32
    %rem3A = arith.remsi %add3A, %jit3A : i32
    %ne3A_16 = arith.constant 0 : i32
    %ne3A_17 = arith.cmpi ne, %rem3A, %ne3A_16 : i32
    %and3A = arith.andi %ne3A, %ne3A_17 : i1
    %sub3A = arith.constant 1 : i32
    %sub3A_18 = arith.subi %div3A, %sub3A : i32
    %select_n3A = arith.select %and3A, %sub3A_18, %div3A : i32
    %jit3A_19 = arith.constant 32 : i32
    %eq3A = arith.constant 0 : i32
    %eq3A_20 = arith.cmpi eq, %jit3A_19, %eq3A : i32
    %jit3A_21 = arith.constant 1 : i32
    %select_n3A_22 = arith.select %eq3A_20, %jit3A_21, %jit3A_19 : i32
    %rem3A_23 = arith.remsi %add3A, %select_n3A_22 : i32
    %ne3A_24 = arith.constant 0 : i32
    %ne3A_25 = arith.cmpi ne, %rem3A_23, %ne3A_24 : i32
    %lt3A = arith.constant 0 : i32
    %lt3A_26 = arith.cmpi slt, %rem3A_23, %lt3A : i32
    %lt3A_27 = arith.constant 0 : i32
    %lt3A_28 = arith.cmpi slt, %select_n3A_22, %lt3A_27 : i32
    %ne3A_29 = arith.xori %lt3A_26, %lt3A_28 : i1
    %and3A_30 = arith.andi %ne3A_29, %ne3A_25 : i1
    %add3A_31 = arith.addi %rem3A_23, %select_n3A_22 : i32
    %select_n3A_32 = arith.select %and3A_30, %add3A_31, %rem3A_23 : i32
    %jit3A_33 = arith.constant 8 : i32
    %div3A_34 = arith.divsi %select_n3A_32, %jit3A_33 : i32
    %sign3A_35 = arith.constant 0 : i32
    %sign3A_36 = arith.cmpi sgt, %select_n3A_32, %sign3A_35 : i32
    %sign3A_37 = arith.extui %sign3A_36 : i1 to i32
    %sign3A_38 = arith.constant 0 : i32
    %sign3A_39 = arith.cmpi slt, %select_n3A_32, %sign3A_38 : i32
    %sign3A_40 = arith.extui %sign3A_39 : i1 to i32
    %sign3A_41 = arith.subi %sign3A_37, %sign3A_40 : i32
    %sign3A_42 = arith.constant 0 : i32
    %sign3A_43 = arith.cmpi sgt, %jit3A_33, %sign3A_42 : i32
    %sign3A_44 = arith.extui %sign3A_43 : i1 to i32
    %sign3A_45 = arith.constant 0 : i32
    %sign3A_46 = arith.cmpi slt, %jit3A_33, %sign3A_45 : i32
    %sign3A_47 = arith.extui %sign3A_46 : i1 to i32
    %sign3A_48 = arith.subi %sign3A_44, %sign3A_47 : i32
    %ne3A_49 = arith.cmpi ne, %sign3A_41, %sign3A_48 : i32
    %rem3A_50 = arith.remsi %select_n3A_32, %jit3A_33 : i32
    %ne3A_51 = arith.constant 0 : i32
    %ne3A_52 = arith.cmpi ne, %rem3A_50, %ne3A_51 : i32
    %and3A_53 = arith.andi %ne3A_49, %ne3A_52 : i1
    %sub3A_54 = arith.constant 1 : i32
    %sub3A_55 = arith.subi %div3A_34, %sub3A_54 : i32
    %select_n3A_56 = arith.select %and3A_53, %sub3A_55, %div3A_34 : i32
    %mul3A_57 = arith.constant 512 : i32
    %mul3A_58 = arith.muli %select_n3A, %mul3A_57 : i32
    %jit3A_59 = arith.constant 8 : i32
    %eq3A_60 = arith.constant 0 : i32
    %eq3A_61 = arith.cmpi eq, %jit3A_59, %eq3A_60 : i32
    %jit3A_62 = arith.constant 1 : i32
    %select_n3A_63 = arith.select %eq3A_61, %jit3A_62, %jit3A_59 : i32
    %rem3A_64 = arith.remsi %select_n3A_32, %select_n3A_63 : i32
    %ne3A_65 = arith.constant 0 : i32
    %ne3A_66 = arith.cmpi ne, %rem3A_64, %ne3A_65 : i32
    %lt3A_67 = arith.constant 0 : i32
    %lt3A_68 = arith.cmpi slt, %rem3A_64, %lt3A_67 : i32
    %lt3A_69 = arith.constant 0 : i32
    %lt3A_70 = arith.cmpi slt, %select_n3A_63, %lt3A_69 : i32
    %ne3A_71 = arith.xori %lt3A_68, %lt3A_70 : i1
    %and3A_72 = arith.andi %ne3A_71, %ne3A_66 : i1
    %add3A_73 = arith.addi %rem3A_64, %select_n3A_63 : i32
    %select_n3A_74 = arith.select %and3A_72, %add3A_73, %rem3A_64 : i32
    %mul3A_75 = arith.constant 64 : i32
    %mul3A_76 = arith.muli %select_n3A_74, %mul3A_75 : i32
    %add3A_77 = arith.addi %mul3A_58, %mul3A_76 : i32
    %iota3A = tpu.iota {dimensions = array<i32: 0>} : vector<16xi32>
    %scan3A = arith.constant 0 : i32
    %scan3A_78 = arith.constant 0 : i32
    %scan3A_79 = arith.constant 25 : i32
    %scan3A_80 = arith.addi %scan3A_78, %scan3A_79 : i32
    %scan3A_81 = arith.constant 1 : i32
    scf.for %scan3A_83 = %scan3A_78 to %scan3A_80 step %scan3A_81  : i32 {
      %mul3A_84 = arith.constant 8 : i32
      %mul3A_85 = arith.muli %scan3A_83, %mul3A_84 : i32
      "tpu.region"() ({
        %run_scoped3A = tpu.sem_alloc : memref<!tpu.dma_semaphore, #tpu.memory_space<semaphore_mem>>
        %dma_start3A_453 = tpu.memref_slice %arg3[%mul3A_2, %mul3A_85] : memref<2048x200xi32, #tpu.memory_space<hbm>> -> memref<64x8xi32, #tpu.memory_space<hbm>>
        %dma_start3A_454 = tpu.memref_slice %arg3[%mul3A_2, %mul3A_85] : memref<2048x200xi32, #tpu.memory_space<hbm>> -> memref<64x8xi32, #tpu.memory_space<hbm>>
        tpu.enqueue_dma source(%dma_start3A_454 : memref<64x8xi32, #tpu.memory_space<hbm>>) target(%arg5 : memref<64x8xi32, #tpu.memory_space<vmem>>) target_semaphore(%run_scoped3A : memref<!tpu.dma_semaphore, #tpu.memory_space<semaphore_mem>>)
        %dma_wait3A_455 = tpu.memref_slice %arg3[%mul3A_2, %mul3A_85] : memref<2048x200xi32, #tpu.memory_space<hbm>> -> memref<64x8xi32, #tpu.memory_space<hbm>>
        %dma_wait3A_456 = tpu.memref_slice %arg3[%mul3A_2, %mul3A_85] : memref<2048x200xi32, #tpu.memory_space<hbm>> -> memref<64x8xi32, #tpu.memory_space<hbm>>
        tpu.wait_dma2 semaphore(%run_scoped3A : memref<!tpu.dma_semaphore, #tpu.memory_space<semaphore_mem>>) src(%dma_wait3A_456 : memref<64x8xi32, #tpu.memory_space<hbm>>) dst(%arg5 : memref<64x8xi32, #tpu.memory_space<vmem>>)
        tpu.yield
      }) : () -> ()
      %broadcast_in_dim3A = arith.constant 0 : i32
      %broadcast_in_dim3A_86 = vector.broadcast %broadcast_in_dim3A : i32 to vector<16xi32>
      %add3A_87 = arith.constant 0 : i32
      %add3A_88 = vector.broadcast %add3A_87 : i32 to vector<16xi32>
      %add3A_89 = arith.addi %iota3A, %add3A_88 : vector<16xi32>
      %gather3A = tpu.vector_load_idx %arg5[%add3A_89, %broadcast_in_dim3A_86] : memref<64x8xi32, #tpu.memory_space<vmem>>[vector<16xi32>, vector<16xi32>], vector<16xi32>,
      %swap3A = arith.constant 0 : index
      %swap3A_90 = tpu.vector_load %arg6[%swap3A] {strides = array<i32>} : memref<512xi32, #tpu.memory_space<vmem>>, vector<16xi32>,
      tpu.vector_store %arg6[%swap3A], %gather3A {strides = array<i32>} : memref<512xi32, #tpu.memory_space<vmem>>, vector<16xi32>,
      %add3A_91 = arith.constant 16 : i32
      %add3A_92 = vector.broadcast %add3A_91 : i32 to vector<16xi32>
      %add3A_93 = arith.addi %iota3A, %add3A_92 : vector<16xi32>
      %gather3A_94 = tpu.vector_load_idx %arg5[%add3A_93, %broadcast_in_dim3A_86] : memref<64x8xi32, #tpu.memory_space<vmem>>[vector<16xi32>, vector<16xi32>], vector<16xi32>,
      %swap3A_95 = arith.constant 16 : index
      %swap3A_96 = tpu.vector_load %arg6[%swap3A_95] {strides = array<i32>} : memref<512xi32, #tpu.memory_space<vmem>>, vector<16xi32>,
      tpu.vector_store %arg6[%swap3A_95], %gather3A_94 {strides = array<i32>} : memref<512xi32, #tpu.memory_space<vmem>>, vector<16xi32>,
      %add3A_97 = arith.constant 32 : i32
      %add3A_98 = vector.broadcast %add3A_97 : i32 to vector<16xi32>
      %add3A_99 = arith.addi %iota3A, %add3A_98 : vector<16xi32>
      %gather3A_100 = tpu.vector_load_idx %arg5[%add3A_99, %broadcast_in_dim3A_86] : memref<64x8xi32, #tpu.memory_space<vmem>>[vector<16xi32>, vector<16xi32>], vector<16xi32>,
      %swap3A_101 = arith.constant 32 : index
      %swap3A_102 = tpu.vector_load %arg6[%swap3A_101] {strides = array<i32>} : memref<512xi32, #tpu.memory_space<vmem>>, vector<16xi32>,
      tpu.vector_store %arg6[%swap3A_101], %gather3A_100 {strides = array<i32>} : memref<512xi32, #tpu.memory_space<vmem>>, vector<16xi32>,
      %add3A_103 = arith.constant 48 : i32
      %add3A_104 = vector.broadcast %add3A_103 : i32 to vector<16xi32>
      %add3A_105 = arith.addi %iota3A, %add3A_104 : vector<16xi32>
      %gather3A_106 = tpu.vector_load_idx %arg5[%add3A_105, %broadcast_in_dim3A_86] : memref<64x8xi32, #tpu.memory_space<vmem>>[vector<16xi32>, vector<16xi32>], vector<16xi32>,
      %swap3A_107 = arith.constant 48 : index
      %swap3A_108 = tpu.vector_load %arg6[%swap3A_107] {strides = array<i32>} : memref<512xi32, #tpu.memory_space<vmem>>, vector<16xi32>,
      tpu.vector_store %arg6[%swap3A_107], %gather3A_106 {strides = array<i32>} : memref<512xi32, #tpu.memory_space<vmem>>, vector<16xi32>,
      %broadcast_in_dim3A_109 = arith.constant 1 : i32
      %broadcast_in_dim3A_110 = vector.broadcast %broadcast_in_dim3A_109 : i32 to vector<16xi32>
      %add3A_111 = arith.constant 0 : i32
      %add3A_112 = vector.broadcast %add3A_111 : i32 to vector<16xi32>
      %add3A_113 = arith.addi %iota3A, %add3A_112 : vector<16xi32>
      %gather3A_114 = tpu.vector_load_idx %arg5[%add3A_113, %broadcast_in_dim3A_110] : memref<64x8xi32, #tpu.memory_space<vmem>>[vector<16xi32>, vector<16xi32>], vector<16xi32>,
      %swap3A_115 = arith.constant 64 : index
      %swap3A_116 = tpu.vector_load %arg6[%swap3A_115] {strides = array<i32>} : memref<512xi32, #tpu.memory_space<vmem>>, vector<16xi32>,
      tpu.vector_store %arg6[%swap3A_115], %gather3A_114 {strides = array<i32>} : memref<512xi32, #tpu.memory_space<vmem>>, vector<16xi32>,
      %add3A_117 = arith.constant 16 : i32
      %add3A_118 = vector.broadcast %add3A_117 : i32 to vector<16xi32>
      %add3A_119 = arith.addi %iota3A, %add3A_118 : vector<16xi32>
      %gather3A_120 = tpu.vector_load_idx %arg5[%add3A_119, %broadcast_in_dim3A_110] : memref<64x8xi32, #tpu.memory_space<vmem>>[vector<16xi32>, vector<16xi32>], vector<16xi32>,
      %swap3A_121 = arith.constant 80 : index
      %swap3A_122 = tpu.vector_load %arg6[%swap3A_121] {strides = array<i32>} : memref<512xi32, #tpu.memory_space<vmem>>, vector<16xi32>,
      tpu.vector_store %arg6[%swap3A_121], %gather3A_120 {strides = array<i32>} : memref<512xi32, #tpu.memory_space<vmem>>, vector<16xi32>,
      %add3A_123 = arith.constant 32 : i32
      %add3A_124 = vector.broadcast %add3A_123 : i32 to vector<16xi32>
      %add3A_125 = arith.addi %iota3A, %add3A_124 : vector<16xi32>
      %gather3A_126 = tpu.vector_load_idx %arg5[%add3A_125, %broadcast_in_dim3A_110] : memref<64x8xi32, #tpu.memory_space<vmem>>[vector<16xi32>, vector<16xi32>], vector<16xi32>,
      %swap3A_127 = arith.constant 96 : index
      %swap3A_128 = tpu.vector_load %arg6[%swap3A_127] {strides = array<i32>} : memref<512xi32, #tpu.memory_space<vmem>>, vector<16xi32>,
      tpu.vector_store %arg6[%swap3A_127], %gather3A_126 {strides = array<i32>} : memref<512xi32, #tpu.memory_space<vmem>>, vector<16xi32>,
      %add3A_129 = arith.constant 48 : i32
      %add3A_130 = vector.broadcast %add3A_129 : i32 to vector<16xi32>
      %add3A_131 = arith.addi %iota3A, %add3A_130 : vector<16xi32>
      %gather3A_132 = tpu.vector_load_idx %arg5[%add3A_131, %broadcast_in_dim3A_110] : memref<64x8xi32, #tpu.memory_space<vmem>>[vector<16xi32>, vector<16xi32>], vector<16xi32>,
      %swap3A_133 = arith.constant 112 : index
      %swap3A_134 = tpu.vector_load %arg6[%swap3A_133] {strides = array<i32>} : memref<512xi32, #tpu.memory_space<vmem>>, vector<16xi32>,
      tpu.vector_store %arg6[%swap3A_133], %gather3A_132 {strides = array<i32>} : memref<512xi32, #tpu.memory_space<vmem>>, vector<16xi32>,
      %broadcast_in_dim3A_135 = arith.constant 2 : i32
      %broadcast_in_dim3A_136 = vector.broadcast %broadcast_in_dim3A_135 : i32 to vector<16xi32>
      %add3A_137 = arith.constant 0 : i32
      %add3A_138 = vector.broadcast %add3A_137 : i32 to vector<16xi32>
      %add3A_139 = arith.addi %iota3A, %add3A_138 : vector<16xi32>
      %gather3A_140 = tpu.vector_load_idx %arg5[%add3A_139, %broadcast_in_dim3A_136] : memref<64x8xi32, #tpu.memory_space<vmem>>[vector<16xi32>, vector<16xi32>], vector<16xi32>,
      %swap3A_141 = arith.constant 128 : index
      %swap3A_142 = tpu.vector_load %arg6[%swap3A_141] {strides = array<i32>} : memref<512xi32, #tpu.memory_space<vmem>>, vector<16xi32>,
      tpu.vector_store %arg6[%swap3A_141], %gather3A_140 {strides = array<i32>} : memref<512xi32, #tpu.memory_space<vmem>>, vector<16xi32>,
      %add3A_143 = arith.constant 16 : i32
      %add3A_144 = vector.broadcast %add3A_143 : i32 to vector<16xi32>
      %add3A_145 = arith.addi %iota3A, %add3A_144 : vector<16xi32>
      %gather3A_146 = tpu.vector_load_idx %arg5[%add3A_145, %broadcast_in_dim3A_136] : memref<64x8xi32, #tpu.memory_space<vmem>>[vector<16xi32>, vector<16xi32>], vector<16xi32>,
      %swap3A_147 = arith.constant 144 : index
      %swap3A_148 = tpu.vector_load %arg6[%swap3A_147] {strides = array<i32>} : memref<512xi32, #tpu.memory_space<vmem>>, vector<16xi32>,
      tpu.vector_store %arg6[%swap3A_147], %gather3A_146 {strides = array<i32>} : memref<512xi32, #tpu.memory_space<vmem>>, vector<16xi32>,
      %add3A_149 = arith.constant 32 : i32
      %add3A_150 = vector.broadcast %add3A_149 : i32 to vector<16xi32>
      %add3A_151 = arith.addi %iota3A, %add3A_150 : vector<16xi32>
      %gather3A_152 = tpu.vector_load_idx %arg5[%add3A_151, %broadcast_in_dim3A_136] : memref<64x8xi32, #tpu.memory_space<vmem>>[vector<16xi32>, vector<16xi32>], vector<16xi32>,
      %swap3A_153 = arith.constant 160 : index
      %swap3A_154 = tpu.vector_load %arg6[%swap3A_153] {strides = array<i32>} : memref<512xi32, #tpu.memory_space<vmem>>, vector<16xi32>,
      tpu.vector_store %arg6[%swap3A_153], %gather3A_152 {strides = array<i32>} : memref<512xi32, #tpu.memory_space<vmem>>, vector<16xi32>,
      %add3A_155 = arith.constant 48 : i32
      %add3A_156 = vector.broadcast %add3A_155 : i32 to vector<16xi32>
      %add3A_157 = arith.addi %iota3A, %add3A_156 : vector<16xi32>
      %gather3A_158 = tpu.vector_load_idx %arg5[%add3A_157, %broadcast_in_dim3A_136] : memref<64x8xi32, #tpu.memory_space<vmem>>[vector<16xi32>, vector<16xi32>], vector<16xi32>,
      %swap3A_159 = arith.constant 176 : index
      %swap3A_160 = tpu.vector_load %arg6[%swap3A_159] {strides = array<i32>} : memref<512xi32, #tpu.memory_space<vmem>>, vector<16xi32>,
      tpu.vector_store %arg6[%swap3A_159], %gather3A_158 {strides = array<i32>} : memref<512xi32, #tpu.memory_space<vmem>>, vector<16xi32>,
      %broadcast_in_dim3A_161 = arith.constant 3 : i32
      %broadcast_in_dim3A_162 = vector.broadcast %broadcast_in_dim3A_161 : i32 to vector<16xi32>
      %add3A_163 = arith.constant 0 : i32
      %add3A_164 = vector.broadcast %add3A_163 : i32 to vector<16xi32>
      %add3A_165 = arith.addi %iota3A, %add3A_164 : vector<16xi32>
      %gather3A_166 = tpu.vector_load_idx %arg5[%add3A_165, %broadcast_in_dim3A_162] : memref<64x8xi32, #tpu.memory_space<vmem>>[vector<16xi32>, vector<16xi32>], vector<16xi32>,
      %swap3A_167 = arith.constant 192 : index
      %swap3A_168 = tpu.vector_load %arg6[%swap3A_167] {strides = array<i32>} : memref<512xi32, #tpu.memory_space<vmem>>, vector<16xi32>,
      tpu.vector_store %arg6[%swap3A_167], %gather3A_166 {strides = array<i32>} : memref<512xi32, #tpu.memory_space<vmem>>, vector<16xi32>,
      %add3A_169 = arith.constant 16 : i32
      %add3A_170 = vector.broadcast %add3A_169 : i32 to vector<16xi32>
      %add3A_171 = arith.addi %iota3A, %add3A_170 : vector<16xi32>
      %gather3A_172 = tpu.vector_load_idx %arg5[%add3A_171, %broadcast_in_dim3A_162] : memref<64x8xi32, #tpu.memory_space<vmem>>[vector<16xi32>, vector<16xi32>], vector<16xi32>,
      %swap3A_173 = arith.constant 208 : index
      %swap3A_174 = tpu.vector_load %arg6[%swap3A_173] {strides = array<i32>} : memref<512xi32, #tpu.memory_space<vmem>>, vector<16xi32>,
      tpu.vector_store %arg6[%swap3A_173], %gather3A_172 {strides = array<i32>} : memref<512xi32, #tpu.memory_space<vmem>>, vector<16xi32>,
      %add3A_175 = arith.constant 32 : i32
      %add3A_176 = vector.broadcast %add3A_175 : i32 to vector<16xi32>
      %add3A_177 = arith.addi %iota3A, %add3A_176 : vector<16xi32>
      %gather3A_178 = tpu.vector_load_idx %arg5[%add3A_177, %broadcast_in_dim3A_162] : memref<64x8xi32, #tpu.memory_space<vmem>>[vector<16xi32>, vector<16xi32>], vector<16xi32>,
      %swap3A_179 = arith.constant 224 : index
      %swap3A_180 = tpu.vector_load %arg6[%swap3A_179] {strides = array<i32>} : memref<512xi32, #tpu.memory_space<vmem>>, vector<16xi32>,
      tpu.vector_store %arg6[%swap3A_179], %gather3A_178 {strides = array<i32>} : memref<512xi32, #tpu.memory_space<vmem>>, vector<16xi32>,
      %add3A_181 = arith.constant 48 : i32
      %add3A_182 = vector.broadcast %add3A_181 : i32 to vector<16xi32>
      %add3A_183 = arith.addi %iota3A, %add3A_182 : vector<16xi32>
      %gather3A_184 = tpu.vector_load_idx %arg5[%add3A_183, %broadcast_in_dim3A_162] : memref<64x8xi32, #tpu.memory_space<vmem>>[vector<16xi32>, vector<16xi32>], vector<16xi32>,
      %swap3A_185 = arith.constant 240 : index
      %swap3A_186 = tpu.vector_load %arg6[%swap3A_185] {strides = array<i32>} : memref<512xi32, #tpu.memory_space<vmem>>, vector<16xi32>,
      tpu.vector_store %arg6[%swap3A_185], %gather3A_184 {strides = array<i32>} : memref<512xi32, #tpu.memory_space<vmem>>, vector<16xi32>,
      %broadcast_in_dim3A_187 = arith.constant 4 : i32
      %broadcast_in_dim3A_188 = vector.broadcast %broadcast_in_dim3A_187 : i32 to vector<16xi32>
      %add3A_189 = arith.constant 0 : i32
      %add3A_190 = vector.broadcast %add3A_189 : i32 to vector<16xi32>
      %add3A_191 = arith.addi %iota3A, %add3A_190 : vector<16xi32>
      %gather3A_192 = tpu.vector_load_idx %arg5[%add3A_191, %broadcast_in_dim3A_188] : memref<64x8xi32, #tpu.memory_space<vmem>>[vector<16xi32>, vector<16xi32>], vector<16xi32>,
      %swap3A_193 = arith.constant 256 : index
      %swap3A_194 = tpu.vector_load %arg6[%swap3A_193] {strides = array<i32>} : memref<512xi32, #tpu.memory_space<vmem>>, vector<16xi32>,
      tpu.vector_store %arg6[%swap3A_193], %gather3A_192 {strides = array<i32>} : memref<512xi32, #tpu.memory_space<vmem>>, vector<16xi32>,
      %add3A_195 = arith.constant 16 : i32
      %add3A_196 = vector.broadcast %add3A_195 : i32 to vector<16xi32>
      %add3A_197 = arith.addi %iota3A, %add3A_196 : vector<16xi32>
      %gather3A_198 = tpu.vector_load_idx %arg5[%add3A_197, %broadcast_in_dim3A_188] : memref<64x8xi32, #tpu.memory_space<vmem>>[vector<16xi32>, vector<16xi32>], vector<16xi32>,
      %swap3A_199 = arith.constant 272 : index
      %swap3A_200 = tpu.vector_load %arg6[%swap3A_199] {strides = array<i32>} : memref<512xi32, #tpu.memory_space<vmem>>, vector<16xi32>,
      tpu.vector_store %arg6[%swap3A_199], %gather3A_198 {strides = array<i32>} : memref<512xi32, #tpu.memory_space<vmem>>, vector<16xi32>,
      %add3A_201 = arith.constant 32 : i32
      %add3A_202 = vector.broadcast %add3A_201 : i32 to vector<16xi32>
      %add3A_203 = arith.addi %iota3A, %add3A_202 : vector<16xi32>
      %gather3A_204 = tpu.vector_load_idx %arg5[%add3A_203, %broadcast_in_dim3A_188] : memref<64x8xi32, #tpu.memory_space<vmem>>[vector<16xi32>, vector<16xi32>], vector<16xi32>,
      %swap3A_205 = arith.constant 288 : index
      %swap3A_206 = tpu.vector_load %arg6[%swap3A_205] {strides = array<i32>} : memref<512xi32, #tpu.memory_space<vmem>>, vector<16xi32>,
      tpu.vector_store %arg6[%swap3A_205], %gather3A_204 {strides = array<i32>} : memref<512xi32, #tpu.memory_space<vmem>>, vector<16xi32>,
      %add3A_207 = arith.constant 48 : i32
      %add3A_208 = vector.broadcast %add3A_207 : i32 to vector<16xi32>
      %add3A_209 = arith.addi %iota3A, %add3A_208 : vector<16xi32>
      %gather3A_210 = tpu.vector_load_idx %arg5[%add3A_209, %broadcast_in_dim3A_188] : memref<64x8xi32, #tpu.memory_space<vmem>>[vector<16xi32>, vector<16xi32>], vector<16xi32>,
      %swap3A_211 = arith.constant 304 : index
      %swap3A_212 = tpu.vector_load %arg6[%swap3A_211] {strides = array<i32>} : memref<512xi32, #tpu.memory_space<vmem>>, vector<16xi32>,
      tpu.vector_store %arg6[%swap3A_211], %gather3A_210 {strides = array<i32>} : memref<512xi32, #tpu.memory_space<vmem>>, vector<16xi32>,
      %broadcast_in_dim3A_213 = arith.constant 5 : i32
      %broadcast_in_dim3A_214 = vector.broadcast %broadcast_in_dim3A_213 : i32 to vector<16xi32>
      %add3A_215 = arith.constant 0 : i32
      %add3A_216 = vector.broadcast %add3A_215 : i32 to vector<16xi32>
      %add3A_217 = arith.addi %iota3A, %add3A_216 : vector<16xi32>
      %gather3A_218 = tpu.vector_load_idx %arg5[%add3A_217, %broadcast_in_dim3A_214] : memref<64x8xi32, #tpu.memory_space<vmem>>[vector<16xi32>, vector<16xi32>], vector<16xi32>,
      %swap3A_219 = arith.constant 320 : index
      %swap3A_220 = tpu.vector_load %arg6[%swap3A_219] {strides = array<i32>} : memref<512xi32, #tpu.memory_space<vmem>>, vector<16xi32>,
      tpu.vector_store %arg6[%swap3A_219], %gather3A_218 {strides = array<i32>} : memref<512xi32, #tpu.memory_space<vmem>>, vector<16xi32>,
      %add3A_221 = arith.constant 16 : i32
      %add3A_222 = vector.broadcast %add3A_221 : i32 to vector<16xi32>
      %add3A_223 = arith.addi %iota3A, %add3A_222 : vector<16xi32>
      %gather3A_224 = tpu.vector_load_idx %arg5[%add3A_223, %broadcast_in_dim3A_214] : memref<64x8xi32, #tpu.memory_space<vmem>>[vector<16xi32>, vector<16xi32>], vector<16xi32>,
      %swap3A_225 = arith.constant 336 : index
      %swap3A_226 = tpu.vector_load %arg6[%swap3A_225] {strides = array<i32>} : memref<512xi32, #tpu.memory_space<vmem>>, vector<16xi32>,
      tpu.vector_store %arg6[%swap3A_225], %gather3A_224 {strides = array<i32>} : memref<512xi32, #tpu.memory_space<vmem>>, vector<16xi32>,
      %add3A_227 = arith.constant 32 : i32
      %add3A_228 = vector.broadcast %add3A_227 : i32 to vector<16xi32>
      %add3A_229 = arith.addi %iota3A, %add3A_228 : vector<16xi32>
      %gather3A_230 = tpu.vector_load_idx %arg5[%add3A_229, %broadcast_in_dim3A_214] : memref<64x8xi32, #tpu.memory_space<vmem>>[vector<16xi32>, vector<16xi32>], vector<16xi32>,
      %swap3A_231 = arith.constant 352 : index
      %swap3A_232 = tpu.vector_load %arg6[%swap3A_231] {strides = array<i32>} : memref<512xi32, #tpu.memory_space<vmem>>, vector<16xi32>,
      tpu.vector_store %arg6[%swap3A_231], %gather3A_230 {strides = array<i32>} : memref<512xi32, #tpu.memory_space<vmem>>, vector<16xi32>,
      %add3A_233 = arith.constant 48 : i32
      %add3A_234 = vector.broadcast %add3A_233 : i32 to vector<16xi32>
      %add3A_235 = arith.addi %iota3A, %add3A_234 : vector<16xi32>
      %gather3A_236 = tpu.vector_load_idx %arg5[%add3A_235, %broadcast_in_dim3A_214] : memref<64x8xi32, #tpu.memory_space<vmem>>[vector<16xi32>, vector<16xi32>], vector<16xi32>,
      %swap3A_237 = arith.constant 368 : index
      %swap3A_238 = tpu.vector_load %arg6[%swap3A_237] {strides = array<i32>} : memref<512xi32, #tpu.memory_space<vmem>>, vector<16xi32>,
      tpu.vector_store %arg6[%swap3A_237], %gather3A_236 {strides = array<i32>} : memref<512xi32, #tpu.memory_space<vmem>>, vector<16xi32>,
      %broadcast_in_dim3A_239 = arith.constant 6 : i32
      %broadcast_in_dim3A_240 = vector.broadcast %broadcast_in_dim3A_239 : i32 to vector<16xi32>
      %add3A_241 = arith.constant 0 : i32
      %add3A_242 = vector.broadcast %add3A_241 : i32 to vector<16xi32>
      %add3A_243 = arith.addi %iota3A, %add3A_242 : vector<16xi32>
      %gather3A_244 = tpu.vector_load_idx %arg5[%add3A_243, %broadcast_in_dim3A_240] : memref<64x8xi32, #tpu.memory_space<vmem>>[vector<16xi32>, vector<16xi32>], vector<16xi32>,
      %swap3A_245 = arith.constant 384 : index
      %swap3A_246 = tpu.vector_load %arg6[%swap3A_245] {strides = array<i32>} : memref<512xi32, #tpu.memory_space<vmem>>, vector<16xi32>,
      tpu.vector_store %arg6[%swap3A_245], %gather3A_244 {strides = array<i32>} : memref<512xi32, #tpu.memory_space<vmem>>, vector<16xi32>,
      %add3A_247 = arith.constant 16 : i32
      %add3A_248 = vector.broadcast %add3A_247 : i32 to vector<16xi32>
      %add3A_249 = arith.addi %iota3A, %add3A_248 : vector<16xi32>
      %gather3A_250 = tpu.vector_load_idx %arg5[%add3A_249, %broadcast_in_dim3A_240] : memref<64x8xi32, #tpu.memory_space<vmem>>[vector<16xi32>, vector<16xi32>], vector<16xi32>,
      %swap3A_251 = arith.constant 400 : index
      %swap3A_252 = tpu.vector_load %arg6[%swap3A_251] {strides = array<i32>} : memref<512xi32, #tpu.memory_space<vmem>>, vector<16xi32>,
      tpu.vector_store %arg6[%swap3A_251], %gather3A_250 {strides = array<i32>} : memref<512xi32, #tpu.memory_space<vmem>>, vector<16xi32>,
      %add3A_253 = arith.constant 32 : i32
      %add3A_254 = vector.broadcast %add3A_253 : i32 to vector<16xi32>
      %add3A_255 = arith.addi %iota3A, %add3A_254 : vector<16xi32>
      %gather3A_256 = tpu.vector_load_idx %arg5[%add3A_255, %broadcast_in_dim3A_240] : memref<64x8xi32, #tpu.memory_space<vmem>>[vector<16xi32>, vector<16xi32>], vector<16xi32>,
      %swap3A_257 = arith.constant 416 : index
      %swap3A_258 = tpu.vector_load %arg6[%swap3A_257] {strides = array<i32>} : memref<512xi32, #tpu.memory_space<vmem>>, vector<16xi32>,
      tpu.vector_store %arg6[%swap3A_257], %gather3A_256 {strides = array<i32>} : memref<512xi32, #tpu.memory_space<vmem>>, vector<16xi32>,
      %add3A_259 = arith.constant 48 : i32
      %add3A_260 = vector.broadcast %add3A_259 : i32 to vector<16xi32>
      %add3A_261 = arith.addi %iota3A, %add3A_260 : vector<16xi32>
      %gather3A_262 = tpu.vector_load_idx %arg5[%add3A_261, %broadcast_in_dim3A_240] : memref<64x8xi32, #tpu.memory_space<vmem>>[vector<16xi32>, vector<16xi32>], vector<16xi32>,
      %swap3A_263 = arith.constant 432 : index
      %swap3A_264 = tpu.vector_load %arg6[%swap3A_263] {strides = array<i32>} : memref<512xi32, #tpu.memory_space<vmem>>, vector<16xi32>,
      tpu.vector_store %arg6[%swap3A_263], %gather3A_262 {strides = array<i32>} : memref<512xi32, #tpu.memory_space<vmem>>, vector<16xi32>,
      %broadcast_in_dim3A_265 = arith.constant 7 : i32
      %broadcast_in_dim3A_266 = vector.broadcast %broadcast_in_dim3A_265 : i32 to vector<16xi32>
      %add3A_267 = arith.constant 0 : i32
      %add3A_268 = vector.broadcast %add3A_267 : i32 to vector<16xi32>
      %add3A_269 = arith.addi %iota3A, %add3A_268 : vector<16xi32>
      %gather3A_270 = tpu.vector_load_idx %arg5[%add3A_269, %broadcast_in_dim3A_266] : memref<64x8xi32, #tpu.memory_space<vmem>>[vector<16xi32>, vector<16xi32>], vector<16xi32>,
      %swap3A_271 = arith.constant 448 : index
      %swap3A_272 = tpu.vector_load %arg6[%swap3A_271] {strides = array<i32>} : memref<512xi32, #tpu.memory_space<vmem>>, vector<16xi32>,
      tpu.vector_store %arg6[%swap3A_271], %gather3A_270 {strides = array<i32>} : memref<512xi32, #tpu.memory_space<vmem>>, vector<16xi32>,
      %add3A_273 = arith.constant 16 : i32
      %add3A_274 = vector.broadcast %add3A_273 : i32 to vector<16xi32>
      %add3A_275 = arith.addi %iota3A, %add3A_274 : vector<16xi32>
      %gather3A_276 = tpu.vector_load_idx %arg5[%add3A_275, %broadcast_in_dim3A_266] : memref<64x8xi32, #tpu.memory_space<vmem>>[vector<16xi32>, vector<16xi32>], vector<16xi32>,
      %swap3A_277 = arith.constant 464 : index
      %swap3A_278 = tpu.vector_load %arg6[%swap3A_277] {strides = array<i32>} : memref<512xi32, #tpu.memory_space<vmem>>, vector<16xi32>,
      tpu.vector_store %arg6[%swap3A_277], %gather3A_276 {strides = array<i32>} : memref<512xi32, #tpu.memory_space<vmem>>, vector<16xi32>,
      %add3A_279 = arith.constant 32 : i32
      %add3A_280 = vector.broadcast %add3A_279 : i32 to vector<16xi32>
      %add3A_281 = arith.addi %iota3A, %add3A_280 : vector<16xi32>
      %gather3A_282 = tpu.vector_load_idx %arg5[%add3A_281, %broadcast_in_dim3A_266] : memref<64x8xi32, #tpu.memory_space<vmem>>[vector<16xi32>, vector<16xi32>], vector<16xi32>,
      %swap3A_283 = arith.constant 480 : index
      %swap3A_284 = tpu.vector_load %arg6[%swap3A_283] {strides = array<i32>} : memref<512xi32, #tpu.memory_space<vmem>>, vector<16xi32>,
      tpu.vector_store %arg6[%swap3A_283], %gather3A_282 {strides = array<i32>} : memref<512xi32, #tpu.memory_space<vmem>>, vector<16xi32>,
      %add3A_285 = arith.constant 48 : i32
      %add3A_286 = vector.broadcast %add3A_285 : i32 to vector<16xi32>
      %add3A_287 = arith.addi %iota3A, %add3A_286 : vector<16xi32>
      %gather3A_288 = tpu.vector_load_idx %arg5[%add3A_287, %broadcast_in_dim3A_266] : memref<64x8xi32, #tpu.memory_space<vmem>>[vector<16xi32>, vector<16xi32>], vector<16xi32>,
      %swap3A_289 = arith.constant 496 : index
      %swap3A_290 = tpu.vector_load %arg6[%swap3A_289] {strides = array<i32>} : memref<512xi32, #tpu.memory_space<vmem>>, vector<16xi32>,
      tpu.vector_store %arg6[%swap3A_289], %gather3A_288 {strides = array<i32>} : memref<512xi32, #tpu.memory_space<vmem>>, vector<16xi32>,
      %dma_start3A = arith.constant 0 : i32
      %dma_start3A_291 = arith.constant 0 : i32
      %dma_start3A_292 = arith.constant 0 : i32
      %dma_start3A_293 = tpu.memref_slice %arg7[%dma_start3A, %dma_start3A_291, %dma_start3A_292] : memref<8x64x32xf32, #tpu.memory_space<vmem>> -> memref<1x64x32xf32, #tpu.memory_space<vmem>>
      %dma_start3A_294 = tpu.memref_squeeze %dma_start3A_293 : memref<1x64x32xf32, #tpu.memory_space<vmem>> -> memref<64x32xf32, #tpu.memory_space<vmem>>
      %dma_start3A_295 = arith.constant 0 : i32
      %dma_start3A_296 = tpu.memref_slice %arg6[%dma_start3A_295] : memref<512xi32, #tpu.memory_space<vmem>> -> memref<64xi32, #tpu.memory_space<vmem>>
      %dma_start3A_297 = arith.constant 0 : i32
      %dma_start3A_298 = arith.constant 0 : i32
      %dma_start3A_299 = tpu.memref_slice %arg2[%dma_start3A_297, %dma_start3A_298] : memref<1000000x32xf32, #tpu.memory_space<hbm>> -> memref<1000000x32xf32, #tpu.memory_space<hbm>>
      tpu.enqueue_indirect_dma source(%dma_start3A_299 : memref<1000000x32xf32, #tpu.memory_space<hbm>>) target(%dma_start3A_294 : memref<64x32xf32, #tpu.memory_space<vmem>>) offsets(%dma_start3A_296 : memref<64xi32, #tpu.memory_space<vmem>>) semaphore(%arg8 : memref<!tpu.dma_semaphore, #tpu.memory_space<semaphore_mem>>)
      %dma_start3A_300 = arith.constant 1 : i32
      %dma_start3A_301 = arith.constant 0 : i32
      %dma_start3A_302 = arith.constant 0 : i32
      %dma_start3A_303 = tpu.memref_slice %arg7[%dma_start3A_300, %dma_start3A_301, %dma_start3A_302] : memref<8x64x32xf32, #tpu.memory_space<vmem>> -> memref<1x64x32xf32, #tpu.memory_space<vmem>>
      %dma_start3A_304 = tpu.memref_squeeze %dma_start3A_303 : memref<1x64x32xf32, #tpu.memory_space<vmem>> -> memref<64x32xf32, #tpu.memory_space<vmem>>
      %dma_start3A_305 = arith.constant 64 : i32
      %dma_start3A_306 = tpu.memref_slice %arg6[%dma_start3A_305] : memref<512xi32, #tpu.memory_space<vmem>> -> memref<64xi32, #tpu.memory_space<vmem>>
      %dma_start3A_307 = arith.constant 0 : i32
      %dma_start3A_308 = arith.constant 0 : i32
      %dma_start3A_309 = tpu.memref_slice %arg2[%dma_start3A_307, %dma_start3A_308] : memref<1000000x32xf32, #tpu.memory_space<hbm>> -> memref<1000000x32xf32, #tpu.memory_space<hbm>>
      tpu.enqueue_indirect_dma source(%dma_start3A_309 : memref<1000000x32xf32, #tpu.memory_space<hbm>>) target(%dma_start3A_304 : memref<64x32xf32, #tpu.memory_space<vmem>>) offsets(%dma_start3A_306 : memref<64xi32, #tpu.memory_space<vmem>>) semaphore(%arg8 : memref<!tpu.dma_semaphore, #tpu.memory_space<semaphore_mem>>)
      %dma_start3A_310 = arith.constant 2 : i32
      %dma_start3A_311 = arith.constant 0 : i32
      %dma_start3A_312 = arith.constant 0 : i32
      %dma_start3A_313 = tpu.memref_slice %arg7[%dma_start3A_310, %dma_start3A_311, %dma_start3A_312] : memref<8x64x32xf32, #tpu.memory_space<vmem>> -> memref<1x64x32xf32, #tpu.memory_space<vmem>>
      %dma_start3A_314 = tpu.memref_squeeze %dma_start3A_313 : memref<1x64x32xf32, #tpu.memory_space<vmem>> -> memref<64x32xf32, #tpu.memory_space<vmem>>
      %dma_start3A_315 = arith.constant 128 : i32
      %dma_start3A_316 = tpu.memref_slice %arg6[%dma_start3A_315] : memref<512xi32, #tpu.memory_space<vmem>> -> memref<64xi32, #tpu.memory_space<vmem>>
      %dma_start3A_317 = arith.constant 0 : i32
      %dma_start3A_318 = arith.constant 0 : i32
      %dma_start3A_319 = tpu.memref_slice %arg2[%dma_start3A_317, %dma_start3A_318] : memref<1000000x32xf32, #tpu.memory_space<hbm>> -> memref<1000000x32xf32, #tpu.memory_space<hbm>>
      tpu.enqueue_indirect_dma source(%dma_start3A_319 : memref<1000000x32xf32, #tpu.memory_space<hbm>>) target(%dma_start3A_314 : memref<64x32xf32, #tpu.memory_space<vmem>>) offsets(%dma_start3A_316 : memref<64xi32, #tpu.memory_space<vmem>>) semaphore(%arg8 : memref<!tpu.dma_semaphore, #tpu.memory_space<semaphore_mem>>)
      %dma_start3A_320 = arith.constant 3 : i32
      %dma_start3A_321 = arith.constant 0 : i32
      %dma_start3A_322 = arith.constant 0 : i32
      %dma_start3A_323 = tpu.memref_slice %arg7[%dma_start3A_320, %dma_start3A_321, %dma_start3A_322] : memref<8x64x32xf32, #tpu.memory_space<vmem>> -> memref<1x64x32xf32, #tpu.memory_space<vmem>>
      %dma_start3A_324 = tpu.memref_squeeze %dma_start3A_323 : memref<1x64x32xf32, #tpu.memory_space<vmem>> -> memref<64x32xf32, #tpu.memory_space<vmem>>
      %dma_start3A_325 = arith.constant 192 : i32
      %dma_start3A_326 = tpu.memref_slice %arg6[%dma_start3A_325] : memref<512xi32, #tpu.memory_space<vmem>> -> memref<64xi32, #tpu.memory_space<vmem>>
      %dma_start3A_327 = arith.constant 0 : i32
      %dma_start3A_328 = arith.constant 0 : i32
      %dma_start3A_329 = tpu.memref_slice %arg2[%dma_start3A_327, %dma_start3A_328] : memref<1000000x32xf32, #tpu.memory_space<hbm>> -> memref<1000000x32xf32, #tpu.memory_space<hbm>>
      tpu.enqueue_indirect_dma source(%dma_start3A_329 : memref<1000000x32xf32, #tpu.memory_space<hbm>>) target(%dma_start3A_324 : memref<64x32xf32, #tpu.memory_space<vmem>>) offsets(%dma_start3A_326 : memref<64xi32, #tpu.memory_space<vmem>>) semaphore(%arg8 : memref<!tpu.dma_semaphore, #tpu.memory_space<semaphore_mem>>)
      %dma_start3A_330 = arith.constant 4 : i32
      %dma_start3A_331 = arith.constant 0 : i32
      %dma_start3A_332 = arith.constant 0 : i32
      %dma_start3A_333 = tpu.memref_slice %arg7[%dma_start3A_330, %dma_start3A_331, %dma_start3A_332] : memref<8x64x32xf32, #tpu.memory_space<vmem>> -> memref<1x64x32xf32, #tpu.memory_space<vmem>>
      %dma_start3A_334 = tpu.memref_squeeze %dma_start3A_333 : memref<1x64x32xf32, #tpu.memory_space<vmem>> -> memref<64x32xf32, #tpu.memory_space<vmem>>
      %dma_start3A_335 = arith.constant 256 : i32
      %dma_start3A_336 = tpu.memref_slice %arg6[%dma_start3A_335] : memref<512xi32, #tpu.memory_space<vmem>> -> memref<64xi32, #tpu.memory_space<vmem>>
      %dma_start3A_337 = arith.constant 0 : i32
      %dma_start3A_338 = arith.constant 0 : i32
      %dma_start3A_339 = tpu.memref_slice %arg2[%dma_start3A_337, %dma_start3A_338] : memref<1000000x32xf32, #tpu.memory_space<hbm>> -> memref<1000000x32xf32, #tpu.memory_space<hbm>>
      tpu.enqueue_indirect_dma source(%dma_start3A_339 : memref<1000000x32xf32, #tpu.memory_space<hbm>>) target(%dma_start3A_334 : memref<64x32xf32, #tpu.memory_space<vmem>>) offsets(%dma_start3A_336 : memref<64xi32, #tpu.memory_space<vmem>>) semaphore(%arg8 : memref<!tpu.dma_semaphore, #tpu.memory_space<semaphore_mem>>)
      %dma_start3A_340 = arith.constant 5 : i32
      %dma_start3A_341 = arith.constant 0 : i32
      %dma_start3A_342 = arith.constant 0 : i32
      %dma_start3A_343 = tpu.memref_slice %arg7[%dma_start3A_340, %dma_start3A_341, %dma_start3A_342] : memref<8x64x32xf32, #tpu.memory_space<vmem>> -> memref<1x64x32xf32, #tpu.memory_space<vmem>>
      %dma_start3A_344 = tpu.memref_squeeze %dma_start3A_343 : memref<1x64x32xf32, #tpu.memory_space<vmem>> -> memref<64x32xf32, #tpu.memory_space<vmem>>
      %dma_start3A_345 = arith.constant 320 : i32
      %dma_start3A_346 = tpu.memref_slice %arg6[%dma_start3A_345] : memref<512xi32, #tpu.memory_space<vmem>> -> memref<64xi32, #tpu.memory_space<vmem>>
      %dma_start3A_347 = arith.constant 0 : i32
      %dma_start3A_348 = arith.constant 0 : i32
      %dma_start3A_349 = tpu.memref_slice %arg2[%dma_start3A_347, %dma_start3A_348] : memref<1000000x32xf32, #tpu.memory_space<hbm>> -> memref<1000000x32xf32, #tpu.memory_space<hbm>>
      tpu.enqueue_indirect_dma source(%dma_start3A_349 : memref<1000000x32xf32, #tpu.memory_space<hbm>>) target(%dma_start3A_344 : memref<64x32xf32, #tpu.memory_space<vmem>>) offsets(%dma_start3A_346 : memref<64xi32, #tpu.memory_space<vmem>>) semaphore(%arg8 : memref<!tpu.dma_semaphore, #tpu.memory_space<semaphore_mem>>)
      %dma_start3A_350 = arith.constant 6 : i32
      %dma_start3A_351 = arith.constant 0 : i32
      %dma_start3A_352 = arith.constant 0 : i32
      %dma_start3A_353 = tpu.memref_slice %arg7[%dma_start3A_350, %dma_start3A_351, %dma_start3A_352] : memref<8x64x32xf32, #tpu.memory_space<vmem>> -> memref<1x64x32xf32, #tpu.memory_space<vmem>>
      %dma_start3A_354 = tpu.memref_squeeze %dma_start3A_353 : memref<1x64x32xf32, #tpu.memory_space<vmem>> -> memref<64x32xf32, #tpu.memory_space<vmem>>
      %dma_start3A_355 = arith.constant 384 : i32
      %dma_start3A_356 = tpu.memref_slice %arg6[%dma_start3A_355] : memref<512xi32, #tpu.memory_space<vmem>> -> memref<64xi32, #tpu.memory_space<vmem>>
      %dma_start3A_357 = arith.constant 0 : i32
      %dma_start3A_358 = arith.constant 0 : i32
      %dma_start3A_359 = tpu.memref_slice %arg2[%dma_start3A_357, %dma_start3A_358] : memref<1000000x32xf32, #tpu.memory_space<hbm>> -> memref<1000000x32xf32, #tpu.memory_space<hbm>>
      tpu.enqueue_indirect_dma source(%dma_start3A_359 : memref<1000000x32xf32, #tpu.memory_space<hbm>>) target(%dma_start3A_354 : memref<64x32xf32, #tpu.memory_space<vmem>>) offsets(%dma_start3A_356 : memref<64xi32, #tpu.memory_space<vmem>>) semaphore(%arg8 : memref<!tpu.dma_semaphore, #tpu.memory_space<semaphore_mem>>)
      %dma_start3A_360 = arith.constant 7 : i32
      %dma_start3A_361 = arith.constant 0 : i32
      %dma_start3A_362 = arith.constant 0 : i32
      %dma_start3A_363 = tpu.memref_slice %arg7[%dma_start3A_360, %dma_start3A_361, %dma_start3A_362] : memref<8x64x32xf32, #tpu.memory_space<vmem>> -> memref<1x64x32xf32, #tpu.memory_space<vmem>>
      %dma_start3A_364 = tpu.memref_squeeze %dma_start3A_363 : memref<1x64x32xf32, #tpu.memory_space<vmem>> -> memref<64x32xf32, #tpu.memory_space<vmem>>
      %dma_start3A_365 = arith.constant 448 : i32
      %dma_start3A_366 = tpu.memref_slice %arg6[%dma_start3A_365] : memref<512xi32, #tpu.memory_space<vmem>> -> memref<64xi32, #tpu.memory_space<vmem>>
      %dma_start3A_367 = arith.constant 0 : i32
      %dma_start3A_368 = arith.constant 0 : i32
      %dma_start3A_369 = tpu.memref_slice %arg2[%dma_start3A_367, %dma_start3A_368] : memref<1000000x32xf32, #tpu.memory_space<hbm>> -> memref<1000000x32xf32, #tpu.memory_space<hbm>>
      tpu.enqueue_indirect_dma source(%dma_start3A_369 : memref<1000000x32xf32, #tpu.memory_space<hbm>>) target(%dma_start3A_364 : memref<64x32xf32, #tpu.memory_space<vmem>>) offsets(%dma_start3A_366 : memref<64xi32, #tpu.memory_space<vmem>>) semaphore(%arg8 : memref<!tpu.dma_semaphore, #tpu.memory_space<semaphore_mem>>)
      %dma_wait3A = arith.constant 0 : i32
      %dma_wait3A_370 = arith.constant 0 : i32
      %dma_wait3A_371 = arith.constant 0 : i32
      %dma_wait3A_372 = tpu.memref_slice %arg7[%dma_wait3A, %dma_wait3A_370, %dma_wait3A_371] : memref<8x64x32xf32, #tpu.memory_space<vmem>> -> memref<1x64x32xf32, #tpu.memory_space<vmem>>
      %dma_wait3A_373 = tpu.memref_squeeze %dma_wait3A_372 : memref<1x64x32xf32, #tpu.memory_space<vmem>> -> memref<64x32xf32, #tpu.memory_space<vmem>>
      %dma_wait3A_374 = arith.constant 0 : i32
      %dma_wait3A_375 = tpu.memref_slice %arg6[%dma_wait3A_374] : memref<512xi32, #tpu.memory_space<vmem>> -> memref<64xi32, #tpu.memory_space<vmem>>
      %dma_wait3A_376 = arith.constant 0 : i32
      %dma_wait3A_377 = arith.constant 0 : i32
      %dma_wait3A_378 = tpu.memref_slice %arg2[%dma_wait3A_376, %dma_wait3A_377] : memref<1000000x32xf32, #tpu.memory_space<hbm>> -> memref<1000000x32xf32, #tpu.memory_space<hbm>>
      tpu.wait_indirect_dma semaphore(%arg8 : memref<!tpu.dma_semaphore, #tpu.memory_space<semaphore_mem>>) src(%dma_wait3A_378 : memref<1000000x32xf32, #tpu.memory_space<hbm>>) dst(%dma_wait3A_373 : memref<64x32xf32, #tpu.memory_space<vmem>>)
      %dma_wait3A_379 = arith.constant 1 : i32
      %dma_wait3A_380 = arith.constant 0 : i32
      %dma_wait3A_381 = arith.constant 0 : i32
      %dma_wait3A_382 = tpu.memref_slice %arg7[%dma_wait3A_379, %dma_wait3A_380, %dma_wait3A_381] : memref<8x64x32xf32, #tpu.memory_space<vmem>> -> memref<1x64x32xf32, #tpu.memory_space<vmem>>
      %dma_wait3A_383 = tpu.memref_squeeze %dma_wait3A_382 : memref<1x64x32xf32, #tpu.memory_space<vmem>> -> memref<64x32xf32, #tpu.memory_space<vmem>>
      %dma_wait3A_384 = arith.constant 64 : i32
      %dma_wait3A_385 = tpu.memref_slice %arg6[%dma_wait3A_384] : memref<512xi32, #tpu.memory_space<vmem>> -> memref<64xi32, #tpu.memory_space<vmem>>
      %dma_wait3A_386 = arith.constant 0 : i32
      %dma_wait3A_387 = arith.constant 0 : i32
      %dma_wait3A_388 = tpu.memref_slice %arg2[%dma_wait3A_386, %dma_wait3A_387] : memref<1000000x32xf32, #tpu.memory_space<hbm>> -> memref<1000000x32xf32, #tpu.memory_space<hbm>>
      tpu.wait_indirect_dma semaphore(%arg8 : memref<!tpu.dma_semaphore, #tpu.memory_space<semaphore_mem>>) src(%dma_wait3A_388 : memref<1000000x32xf32, #tpu.memory_space<hbm>>) dst(%dma_wait3A_383 : memref<64x32xf32, #tpu.memory_space<vmem>>)
      %dma_wait3A_389 = arith.constant 2 : i32
      %dma_wait3A_390 = arith.constant 0 : i32
      %dma_wait3A_391 = arith.constant 0 : i32
      %dma_wait3A_392 = tpu.memref_slice %arg7[%dma_wait3A_389, %dma_wait3A_390, %dma_wait3A_391] : memref<8x64x32xf32, #tpu.memory_space<vmem>> -> memref<1x64x32xf32, #tpu.memory_space<vmem>>
      %dma_wait3A_393 = tpu.memref_squeeze %dma_wait3A_392 : memref<1x64x32xf32, #tpu.memory_space<vmem>> -> memref<64x32xf32, #tpu.memory_space<vmem>>
      %dma_wait3A_394 = arith.constant 128 : i32
      %dma_wait3A_395 = tpu.memref_slice %arg6[%dma_wait3A_394] : memref<512xi32, #tpu.memory_space<vmem>> -> memref<64xi32, #tpu.memory_space<vmem>>
      %dma_wait3A_396 = arith.constant 0 : i32
      %dma_wait3A_397 = arith.constant 0 : i32
      %dma_wait3A_398 = tpu.memref_slice %arg2[%dma_wait3A_396, %dma_wait3A_397] : memref<1000000x32xf32, #tpu.memory_space<hbm>> -> memref<1000000x32xf32, #tpu.memory_space<hbm>>
      tpu.wait_indirect_dma semaphore(%arg8 : memref<!tpu.dma_semaphore, #tpu.memory_space<semaphore_mem>>) src(%dma_wait3A_398 : memref<1000000x32xf32, #tpu.memory_space<hbm>>) dst(%dma_wait3A_393 : memref<64x32xf32, #tpu.memory_space<vmem>>)
      %dma_wait3A_399 = arith.constant 3 : i32
      %dma_wait3A_400 = arith.constant 0 : i32
      %dma_wait3A_401 = arith.constant 0 : i32
      %dma_wait3A_402 = tpu.memref_slice %arg7[%dma_wait3A_399, %dma_wait3A_400, %dma_wait3A_401] : memref<8x64x32xf32, #tpu.memory_space<vmem>> -> memref<1x64x32xf32, #tpu.memory_space<vmem>>
      %dma_wait3A_403 = tpu.memref_squeeze %dma_wait3A_402 : memref<1x64x32xf32, #tpu.memory_space<vmem>> -> memref<64x32xf32, #tpu.memory_space<vmem>>
      %dma_wait3A_404 = arith.constant 192 : i32
      %dma_wait3A_405 = tpu.memref_slice %arg6[%dma_wait3A_404] : memref<512xi32, #tpu.memory_space<vmem>> -> memref<64xi32, #tpu.memory_space<vmem>>
      %dma_wait3A_406 = arith.constant 0 : i32
      %dma_wait3A_407 = arith.constant 0 : i32
      %dma_wait3A_408 = tpu.memref_slice %arg2[%dma_wait3A_406, %dma_wait3A_407] : memref<1000000x32xf32, #tpu.memory_space<hbm>> -> memref<1000000x32xf32, #tpu.memory_space<hbm>>
      tpu.wait_indirect_dma semaphore(%arg8 : memref<!tpu.dma_semaphore, #tpu.memory_space<semaphore_mem>>) src(%dma_wait3A_408 : memref<1000000x32xf32, #tpu.memory_space<hbm>>) dst(%dma_wait3A_403 : memref<64x32xf32, #tpu.memory_space<vmem>>)
      %dma_wait3A_409 = arith.constant 4 : i32
      %dma_wait3A_410 = arith.constant 0 : i32
      %dma_wait3A_411 = arith.constant 0 : i32
      %dma_wait3A_412 = tpu.memref_slice %arg7[%dma_wait3A_409, %dma_wait3A_410, %dma_wait3A_411] : memref<8x64x32xf32, #tpu.memory_space<vmem>> -> memref<1x64x32xf32, #tpu.memory_space<vmem>>
      %dma_wait3A_413 = tpu.memref_squeeze %dma_wait3A_412 : memref<1x64x32xf32, #tpu.memory_space<vmem>> -> memref<64x32xf32, #tpu.memory_space<vmem>>
      %dma_wait3A_414 = arith.constant 256 : i32
      %dma_wait3A_415 = tpu.memref_slice %arg6[%dma_wait3A_414] : memref<512xi32, #tpu.memory_space<vmem>> -> memref<64xi32, #tpu.memory_space<vmem>>
      %dma_wait3A_416 = arith.constant 0 : i32
      %dma_wait3A_417 = arith.constant 0 : i32
      %dma_wait3A_418 = tpu.memref_slice %arg2[%dma_wait3A_416, %dma_wait3A_417] : memref<1000000x32xf32, #tpu.memory_space<hbm>> -> memref<1000000x32xf32, #tpu.memory_space<hbm>>
      tpu.wait_indirect_dma semaphore(%arg8 : memref<!tpu.dma_semaphore, #tpu.memory_space<semaphore_mem>>) src(%dma_wait3A_418 : memref<1000000x32xf32, #tpu.memory_space<hbm>>) dst(%dma_wait3A_413 : memref<64x32xf32, #tpu.memory_space<vmem>>)
      %dma_wait3A_419 = arith.constant 5 : i32
      %dma_wait3A_420 = arith.constant 0 : i32
      %dma_wait3A_421 = arith.constant 0 : i32
      %dma_wait3A_422 = tpu.memref_slice %arg7[%dma_wait3A_419, %dma_wait3A_420, %dma_wait3A_421] : memref<8x64x32xf32, #tpu.memory_space<vmem>> -> memref<1x64x32xf32, #tpu.memory_space<vmem>>
      %dma_wait3A_423 = tpu.memref_squeeze %dma_wait3A_422 : memref<1x64x32xf32, #tpu.memory_space<vmem>> -> memref<64x32xf32, #tpu.memory_space<vmem>>
      %dma_wait3A_424 = arith.constant 320 : i32
      %dma_wait3A_425 = tpu.memref_slice %arg6[%dma_wait3A_424] : memref<512xi32, #tpu.memory_space<vmem>> -> memref<64xi32, #tpu.memory_space<vmem>>
      %dma_wait3A_426 = arith.constant 0 : i32
      %dma_wait3A_427 = arith.constant 0 : i32
      %dma_wait3A_428 = tpu.memref_slice %arg2[%dma_wait3A_426, %dma_wait3A_427] : memref<1000000x32xf32, #tpu.memory_space<hbm>> -> memref<1000000x32xf32, #tpu.memory_space<hbm>>
      tpu.wait_indirect_dma semaphore(%arg8 : memref<!tpu.dma_semaphore, #tpu.memory_space<semaphore_mem>>) src(%dma_wait3A_428 : memref<1000000x32xf32, #tpu.memory_space<hbm>>) dst(%dma_wait3A_423 : memref<64x32xf32, #tpu.memory_space<vmem>>)
      %dma_wait3A_429 = arith.constant 6 : i32
      %dma_wait3A_430 = arith.constant 0 : i32
      %dma_wait3A_431 = arith.constant 0 : i32
      %dma_wait3A_432 = tpu.memref_slice %arg7[%dma_wait3A_429, %dma_wait3A_430, %dma_wait3A_431] : memref<8x64x32xf32, #tpu.memory_space<vmem>> -> memref<1x64x32xf32, #tpu.memory_space<vmem>>
      %dma_wait3A_433 = tpu.memref_squeeze %dma_wait3A_432 : memref<1x64x32xf32, #tpu.memory_space<vmem>> -> memref<64x32xf32, #tpu.memory_space<vmem>>
      %dma_wait3A_434 = arith.constant 384 : i32
      %dma_wait3A_435 = tpu.memref_slice %arg6[%dma_wait3A_434] : memref<512xi32, #tpu.memory_space<vmem>> -> memref<64xi32, #tpu.memory_space<vmem>>
      %dma_wait3A_436 = arith.constant 0 : i32
      %dma_wait3A_437 = arith.constant 0 : i32
      %dma_wait3A_438 = tpu.memref_slice %arg2[%dma_wait3A_436, %dma_wait3A_437] : memref<1000000x32xf32, #tpu.memory_space<hbm>> -> memref<1000000x32xf32, #tpu.memory_space<hbm>>
      tpu.wait_indirect_dma semaphore(%arg8 : memref<!tpu.dma_semaphore, #tpu.memory_space<semaphore_mem>>) src(%dma_wait3A_438 : memref<1000000x32xf32, #tpu.memory_space<hbm>>) dst(%dma_wait3A_433 : memref<64x32xf32, #tpu.memory_space<vmem>>)
      %dma_wait3A_439 = arith.constant 7 : i32
      %dma_wait3A_440 = arith.constant 0 : i32
      %dma_wait3A_441 = arith.constant 0 : i32
      %dma_wait3A_442 = tpu.memref_slice %arg7[%dma_wait3A_439, %dma_wait3A_440, %dma_wait3A_441] : memref<8x64x32xf32, #tpu.memory_space<vmem>> -> memref<1x64x32xf32, #tpu.memory_space<vmem>>
      %dma_wait3A_443 = tpu.memref_squeeze %dma_wait3A_442 : memref<1x64x32xf32, #tpu.memory_space<vmem>> -> memref<64x32xf32, #tpu.memory_space<vmem>>
      %dma_wait3A_444 = arith.constant 448 : i32
      %dma_wait3A_445 = tpu.memref_slice %arg6[%dma_wait3A_444] : memref<512xi32, #tpu.memory_space<vmem>> -> memref<64xi32, #tpu.memory_space<vmem>>
      %dma_wait3A_446 = arith.constant 0 : i32
      %dma_wait3A_447 = arith.constant 0 : i32
      %dma_wait3A_448 = tpu.memref_slice %arg2[%dma_wait3A_446, %dma_wait3A_447] : memref<1000000x32xf32, #tpu.memory_space<hbm>> -> memref<1000000x32xf32, #tpu.memory_space<hbm>>
      tpu.wait_indirect_dma semaphore(%arg8 : memref<!tpu.dma_semaphore, #tpu.memory_space<semaphore_mem>>) src(%dma_wait3A_448 : memref<1000000x32xf32, #tpu.memory_space<hbm>>) dst(%dma_wait3A_443 : memref<64x32xf32, #tpu.memory_space<vmem>>)
      %mul3A_449 = arith.constant 8 : i32
      %mul3A_450 = arith.muli %scan3A_83, %mul3A_449 : i32
      %mul3A_451 = arith.constant 32 : i32
      %mul3A_452 = arith.muli %select_n3A_56, %mul3A_451 : i32
      "tpu.region"() ({
        %run_scoped3A = tpu.sem_alloc : memref<!tpu.dma_semaphore, #tpu.memory_space<semaphore_mem>>
        %dma_start3A_453 = tpu.memref_slice %arg4[%mul3A_450, %add3A_77, %mul3A_452] : memref<200x512x128xf32, #tpu.memory_space<hbm>> -> memref<8x64x32xf32, #tpu.memory_space<hbm>>
        %dma_start3A_454 = tpu.memref_slice %arg4[%mul3A_450, %add3A_77, %mul3A_452] : memref<200x512x128xf32, #tpu.memory_space<hbm>> -> memref<8x64x32xf32, #tpu.memory_space<hbm>>
        tpu.enqueue_dma source(%arg7 : memref<8x64x32xf32, #tpu.memory_space<vmem>>) target(%dma_start3A_454 : memref<8x64x32xf32, #tpu.memory_space<hbm>>) target_semaphore(%run_scoped3A : memref<!tpu.dma_semaphore, #tpu.memory_space<semaphore_mem>>)
        %dma_wait3A_455 = tpu.memref_slice %arg4[%mul3A_450, %add3A_77, %mul3A_452] : memref<200x512x128xf32, #tpu.memory_space<hbm>> -> memref<8x64x32xf32, #tpu.memory_space<hbm>>
        %dma_wait3A_456 = tpu.memref_slice %arg4[%mul3A_450, %add3A_77, %mul3A_452] : memref<200x512x128xf32, #tpu.memory_space<hbm>> -> memref<8x64x32xf32, #tpu.memory_space<hbm>>
        tpu.wait_dma2 semaphore(%run_scoped3A : memref<!tpu.dma_semaphore, #tpu.memory_space<semaphore_mem>>) src(%arg7 : memref<8x64x32xf32, #tpu.memory_space<vmem>>) dst(%dma_wait3A_456 : memref<8x64x32xf32, #tpu.memory_space<hbm>>)
        tpu.yield
      }) : () -> ()
    }
    %scan3A_82 = arith.constant 25 : i32
    return
  }
}

#map = affine_map<(d0, d1) -> (0, 0)>
#map1 = affine_map<(d0, d1) -> (0, 0, 0)>
module attributes {stable_mosaic.version = 14 : i64} {
  func.func @gather_kernel(%arg0: i32, %arg1: i32, %arg2: memref<1000000x32xf32, #tpu.memory_space<hbm>>, %arg3: memref<2048x200xi32, #tpu.memory_space<hbm>>, %arg4: memref<200x512x128xf32, #tpu.memory_space<hbm>>, %arg5: memref<64x8xi32, #tpu.memory_space<vmem>>, %arg6: memref<512xi32, #tpu.memory_space<vmem>>, %arg7: memref<8x64x32xf32, #tpu.memory_space<vmem>>, %arg8: memref<!tpu.dma_semaphore, #tpu.memory_space<semaphore_mem>>) attributes {dimension_semantics = [#tpu.dimension_semantics<core_parallel>, #tpu.dimension_semantics<subcore_parallel>], iteration_bounds = array<i64: 2, 16>, scalar_prefetch = 0 : i64, scratch_operands = 4 : i64, tpu.core_type = #tpu.core_type<sc_vector_subcore>, window_params = [{transform_indices = #map}, {transform_indices = #map}, {transform_indices = #map1}]} {
    %mul3A = arith.constant 2 : i32
    %mul3A_0 = arith.muli %arg1, %mul3A : i32
    %add3A = arith.addi %mul3A_0, %arg0 : i32
    %mul3A_1 = arith.constant 64 : i32
    %mul3A_2 = arith.muli %add3A, %mul3A_1 : i32
    %jit3A = arith.constant 32 : i32
    %div3A = arith.divsi %add3A, %jit3A : i32
    %sign3A = arith.constant 0 : i32
    %sign3A_3 = arith.cmpi sgt, %add3A, %sign3A : i32
    %sign3A_4 = arith.extui %sign3A_3 : i1 to i32
    %sign3A_5 = arith.constant 0 : i32
    %sign3A_6 = arith.cmpi slt, %add3A, %sign3A_5 : i32
    %sign3A_7 = arith.extui %sign3A_6 : i1 to i32
    %sign3A_8 = arith.subi %sign3A_4, %sign3A_7 : i32
    %sign3A_9 = arith.constant 0 : i32
    %sign3A_10 = arith.cmpi sgt, %jit3A, %sign3A_9 : i32
    %sign3A_11 = arith.extui %sign3A_10 : i1 to i32
    %sign3A_12 = arith.constant 0 : i32
    %sign3A_13 = arith.cmpi slt, %jit3A, %sign3A_12 : i32
    %sign3A_14 = arith.extui %sign3A_13 : i1 to i32
    %sign3A_15 = arith.subi %sign3A_11, %sign3A_14 : i32
    %ne3A = arith.cmpi ne, %sign3A_8, %sign3A_15 : i32
    %rem3A = arith.remsi %add3A, %jit3A : i32
    %ne3A_16 = arith.constant 0 : i32
    %ne3A_17 = arith.cmpi ne, %rem3A, %ne3A_16 : i32
    %and3A = arith.andi %ne3A, %ne3A_17 : i1
    %sub3A = arith.constant 1 : i32
    %sub3A_18 = arith.subi %div3A, %sub3A : i32
    %select_n3A = arith.select %and3A, %sub3A_18, %div3A : i32
    %jit3A_19 = arith.constant 32 : i32
    %eq3A = arith.constant 0 : i32
    %eq3A_20 = arith.cmpi eq, %jit3A_19, %eq3A : i32
    %jit3A_21 = arith.constant 1 : i32
    %select_n3A_22 = arith.select %eq3A_20, %jit3A_21, %jit3A_19 : i32
    %rem3A_23 = arith.remsi %add3A, %select_n3A_22 : i32
    %ne3A_24 = arith.constant 0 : i32
    %ne3A_25 = arith.cmpi ne, %rem3A_23, %ne3A_24 : i32
    %lt3A = arith.constant 0 : i32
    %lt3A_26 = arith.cmpi slt, %rem3A_23, %lt3A : i32
    %lt3A_27 = arith.constant 0 : i32
    %lt3A_28 = arith.cmpi slt, %select_n3A_22, %lt3A_27 : i32
    %ne3A_29 = arith.xori %lt3A_26, %lt3A_28 : i1
    %and3A_30 = arith.andi %ne3A_29, %ne3A_25 : i1
    %add3A_31 = arith.addi %rem3A_23, %select_n3A_22 : i32
    %select_n3A_32 = arith.select %and3A_30, %add3A_31, %rem3A_23 : i32
    %jit3A_33 = arith.constant 8 : i32
    %div3A_34 = arith.divsi %select_n3A_32, %jit3A_33 : i32
    %sign3A_35 = arith.constant 0 : i32
    %sign3A_36 = arith.cmpi sgt, %select_n3A_32, %sign3A_35 : i32
    %sign3A_37 = arith.extui %sign3A_36 : i1 to i32
    %sign3A_38 = arith.constant 0 : i32
    %sign3A_39 = arith.cmpi slt, %select_n3A_32, %sign3A_38 : i32
    %sign3A_40 = arith.extui %sign3A_39 : i1 to i32
    %sign3A_41 = arith.subi %sign3A_37, %sign3A_40 : i32
    %sign3A_42 = arith.constant 0 : i32
    %sign3A_43 = arith.cmpi sgt, %jit3A_33, %sign3A_42 : i32
    %sign3A_44 = arith.extui %sign3A_43 : i1 to i32
    %sign3A_45 = arith.constant 0 : i32
    %sign3A_46 = arith.cmpi slt, %jit3A_33, %sign3A_45 : i32
    %sign3A_47 = arith.extui %sign3A_46 : i1 to i32
    %sign3A_48 = arith.subi %sign3A_44, %sign3A_47 : i32
    %ne3A_49 = arith.cmpi ne, %sign3A_41, %sign3A_48 : i32
    %rem3A_50 = arith.remsi %select_n3A_32, %jit3A_33 : i32
    %ne3A_51 = arith.constant 0 : i32
    %ne3A_52 = arith.cmpi ne, %rem3A_50, %ne3A_51 : i32
    %and3A_53 = arith.andi %ne3A_49, %ne3A_52 : i1
    %sub3A_54 = arith.constant 1 : i32
    %sub3A_55 = arith.subi %div3A_34, %sub3A_54 : i32
    %select_n3A_56 = arith.select %and3A_53, %sub3A_55, %div3A_34 : i32
    %mul3A_57 = arith.constant 512 : i32
    %mul3A_58 = arith.muli %select_n3A, %mul3A_57 : i32
    %jit3A_59 = arith.constant 8 : i32
    %eq3A_60 = arith.constant 0 : i32
    %eq3A_61 = arith.cmpi eq, %jit3A_59, %eq3A_60 : i32
    %jit3A_62 = arith.constant 1 : i32
    %select_n3A_63 = arith.select %eq3A_61, %jit3A_62, %jit3A_59 : i32
    %rem3A_64 = arith.remsi %select_n3A_32, %select_n3A_63 : i32
    %ne3A_65 = arith.constant 0 : i32
    %ne3A_66 = arith.cmpi ne, %rem3A_64, %ne3A_65 : i32
    %lt3A_67 = arith.constant 0 : i32
    %lt3A_68 = arith.cmpi slt, %rem3A_64, %lt3A_67 : i32
    %lt3A_69 = arith.constant 0 : i32
    %lt3A_70 = arith.cmpi slt, %select_n3A_63, %lt3A_69 : i32
    %ne3A_71 = arith.xori %lt3A_68, %lt3A_70 : i1
    %and3A_72 = arith.andi %ne3A_71, %ne3A_66 : i1
    %add3A_73 = arith.addi %rem3A_64, %select_n3A_63 : i32
    %select_n3A_74 = arith.select %and3A_72, %add3A_73, %rem3A_64 : i32
    %mul3A_75 = arith.constant 64 : i32
    %mul3A_76 = arith.muli %select_n3A_74, %mul3A_75 : i32
    %add3A_77 = arith.addi %mul3A_58, %mul3A_76 : i32
    %iota3A = tpu.iota {dimensions = array<i32: 0>} : vector<16xi32>
    %scan3A = arith.constant 0 : i32
    %scan3A_78 = arith.constant 0 : i32
    %scan3A_79 = arith.constant 25 : i32
    %scan3A_80 = arith.addi %scan3A_78, %scan3A_79 : i32
    %scan3A_81 = arith.constant 1 : i32
    scf.for %scan3A_83 = %scan3A_78 to %scan3A_80 step %scan3A_81  : i32 {
      %mul3A_84 = arith.constant 8 : i32
      %mul3A_85 = arith.muli %scan3A_83, %mul3A_84 : i32
      "tpu.region"() ({
        %run_scoped3A = tpu.sem_alloc : memref<!tpu.dma_semaphore, #tpu.memory_space<semaphore_mem>>
        %dma_start3A_453 = tpu.memref_slice %arg3[%mul3A_2, %mul3A_85] : memref<2048x200xi32, #tpu.memory_space<hbm>> -> memref<64x8xi32, #tpu.memory_space<hbm>>
        %dma_start3A_454 = tpu.memref_slice %arg3[%mul3A_2, %mul3A_85] : memref<2048x200xi32, #tpu.memory_space<hbm>> -> memref<64x8xi32, #tpu.memory_space<hbm>>
        tpu.enqueue_dma source(%dma_start3A_454 : memref<64x8xi32, #tpu.memory_space<hbm>>) target(%arg5 : memref<64x8xi32, #tpu.memory_space<vmem>>) target_semaphore(%run_scoped3A : memref<!tpu.dma_semaphore, #tpu.memory_space<semaphore_mem>>)
        %dma_wait3A_455 = tpu.memref_slice %arg3[%mul3A_2, %mul3A_85] : memref<2048x200xi32, #tpu.memory_space<hbm>> -> memref<64x8xi32, #tpu.memory_space<hbm>>
        %dma_wait3A_456 = tpu.memref_slice %arg3[%mul3A_2, %mul3A_85] : memref<2048x200xi32, #tpu.memory_space<hbm>> -> memref<64x8xi32, #tpu.memory_space<hbm>>
        tpu.wait_dma2 semaphore(%run_scoped3A : memref<!tpu.dma_semaphore, #tpu.memory_space<semaphore_mem>>) src(%dma_wait3A_456 : memref<64x8xi32, #tpu.memory_space<hbm>>) dst(%arg5 : memref<64x8xi32, #tpu.memory_space<vmem>>)
        tpu.yield
      }) : () -> ()
      %broadcast_in_dim3A = arith.constant 0 : i32
      %broadcast_in_dim3A_86 = vector.broadcast %broadcast_in_dim3A : i32 to vector<16xi32>
      %add3A_87 = arith.constant 0 : i32
      %add3A_88 = vector.broadcast %add3A_87 : i32 to vector<16xi32>
      %add3A_89 = arith.addi %iota3A, %add3A_88 : vector<16xi32>
      %gather3A = tpu.vector_load_idx %arg5[%add3A_89, %broadcast_in_dim3A_86] : memref<64x8xi32, #tpu.memory_space<vmem>>[vector<16xi32>, vector<16xi32>], vector<16xi32>,
      %swap3A = arith.constant 0 : index
      %swap3A_90 = tpu.vector_load %arg6[%swap3A] {strides = array<i32>} : memref<512xi32, #tpu.memory_space<vmem>>, vector<16xi32>,
      tpu.vector_store %arg6[%swap3A], %gather3A {strides = array<i32>} : memref<512xi32, #tpu.memory_space<vmem>>, vector<16xi32>,
      %add3A_91 = arith.constant 16 : i32
      %add3A_92 = vector.broadcast %add3A_91 : i32 to vector<16xi32>
      %add3A_93 = arith.addi %iota3A, %add3A_92 : vector<16xi32>
      %gather3A_94 = tpu.vector_load_idx %arg5[%add3A_93, %broadcast_in_dim3A_86] : memref<64x8xi32, #tpu.memory_space<vmem>>[vector<16xi32>, vector<16xi32>], vector<16xi32>,
      %swap3A_95 = arith.constant 16 : index
      %swap3A_96 = tpu.vector_load %arg6[%swap3A_95] {strides = array<i32>} : memref<512xi32, #tpu.memory_space<vmem>>, vector<16xi32>,
      tpu.vector_store %arg6[%swap3A_95], %gather3A_94 {strides = array<i32>} : memref<512xi32, #tpu.memory_space<vmem>>, vector<16xi32>,
      %add3A_97 = arith.constant 32 : i32
      %add3A_98 = vector.broadcast %add3A_97 : i32 to vector<16xi32>
      %add3A_99 = arith.addi %iota3A, %add3A_98 : vector<16xi32>
      %gather3A_100 = tpu.vector_load_idx %arg5[%add3A_99, %broadcast_in_dim3A_86] : memref<64x8xi32, #tpu.memory_space<vmem>>[vector<16xi32>, vector<16xi32>], vector<16xi32>,
      %swap3A_101 = arith.constant 32 : index
      %swap3A_102 = tpu.vector_load %arg6[%swap3A_101] {strides = array<i32>} : memref<512xi32, #tpu.memory_space<vmem>>, vector<16xi32>,
      tpu.vector_store %arg6[%swap3A_101], %gather3A_100 {strides = array<i32>} : memref<512xi32, #tpu.memory_space<vmem>>, vector<16xi32>,
      %add3A_103 = arith.constant 48 : i32
      %add3A_104 = vector.broadcast %add3A_103 : i32 to vector<16xi32>
      %add3A_105 = arith.addi %iota3A, %add3A_104 : vector<16xi32>
      %gather3A_106 = tpu.vector_load_idx %arg5[%add3A_105, %broadcast_in_dim3A_86] : memref<64x8xi32, #tpu.memory_space<vmem>>[vector<16xi32>, vector<16xi32>], vector<16xi32>,
      %swap3A_107 = arith.constant 48 : index
      %swap3A_108 = tpu.vector_load %arg6[%swap3A_107] {strides = array<i32>} : memref<512xi32, #tpu.memory_space<vmem>>, vector<16xi32>,
      tpu.vector_store %arg6[%swap3A_107], %gather3A_106 {strides = array<i32>} : memref<512xi32, #tpu.memory_space<vmem>>, vector<16xi32>,
      %broadcast_in_dim3A_109 = arith.constant 1 : i32
      %broadcast_in_dim3A_110 = vector.broadcast %broadcast_in_dim3A_109 : i32 to vector<16xi32>
      %add3A_111 = arith.constant 0 : i32
      %add3A_112 = vector.broadcast %add3A_111 : i32 to vector<16xi32>
      %add3A_113 = arith.addi %iota3A, %add3A_112 : vector<16xi32>
      %gather3A_114 = tpu.vector_load_idx %arg5[%add3A_113, %broadcast_in_dim3A_110] : memref<64x8xi32, #tpu.memory_space<vmem>>[vector<16xi32>, vector<16xi32>], vector<16xi32>,
      %swap3A_115 = arith.constant 64 : index
      %swap3A_116 = tpu.vector_load %arg6[%swap3A_115] {strides = array<i32>} : memref<512xi32, #tpu.memory_space<vmem>>, vector<16xi32>,
      tpu.vector_store %arg6[%swap3A_115], %gather3A_114 {strides = array<i32>} : memref<512xi32, #tpu.memory_space<vmem>>, vector<16xi32>,
      %add3A_117 = arith.constant 16 : i32
      %add3A_118 = vector.broadcast %add3A_117 : i32 to vector<16xi32>
      %add3A_119 = arith.addi %iota3A, %add3A_118 : vector<16xi32>
      %gather3A_120 = tpu.vector_load_idx %arg5[%add3A_119, %broadcast_in_dim3A_110] : memref<64x8xi32, #tpu.memory_space<vmem>>[vector<16xi32>, vector<16xi32>], vector<16xi32>,
      %swap3A_121 = arith.constant 80 : index
      %swap3A_122 = tpu.vector_load %arg6[%swap3A_121] {strides = array<i32>} : memref<512xi32, #tpu.memory_space<vmem>>, vector<16xi32>,
      tpu.vector_store %arg6[%swap3A_121], %gather3A_120 {strides = array<i32>} : memref<512xi32, #tpu.memory_space<vmem>>, vector<16xi32>,
      %add3A_123 = arith.constant 32 : i32
      %add3A_124 = vector.broadcast %add3A_123 : i32 to vector<16xi32>
      %add3A_125 = arith.addi %iota3A, %add3A_124 : vector<16xi32>
      %gather3A_126 = tpu.vector_load_idx %arg5[%add3A_125, %broadcast_in_dim3A_110] : memref<64x8xi32, #tpu.memory_space<vmem>>[vector<16xi32>, vector<16xi32>], vector<16xi32>,
      %swap3A_127 = arith.constant 96 : index
      %swap3A_128 = tpu.vector_load %arg6[%swap3A_127] {strides = array<i32>} : memref<512xi32, #tpu.memory_space<vmem>>, vector<16xi32>,
      tpu.vector_store %arg6[%swap3A_127], %gather3A_126 {strides = array<i32>} : memref<512xi32, #tpu.memory_space<vmem>>, vector<16xi32>,
      %add3A_129 = arith.constant 48 : i32
      %add3A_130 = vector.broadcast %add3A_129 : i32 to vector<16xi32>
      %add3A_131 = arith.addi %iota3A, %add3A_130 : vector<16xi32>
      %gather3A_132 = tpu.vector_load_idx %arg5[%add3A_131, %broadcast_in_dim3A_110] : memref<64x8xi32, #tpu.memory_space<vmem>>[vector<16xi32>, vector<16xi32>], vector<16xi32>,
      %swap3A_133 = arith.constant 112 : index
      %swap3A_134 = tpu.vector_load %arg6[%swap3A_133] {strides = array<i32>} : memref<512xi32, #tpu.memory_space<vmem>>, vector<16xi32>,
      tpu.vector_store %arg6[%swap3A_133], %gather3A_132 {strides = array<i32>} : memref<512xi32, #tpu.memory_space<vmem>>, vector<16xi32>,
      %broadcast_in_dim3A_135 = arith.constant 2 : i32
      %broadcast_in_dim3A_136 = vector.broadcast %broadcast_in_dim3A_135 : i32 to vector<16xi32>
      %add3A_137 = arith.constant 0 : i32
      %add3A_138 = vector.broadcast %add3A_137 : i32 to vector<16xi32>
      %add3A_139 = arith.addi %iota3A, %add3A_138 : vector<16xi32>
      %gather3A_140 = tpu.vector_load_idx %arg5[%add3A_139, %broadcast_in_dim3A_136] : memref<64x8xi32, #tpu.memory_space<vmem>>[vector<16xi32>, vector<16xi32>], vector<16xi32>,
      %swap3A_141 = arith.constant 128 : index
      %swap3A_142 = tpu.vector_load %arg6[%swap3A_141] {strides = array<i32>} : memref<512xi32, #tpu.memory_space<vmem>>, vector<16xi32>,
      tpu.vector_store %arg6[%swap3A_141], %gather3A_140 {strides = array<i32>} : memref<512xi32, #tpu.memory_space<vmem>>, vector<16xi32>,
      %add3A_143 = arith.constant 16 : i32
      %add3A_144 = vector.broadcast %add3A_143 : i32 to vector<16xi32>
      %add3A_145 = arith.addi %iota3A, %add3A_144 : vector<16xi32>
      %gather3A_146 = tpu.vector_load_idx %arg5[%add3A_145, %broadcast_in_dim3A_136] : memref<64x8xi32, #tpu.memory_space<vmem>>[vector<16xi32>, vector<16xi32>], vector<16xi32>,
      %swap3A_147 = arith.constant 144 : index
      %swap3A_148 = tpu.vector_load %arg6[%swap3A_147] {strides = array<i32>} : memref<512xi32, #tpu.memory_space<vmem>>, vector<16xi32>,
      tpu.vector_store %arg6[%swap3A_147], %gather3A_146 {strides = array<i32>} : memref<512xi32, #tpu.memory_space<vmem>>, vector<16xi32>,
      %add3A_149 = arith.constant 32 : i32
      %add3A_150 = vector.broadcast %add3A_149 : i32 to vector<16xi32>
      %add3A_151 = arith.addi %iota3A, %add3A_150 : vector<16xi32>
      %gather3A_152 = tpu.vector_load_idx %arg5[%add3A_151, %broadcast_in_dim3A_136] : memref<64x8xi32, #tpu.memory_space<vmem>>[vector<16xi32>, vector<16xi32>], vector<16xi32>,
      %swap3A_153 = arith.constant 160 : index
      %swap3A_154 = tpu.vector_load %arg6[%swap3A_153] {strides = array<i32>} : memref<512xi32, #tpu.memory_space<vmem>>, vector<16xi32>,
      tpu.vector_store %arg6[%swap3A_153], %gather3A_152 {strides = array<i32>} : memref<512xi32, #tpu.memory_space<vmem>>, vector<16xi32>,
      %add3A_155 = arith.constant 48 : i32
      %add3A_156 = vector.broadcast %add3A_155 : i32 to vector<16xi32>
      %add3A_157 = arith.addi %iota3A, %add3A_156 : vector<16xi32>
      %gather3A_158 = tpu.vector_load_idx %arg5[%add3A_157, %broadcast_in_dim3A_136] : memref<64x8xi32, #tpu.memory_space<vmem>>[vector<16xi32>, vector<16xi32>], vector<16xi32>,
      %swap3A_159 = arith.constant 176 : index
      %swap3A_160 = tpu.vector_load %arg6[%swap3A_159] {strides = array<i32>} : memref<512xi32, #tpu.memory_space<vmem>>, vector<16xi32>,
      tpu.vector_store %arg6[%swap3A_159], %gather3A_158 {strides = array<i32>} : memref<512xi32, #tpu.memory_space<vmem>>, vector<16xi32>,
      %broadcast_in_dim3A_161 = arith.constant 3 : i32
      %broadcast_in_dim3A_162 = vector.broadcast %broadcast_in_dim3A_161 : i32 to vector<16xi32>
      %add3A_163 = arith.constant 0 : i32
      %add3A_164 = vector.broadcast %add3A_163 : i32 to vector<16xi32>
      %add3A_165 = arith.addi %iota3A, %add3A_164 : vector<16xi32>
      %gather3A_166 = tpu.vector_load_idx %arg5[%add3A_165, %broadcast_in_dim3A_162] : memref<64x8xi32, #tpu.memory_space<vmem>>[vector<16xi32>, vector<16xi32>], vector<16xi32>,
      %swap3A_167 = arith.constant 192 : index
      %swap3A_168 = tpu.vector_load %arg6[%swap3A_167] {strides = array<i32>} : memref<512xi32, #tpu.memory_space<vmem>>, vector<16xi32>,
      tpu.vector_store %arg6[%swap3A_167], %gather3A_166 {strides = array<i32>} : memref<512xi32, #tpu.memory_space<vmem>>, vector<16xi32>,
      %add3A_169 = arith.constant 16 : i32
      %add3A_170 = vector.broadcast %add3A_169 : i32 to vector<16xi32>
      %add3A_171 = arith.addi %iota3A, %add3A_170 : vector<16xi32>
      %gather3A_172 = tpu.vector_load_idx %arg5[%add3A_171, %broadcast_in_dim3A_162] : memref<64x8xi32, #tpu.memory_space<vmem>>[vector<16xi32>, vector<16xi32>], vector<16xi32>,
      %swap3A_173 = arith.constant 208 : index
      %swap3A_174 = tpu.vector_load %arg6[%swap3A_173] {strides = array<i32>} : memref<512xi32, #tpu.memory_space<vmem>>, vector<16xi32>,
      tpu.vector_store %arg6[%swap3A_173], %gather3A_172 {strides = array<i32>} : memref<512xi32, #tpu.memory_space<vmem>>, vector<16xi32>,
      %add3A_175 = arith.constant 32 : i32
      %add3A_176 = vector.broadcast %add3A_175 : i32 to vector<16xi32>
      %add3A_177 = arith.addi %iota3A, %add3A_176 : vector<16xi32>
      %gather3A_178 = tpu.vector_load_idx %arg5[%add3A_177, %broadcast_in_dim3A_162] : memref<64x8xi32, #tpu.memory_space<vmem>>[vector<16xi32>, vector<16xi32>], vector<16xi32>,
      %swap3A_179 = arith.constant 224 : index
      %swap3A_180 = tpu.vector_load %arg6[%swap3A_179] {strides = array<i32>} : memref<512xi32, #tpu.memory_space<vmem>>, vector<16xi32>,
      tpu.vector_store %arg6[%swap3A_179], %gather3A_178 {strides = array<i32>} : memref<512xi32, #tpu.memory_space<vmem>>, vector<16xi32>,
      %add3A_181 = arith.constant 48 : i32
      %add3A_182 = vector.broadcast %add3A_181 : i32 to vector<16xi32>
      %add3A_183 = arith.addi %iota3A, %add3A_182 : vector<16xi32>
      %gather3A_184 = tpu.vector_load_idx %arg5[%add3A_183, %broadcast_in_dim3A_162] : memref<64x8xi32, #tpu.memory_space<vmem>>[vector<16xi32>, vector<16xi32>], vector<16xi32>,
      %swap3A_185 = arith.constant 240 : index
      %swap3A_186 = tpu.vector_load %arg6[%swap3A_185] {strides = array<i32>} : memref<512xi32, #tpu.memory_space<vmem>>, vector<16xi32>,
      tpu.vector_store %arg6[%swap3A_185], %gather3A_184 {strides = array<i32>} : memref<512xi32, #tpu.memory_space<vmem>>, vector<16xi32>,
      %broadcast_in_dim3A_187 = arith.constant 4 : i32
      %broadcast_in_dim3A_188 = vector.broadcast %broadcast_in_dim3A_187 : i32 to vector<16xi32>
      %add3A_189 = arith.constant 0 : i32
      %add3A_190 = vector.broadcast %add3A_189 : i32 to vector<16xi32>
      %add3A_191 = arith.addi %iota3A, %add3A_190 : vector<16xi32>
      %gather3A_192 = tpu.vector_load_idx %arg5[%add3A_191, %broadcast_in_dim3A_188] : memref<64x8xi32, #tpu.memory_space<vmem>>[vector<16xi32>, vector<16xi32>], vector<16xi32>,
      %swap3A_193 = arith.constant 256 : index
      %swap3A_194 = tpu.vector_load %arg6[%swap3A_193] {strides = array<i32>} : memref<512xi32, #tpu.memory_space<vmem>>, vector<16xi32>,
      tpu.vector_store %arg6[%swap3A_193], %gather3A_192 {strides = array<i32>} : memref<512xi32, #tpu.memory_space<vmem>>, vector<16xi32>,
      %add3A_195 = arith.constant 16 : i32
      %add3A_196 = vector.broadcast %add3A_195 : i32 to vector<16xi32>
      %add3A_197 = arith.addi %iota3A, %add3A_196 : vector<16xi32>
      %gather3A_198 = tpu.vector_load_idx %arg5[%add3A_197, %broadcast_in_dim3A_188] : memref<64x8xi32, #tpu.memory_space<vmem>>[vector<16xi32>, vector<16xi32>], vector<16xi32>,
      %swap3A_199 = arith.constant 272 : index
      %swap3A_200 = tpu.vector_load %arg6[%swap3A_199] {strides = array<i32>} : memref<512xi32, #tpu.memory_space<vmem>>, vector<16xi32>,
      tpu.vector_store %arg6[%swap3A_199], %gather3A_198 {strides = array<i32>} : memref<512xi32, #tpu.memory_space<vmem>>, vector<16xi32>,
      %add3A_201 = arith.constant 32 : i32
      %add3A_202 = vector.broadcast %add3A_201 : i32 to vector<16xi32>
      %add3A_203 = arith.addi %iota3A, %add3A_202 : vector<16xi32>
      %gather3A_204 = tpu.vector_load_idx %arg5[%add3A_203, %broadcast_in_dim3A_188] : memref<64x8xi32, #tpu.memory_space<vmem>>[vector<16xi32>, vector<16xi32>], vector<16xi32>,
      %swap3A_205 = arith.constant 288 : index
      %swap3A_206 = tpu.vector_load %arg6[%swap3A_205] {strides = array<i32>} : memref<512xi32, #tpu.memory_space<vmem>>, vector<16xi32>,
      tpu.vector_store %arg6[%swap3A_205], %gather3A_204 {strides = array<i32>} : memref<512xi32, #tpu.memory_space<vmem>>, vector<16xi32>,
      %add3A_207 = arith.constant 48 : i32
      %add3A_208 = vector.broadcast %add3A_207 : i32 to vector<16xi32>
      %add3A_209 = arith.addi %iota3A, %add3A_208 : vector<16xi32>
      %gather3A_210 = tpu.vector_load_idx %arg5[%add3A_209, %broadcast_in_dim3A_188] : memref<64x8xi32, #tpu.memory_space<vmem>>[vector<16xi32>, vector<16xi32>], vector<16xi32>,
      %swap3A_211 = arith.constant 304 : index
      %swap3A_212 = tpu.vector_load %arg6[%swap3A_211] {strides = array<i32>} : memref<512xi32, #tpu.memory_space<vmem>>, vector<16xi32>,
      tpu.vector_store %arg6[%swap3A_211], %gather3A_210 {strides = array<i32>} : memref<512xi32, #tpu.memory_space<vmem>>, vector<16xi32>,
      %broadcast_in_dim3A_213 = arith.constant 5 : i32
      %broadcast_in_dim3A_214 = vector.broadcast %broadcast_in_dim3A_213 : i32 to vector<16xi32>
      %add3A_215 = arith.constant 0 : i32
      %add3A_216 = vector.broadcast %add3A_215 : i32 to vector<16xi32>
      %add3A_217 = arith.addi %iota3A, %add3A_216 : vector<16xi32>
      %gather3A_218 = tpu.vector_load_idx %arg5[%add3A_217, %broadcast_in_dim3A_214] : memref<64x8xi32, #tpu.memory_space<vmem>>[vector<16xi32>, vector<16xi32>], vector<16xi32>,
      %swap3A_219 = arith.constant 320 : index
      %swap3A_220 = tpu.vector_load %arg6[%swap3A_219] {strides = array<i32>} : memref<512xi32, #tpu.memory_space<vmem>>, vector<16xi32>,
      tpu.vector_store %arg6[%swap3A_219], %gather3A_218 {strides = array<i32>} : memref<512xi32, #tpu.memory_space<vmem>>, vector<16xi32>,
      %add3A_221 = arith.constant 16 : i32
      %add3A_222 = vector.broadcast %add3A_221 : i32 to vector<16xi32>
      %add3A_223 = arith.addi %iota3A, %add3A_222 : vector<16xi32>
      %gather3A_224 = tpu.vector_load_idx %arg5[%add3A_223, %broadcast_in_dim3A_214] : memref<64x8xi32, #tpu.memory_space<vmem>>[vector<16xi32>, vector<16xi32>], vector<16xi32>,
      %swap3A_225 = arith.constant 336 : index
      %swap3A_226 = tpu.vector_load %arg6[%swap3A_225] {strides = array<i32>} : memref<512xi32, #tpu.memory_space<vmem>>, vector<16xi32>,
      tpu.vector_store %arg6[%swap3A_225], %gather3A_224 {strides = array<i32>} : memref<512xi32, #tpu.memory_space<vmem>>, vector<16xi32>,
      %add3A_227 = arith.constant 32 : i32
      %add3A_228 = vector.broadcast %add3A_227 : i32 to vector<16xi32>
      %add3A_229 = arith.addi %iota3A, %add3A_228 : vector<16xi32>
      %gather3A_230 = tpu.vector_load_idx %arg5[%add3A_229, %broadcast_in_dim3A_214] : memref<64x8xi32, #tpu.memory_space<vmem>>[vector<16xi32>, vector<16xi32>], vector<16xi32>,
      %swap3A_231 = arith.constant 352 : index
      %swap3A_232 = tpu.vector_load %arg6[%swap3A_231] {strides = array<i32>} : memref<512xi32, #tpu.memory_space<vmem>>, vector<16xi32>,
      tpu.vector_store %arg6[%swap3A_231], %gather3A_230 {strides = array<i32>} : memref<512xi32, #tpu.memory_space<vmem>>, vector<16xi32>,
      %add3A_233 = arith.constant 48 : i32
      %add3A_234 = vector.broadcast %add3A_233 : i32 to vector<16xi32>
      %add3A_235 = arith.addi %iota3A, %add3A_234 : vector<16xi32>
      %gather3A_236 = tpu.vector_load_idx %arg5[%add3A_235, %broadcast_in_dim3A_214] : memref<64x8xi32, #tpu.memory_space<vmem>>[vector<16xi32>, vector<16xi32>], vector<16xi32>,
      %swap3A_237 = arith.constant 368 : index
      %swap3A_238 = tpu.vector_load %arg6[%swap3A_237] {strides = array<i32>} : memref<512xi32, #tpu.memory_space<vmem>>, vector<16xi32>,
      tpu.vector_store %arg6[%swap3A_237], %gather3A_236 {strides = array<i32>} : memref<512xi32, #tpu.memory_space<vmem>>, vector<16xi32>,
      %broadcast_in_dim3A_239 = arith.constant 6 : i32
      %broadcast_in_dim3A_240 = vector.broadcast %broadcast_in_dim3A_239 : i32 to vector<16xi32>
      %add3A_241 = arith.constant 0 : i32
      %add3A_242 = vector.broadcast %add3A_241 : i32 to vector<16xi32>
      %add3A_243 = arith.addi %iota3A, %add3A_242 : vector<16xi32>
      %gather3A_244 = tpu.vector_load_idx %arg5[%add3A_243, %broadcast_in_dim3A_240] : memref<64x8xi32, #tpu.memory_space<vmem>>[vector<16xi32>, vector<16xi32>], vector<16xi32>,
      %swap3A_245 = arith.constant 384 : index
      %swap3A_246 = tpu.vector_load %arg6[%swap3A_245] {strides = array<i32>} : memref<512xi32, #tpu.memory_space<vmem>>, vector<16xi32>,
      tpu.vector_store %arg6[%swap3A_245], %gather3A_244 {strides = array<i32>} : memref<512xi32, #tpu.memory_space<vmem>>, vector<16xi32>,
      %add3A_247 = arith.constant 16 : i32
      %add3A_248 = vector.broadcast %add3A_247 : i32 to vector<16xi32>
      %add3A_249 = arith.addi %iota3A, %add3A_248 : vector<16xi32>
      %gather3A_250 = tpu.vector_load_idx %arg5[%add3A_249, %broadcast_in_dim3A_240] : memref<64x8xi32, #tpu.memory_space<vmem>>[vector<16xi32>, vector<16xi32>], vector<16xi32>,
      %swap3A_251 = arith.constant 400 : index
      %swap3A_252 = tpu.vector_load %arg6[%swap3A_251] {strides = array<i32>} : memref<512xi32, #tpu.memory_space<vmem>>, vector<16xi32>,
      tpu.vector_store %arg6[%swap3A_251], %gather3A_250 {strides = array<i32>} : memref<512xi32, #tpu.memory_space<vmem>>, vector<16xi32>,
      %add3A_253 = arith.constant 32 : i32
      %add3A_254 = vector.broadcast %add3A_253 : i32 to vector<16xi32>
      %add3A_255 = arith.addi %iota3A, %add3A_254 : vector<16xi32>
      %gather3A_256 = tpu.vector_load_idx %arg5[%add3A_255, %broadcast_in_dim3A_240] : memref<64x8xi32, #tpu.memory_space<vmem>>[vector<16xi32>, vector<16xi32>], vector<16xi32>,
      %swap3A_257 = arith.constant 416 : index
      %swap3A_258 = tpu.vector_load %arg6[%swap3A_257] {strides = array<i32>} : memref<512xi32, #tpu.memory_space<vmem>>, vector<16xi32>,
      tpu.vector_store %arg6[%swap3A_257], %gather3A_256 {strides = array<i32>} : memref<512xi32, #tpu.memory_space<vmem>>, vector<16xi32>,
      %add3A_259 = arith.constant 48 : i32
      %add3A_260 = vector.broadcast %add3A_259 : i32 to vector<16xi32>
      %add3A_261 = arith.addi %iota3A, %add3A_260 : vector<16xi32>
      %gather3A_262 = tpu.vector_load_idx %arg5[%add3A_261, %broadcast_in_dim3A_240] : memref<64x8xi32, #tpu.memory_space<vmem>>[vector<16xi32>, vector<16xi32>], vector<16xi32>,
      %swap3A_263 = arith.constant 432 : index
      %swap3A_264 = tpu.vector_load %arg6[%swap3A_263] {strides = array<i32>} : memref<512xi32, #tpu.memory_space<vmem>>, vector<16xi32>,
      tpu.vector_store %arg6[%swap3A_263], %gather3A_262 {strides = array<i32>} : memref<512xi32, #tpu.memory_space<vmem>>, vector<16xi32>,
      %broadcast_in_dim3A_265 = arith.constant 7 : i32
      %broadcast_in_dim3A_266 = vector.broadcast %broadcast_in_dim3A_265 : i32 to vector<16xi32>
      %add3A_267 = arith.constant 0 : i32
      %add3A_268 = vector.broadcast %add3A_267 : i32 to vector<16xi32>
      %add3A_269 = arith.addi %iota3A, %add3A_268 : vector<16xi32>
      %gather3A_270 = tpu.vector_load_idx %arg5[%add3A_269, %broadcast_in_dim3A_266] : memref<64x8xi32, #tpu.memory_space<vmem>>[vector<16xi32>, vector<16xi32>], vector<16xi32>,
      %swap3A_271 = arith.constant 448 : index
      %swap3A_272 = tpu.vector_load %arg6[%swap3A_271] {strides = array<i32>} : memref<512xi32, #tpu.memory_space<vmem>>, vector<16xi32>,
      tpu.vector_store %arg6[%swap3A_271], %gather3A_270 {strides = array<i32>} : memref<512xi32, #tpu.memory_space<vmem>>, vector<16xi32>,
      %add3A_273 = arith.constant 16 : i32
      %add3A_274 = vector.broadcast %add3A_273 : i32 to vector<16xi32>
      %add3A_275 = arith.addi %iota3A, %add3A_274 : vector<16xi32>
      %gather3A_276 = tpu.vector_load_idx %arg5[%add3A_275, %broadcast_in_dim3A_266] : memref<64x8xi32, #tpu.memory_space<vmem>>[vector<16xi32>, vector<16xi32>], vector<16xi32>,
      %swap3A_277 = arith.constant 464 : index
      %swap3A_278 = tpu.vector_load %arg6[%swap3A_277] {strides = array<i32>} : memref<512xi32, #tpu.memory_space<vmem>>, vector<16xi32>,
      tpu.vector_store %arg6[%swap3A_277], %gather3A_276 {strides = array<i32>} : memref<512xi32, #tpu.memory_space<vmem>>, vector<16xi32>,
      %add3A_279 = arith.constant 32 : i32
      %add3A_280 = vector.broadcast %add3A_279 : i32 to vector<16xi32>
      %add3A_281 = arith.addi %iota3A, %add3A_280 : vector<16xi32>
      %gather3A_282 = tpu.vector_load_idx %arg5[%add3A_281, %broadcast_in_dim3A_266] : memref<64x8xi32, #tpu.memory_space<vmem>>[vector<16xi32>, vector<16xi32>], vector<16xi32>,
      %swap3A_283 = arith.constant 480 : index
      %swap3A_284 = tpu.vector_load %arg6[%swap3A_283] {strides = array<i32>} : memref<512xi32, #tpu.memory_space<vmem>>, vector<16xi32>,
      tpu.vector_store %arg6[%swap3A_283], %gather3A_282 {strides = array<i32>} : memref<512xi32, #tpu.memory_space<vmem>>, vector<16xi32>,
      %add3A_285 = arith.constant 48 : i32
      %add3A_286 = vector.broadcast %add3A_285 : i32 to vector<16xi32>
      %add3A_287 = arith.addi %iota3A, %add3A_286 : vector<16xi32>
      %gather3A_288 = tpu.vector_load_idx %arg5[%add3A_287, %broadcast_in_dim3A_266] : memref<64x8xi32, #tpu.memory_space<vmem>>[vector<16xi32>, vector<16xi32>], vector<16xi32>,
      %swap3A_289 = arith.constant 496 : index
      %swap3A_290 = tpu.vector_load %arg6[%swap3A_289] {strides = array<i32>} : memref<512xi32, #tpu.memory_space<vmem>>, vector<16xi32>,
      tpu.vector_store %arg6[%swap3A_289], %gather3A_288 {strides = array<i32>} : memref<512xi32, #tpu.memory_space<vmem>>, vector<16xi32>,
      %dma_start3A = arith.constant 0 : i32
      %dma_start3A_291 = arith.constant 0 : i32
      %dma_start3A_292 = arith.constant 0 : i32
      %dma_start3A_293 = tpu.memref_slice %arg7[%dma_start3A, %dma_start3A_291, %dma_start3A_292] : memref<8x64x32xf32, #tpu.memory_space<vmem>> -> memref<1x64x32xf32, #tpu.memory_space<vmem>>
      %dma_start3A_294 = tpu.memref_squeeze %dma_start3A_293 : memref<1x64x32xf32, #tpu.memory_space<vmem>> -> memref<64x32xf32, #tpu.memory_space<vmem>>
      %dma_start3A_295 = arith.constant 0 : i32
      %dma_start3A_296 = tpu.memref_slice %arg6[%dma_start3A_295] : memref<512xi32, #tpu.memory_space<vmem>> -> memref<64xi32, #tpu.memory_space<vmem>>
      %dma_start3A_297 = arith.constant 0 : i32
      %dma_start3A_298 = arith.constant 0 : i32
      %dma_start3A_299 = tpu.memref_slice %arg2[%dma_start3A_297, %dma_start3A_298] : memref<1000000x32xf32, #tpu.memory_space<hbm>> -> memref<1000000x32xf32, #tpu.memory_space<hbm>>
      tpu.enqueue_indirect_dma source(%dma_start3A_299 : memref<1000000x32xf32, #tpu.memory_space<hbm>>) target(%dma_start3A_294 : memref<64x32xf32, #tpu.memory_space<vmem>>) offsets(%dma_start3A_296 : memref<64xi32, #tpu.memory_space<vmem>>) semaphore(%arg8 : memref<!tpu.dma_semaphore, #tpu.memory_space<semaphore_mem>>)
      %dma_start3A_300 = arith.constant 1 : i32
      %dma_start3A_301 = arith.constant 0 : i32
      %dma_start3A_302 = arith.constant 0 : i32
      %dma_start3A_303 = tpu.memref_slice %arg7[%dma_start3A_300, %dma_start3A_301, %dma_start3A_302] : memref<8x64x32xf32, #tpu.memory_space<vmem>> -> memref<1x64x32xf32, #tpu.memory_space<vmem>>
      %dma_start3A_304 = tpu.memref_squeeze %dma_start3A_303 : memref<1x64x32xf32, #tpu.memory_space<vmem>> -> memref<64x32xf32, #tpu.memory_space<vmem>>
      %dma_start3A_305 = arith.constant 64 : i32
      %dma_start3A_306 = tpu.memref_slice %arg6[%dma_start3A_305] : memref<512xi32, #tpu.memory_space<vmem>> -> memref<64xi32, #tpu.memory_space<vmem>>
      %dma_start3A_307 = arith.constant 0 : i32
      %dma_start3A_308 = arith.constant 0 : i32
      %dma_start3A_309 = tpu.memref_slice %arg2[%dma_start3A_307, %dma_start3A_308] : memref<1000000x32xf32, #tpu.memory_space<hbm>> -> memref<1000000x32xf32, #tpu.memory_space<hbm>>
      tpu.enqueue_indirect_dma source(%dma_start3A_309 : memref<1000000x32xf32, #tpu.memory_space<hbm>>) target(%dma_start3A_304 : memref<64x32xf32, #tpu.memory_space<vmem>>) offsets(%dma_start3A_306 : memref<64xi32, #tpu.memory_space<vmem>>) semaphore(%arg8 : memref<!tpu.dma_semaphore, #tpu.memory_space<semaphore_mem>>)
      %dma_start3A_310 = arith.constant 2 : i32
      %dma_start3A_311 = arith.constant 0 : i32
      %dma_start3A_312 = arith.constant 0 : i32
      %dma_start3A_313 = tpu.memref_slice %arg7[%dma_start3A_310, %dma_start3A_311, %dma_start3A_312] : memref<8x64x32xf32, #tpu.memory_space<vmem>> -> memref<1x64x32xf32, #tpu.memory_space<vmem>>
      %dma_start3A_314 = tpu.memref_squeeze %dma_start3A_313 : memref<1x64x32xf32, #tpu.memory_space<vmem>> -> memref<64x32xf32, #tpu.memory_space<vmem>>
      %dma_start3A_315 = arith.constant 128 : i32
      %dma_start3A_316 = tpu.memref_slice %arg6[%dma_start3A_315] : memref<512xi32, #tpu.memory_space<vmem>> -> memref<64xi32, #tpu.memory_space<vmem>>
      %dma_start3A_317 = arith.constant 0 : i32
      %dma_start3A_318 = arith.constant 0 : i32
      %dma_start3A_319 = tpu.memref_slice %arg2[%dma_start3A_317, %dma_start3A_318] : memref<1000000x32xf32, #tpu.memory_space<hbm>> -> memref<1000000x32xf32, #tpu.memory_space<hbm>>
      tpu.enqueue_indirect_dma source(%dma_start3A_319 : memref<1000000x32xf32, #tpu.memory_space<hbm>>) target(%dma_start3A_314 : memref<64x32xf32, #tpu.memory_space<vmem>>) offsets(%dma_start3A_316 : memref<64xi32, #tpu.memory_space<vmem>>) semaphore(%arg8 : memref<!tpu.dma_semaphore, #tpu.memory_space<semaphore_mem>>)
      %dma_start3A_320 = arith.constant 3 : i32
      %dma_start3A_321 = arith.constant 0 : i32
      %dma_start3A_322 = arith.constant 0 : i32
      %dma_start3A_323 = tpu.memref_slice %arg7[%dma_start3A_320, %dma_start3A_321, %dma_start3A_322] : memref<8x64x32xf32, #tpu.memory_space<vmem>> -> memref<1x64x32xf32, #tpu.memory_space<vmem>>
      %dma_start3A_324 = tpu.memref_squeeze %dma_start3A_323 : memref<1x64x32xf32, #tpu.memory_space<vmem>> -> memref<64x32xf32, #tpu.memory_space<vmem>>
      %dma_start3A_325 = arith.constant 192 : i32
      %dma_start3A_326 = tpu.memref_slice %arg6[%dma_start3A_325] : memref<512xi32, #tpu.memory_space<vmem>> -> memref<64xi32, #tpu.memory_space<vmem>>
      %dma_start3A_327 = arith.constant 0 : i32
      %dma_start3A_328 = arith.constant 0 : i32
      %dma_start3A_329 = tpu.memref_slice %arg2[%dma_start3A_327, %dma_start3A_328] : memref<1000000x32xf32, #tpu.memory_space<hbm>> -> memref<1000000x32xf32, #tpu.memory_space<hbm>>
      tpu.enqueue_indirect_dma source(%dma_start3A_329 : memref<1000000x32xf32, #tpu.memory_space<hbm>>) target(%dma_start3A_324 : memref<64x32xf32, #tpu.memory_space<vmem>>) offsets(%dma_start3A_326 : memref<64xi32, #tpu.memory_space<vmem>>) semaphore(%arg8 : memref<!tpu.dma_semaphore, #tpu.memory_space<semaphore_mem>>)
      %dma_start3A_330 = arith.constant 4 : i32
      %dma_start3A_331 = arith.constant 0 : i32
      %dma_start3A_332 = arith.constant 0 : i32
      %dma_start3A_333 = tpu.memref_slice %arg7[%dma_start3A_330, %dma_start3A_331, %dma_start3A_332] : memref<8x64x32xf32, #tpu.memory_space<vmem>> -> memref<1x64x32xf32, #tpu.memory_space<vmem>>
      %dma_start3A_334 = tpu.memref_squeeze %dma_start3A_333 : memref<1x64x32xf32, #tpu.memory_space<vmem>> -> memref<64x32xf32, #tpu.memory_space<vmem>>
      %dma_start3A_335 = arith.constant 256 : i32
      %dma_start3A_336 = tpu.memref_slice %arg6[%dma_start3A_335] : memref<512xi32, #tpu.memory_space<vmem>> -> memref<64xi32, #tpu.memory_space<vmem>>
      %dma_start3A_337 = arith.constant 0 : i32
      %dma_start3A_338 = arith.constant 0 : i32
      %dma_start3A_339 = tpu.memref_slice %arg2[%dma_start3A_337, %dma_start3A_338] : memref<1000000x32xf32, #tpu.memory_space<hbm>> -> memref<1000000x32xf32, #tpu.memory_space<hbm>>
      tpu.enqueue_indirect_dma source(%dma_start3A_339 : memref<1000000x32xf32, #tpu.memory_space<hbm>>) target(%dma_start3A_334 : memref<64x32xf32, #tpu.memory_space<vmem>>) offsets(%dma_start3A_336 : memref<64xi32, #tpu.memory_space<vmem>>) semaphore(%arg8 : memref<!tpu.dma_semaphore, #tpu.memory_space<semaphore_mem>>)
      %dma_start3A_340 = arith.constant 5 : i32
      %dma_start3A_341 = arith.constant 0 : i32
      %dma_start3A_342 = arith.constant 0 : i32
      %dma_start3A_343 = tpu.memref_slice %arg7[%dma_start3A_340, %dma_start3A_341, %dma_start3A_342] : memref<8x64x32xf32, #tpu.memory_space<vmem>> -> memref<1x64x32xf32, #tpu.memory_space<vmem>>
      %dma_start3A_344 = tpu.memref_squeeze %dma_start3A_343 : memref<1x64x32xf32, #tpu.memory_space<vmem>> -> memref<64x32xf32, #tpu.memory_space<vmem>>
      %dma_start3A_345 = arith.constant 320 : i32
      %dma_start3A_346 = tpu.memref_slice %arg6[%dma_start3A_345] : memref<512xi32, #tpu.memory_space<vmem>> -> memref<64xi32, #tpu.memory_space<vmem>>
      %dma_start3A_347 = arith.constant 0 : i32
      %dma_start3A_348 = arith.constant 0 : i32
      %dma_start3A_349 = tpu.memref_slice %arg2[%dma_start3A_347, %dma_start3A_348] : memref<1000000x32xf32, #tpu.memory_space<hbm>> -> memref<1000000x32xf32, #tpu.memory_space<hbm>>
      tpu.enqueue_indirect_dma source(%dma_start3A_349 : memref<1000000x32xf32, #tpu.memory_space<hbm>>) target(%dma_start3A_344 : memref<64x32xf32, #tpu.memory_space<vmem>>) offsets(%dma_start3A_346 : memref<64xi32, #tpu.memory_space<vmem>>) semaphore(%arg8 : memref<!tpu.dma_semaphore, #tpu.memory_space<semaphore_mem>>)
      %dma_start3A_350 = arith.constant 6 : i32
      %dma_start3A_351 = arith.constant 0 : i32
      %dma_start3A_352 = arith.constant 0 : i32
      %dma_start3A_353 = tpu.memref_slice %arg7[%dma_start3A_350, %dma_start3A_351, %dma_start3A_352] : memref<8x64x32xf32, #tpu.memory_space<vmem>> -> memref<1x64x32xf32, #tpu.memory_space<vmem>>
      %dma_start3A_354 = tpu.memref_squeeze %dma_start3A_353 : memref<1x64x32xf32, #tpu.memory_space<vmem>> -> memref<64x32xf32, #tpu.memory_space<vmem>>
      %dma_start3A_355 = arith.constant 384 : i32
      %dma_start3A_356 = tpu.memref_slice %arg6[%dma_start3A_355] : memref<512xi32, #tpu.memory_space<vmem>> -> memref<64xi32, #tpu.memory_space<vmem>>
      %dma_start3A_357 = arith.constant 0 : i32
      %dma_start3A_358 = arith.constant 0 : i32
      %dma_start3A_359 = tpu.memref_slice %arg2[%dma_start3A_357, %dma_start3A_358] : memref<1000000x32xf32, #tpu.memory_space<hbm>> -> memref<1000000x32xf32, #tpu.memory_space<hbm>>
      tpu.enqueue_indirect_dma source(%dma_start3A_359 : memref<1000000x32xf32, #tpu.memory_space<hbm>>) target(%dma_start3A_354 : memref<64x32xf32, #tpu.memory_space<vmem>>) offsets(%dma_start3A_356 : memref<64xi32, #tpu.memory_space<vmem>>) semaphore(%arg8 : memref<!tpu.dma_semaphore, #tpu.memory_space<semaphore_mem>>)
      %dma_start3A_360 = arith.constant 7 : i32
      %dma_start3A_361 = arith.constant 0 : i32
      %dma_start3A_362 = arith.constant 0 : i32
      %dma_start3A_363 = tpu.memref_slice %arg7[%dma_start3A_360, %dma_start3A_361, %dma_start3A_362] : memref<8x64x32xf32, #tpu.memory_space<vmem>> -> memref<1x64x32xf32, #tpu.memory_space<vmem>>
      %dma_start3A_364 = tpu.memref_squeeze %dma_start3A_363 : memref<1x64x32xf32, #tpu.memory_space<vmem>> -> memref<64x32xf32, #tpu.memory_space<vmem>>
      %dma_start3A_365 = arith.constant 448 : i32
      %dma_start3A_366 = tpu.memref_slice %arg6[%dma_start3A_365] : memref<512xi32, #tpu.memory_space<vmem>> -> memref<64xi32, #tpu.memory_space<vmem>>
      %dma_start3A_367 = arith.constant 0 : i32
      %dma_start3A_368 = arith.constant 0 : i32
      %dma_start3A_369 = tpu.memref_slice %arg2[%dma_start3A_367, %dma_start3A_368] : memref<1000000x32xf32, #tpu.memory_space<hbm>> -> memref<1000000x32xf32, #tpu.memory_space<hbm>>
      tpu.enqueue_indirect_dma source(%dma_start3A_369 : memref<1000000x32xf32, #tpu.memory_space<hbm>>) target(%dma_start3A_364 : memref<64x32xf32, #tpu.memory_space<vmem>>) offsets(%dma_start3A_366 : memref<64xi32, #tpu.memory_space<vmem>>) semaphore(%arg8 : memref<!tpu.dma_semaphore, #tpu.memory_space<semaphore_mem>>)
      %dma_wait3A = arith.constant 0 : i32
      %dma_wait3A_370 = arith.constant 0 : i32
      %dma_wait3A_371 = arith.constant 0 : i32
      %dma_wait3A_372 = tpu.memref_slice %arg7[%dma_wait3A, %dma_wait3A_370, %dma_wait3A_371] : memref<8x64x32xf32, #tpu.memory_space<vmem>> -> memref<1x64x32xf32, #tpu.memory_space<vmem>>
      %dma_wait3A_373 = tpu.memref_squeeze %dma_wait3A_372 : memref<1x64x32xf32, #tpu.memory_space<vmem>> -> memref<64x32xf32, #tpu.memory_space<vmem>>
      %dma_wait3A_374 = arith.constant 0 : i32
      %dma_wait3A_375 = tpu.memref_slice %arg6[%dma_wait3A_374] : memref<512xi32, #tpu.memory_space<vmem>> -> memref<64xi32, #tpu.memory_space<vmem>>
      %dma_wait3A_376 = arith.constant 0 : i32
      %dma_wait3A_377 = arith.constant 0 : i32
      %dma_wait3A_378 = tpu.memref_slice %arg2[%dma_wait3A_376, %dma_wait3A_377] : memref<1000000x32xf32, #tpu.memory_space<hbm>> -> memref<1000000x32xf32, #tpu.memory_space<hbm>>
      tpu.wait_indirect_dma semaphore(%arg8 : memref<!tpu.dma_semaphore, #tpu.memory_space<semaphore_mem>>) src(%dma_wait3A_378 : memref<1000000x32xf32, #tpu.memory_space<hbm>>) dst(%dma_wait3A_373 : memref<64x32xf32, #tpu.memory_space<vmem>>)
      %dma_wait3A_379 = arith.constant 1 : i32
      %dma_wait3A_380 = arith.constant 0 : i32
      %dma_wait3A_381 = arith.constant 0 : i32
      %dma_wait3A_382 = tpu.memref_slice %arg7[%dma_wait3A_379, %dma_wait3A_380, %dma_wait3A_381] : memref<8x64x32xf32, #tpu.memory_space<vmem>> -> memref<1x64x32xf32, #tpu.memory_space<vmem>>
      %dma_wait3A_383 = tpu.memref_squeeze %dma_wait3A_382 : memref<1x64x32xf32, #tpu.memory_space<vmem>> -> memref<64x32xf32, #tpu.memory_space<vmem>>
      %dma_wait3A_384 = arith.constant 64 : i32
      %dma_wait3A_385 = tpu.memref_slice %arg6[%dma_wait3A_384] : memref<512xi32, #tpu.memory_space<vmem>> -> memref<64xi32, #tpu.memory_space<vmem>>
      %dma_wait3A_386 = arith.constant 0 : i32
      %dma_wait3A_387 = arith.constant 0 : i32
      %dma_wait3A_388 = tpu.memref_slice %arg2[%dma_wait3A_386, %dma_wait3A_387] : memref<1000000x32xf32, #tpu.memory_space<hbm>> -> memref<1000000x32xf32, #tpu.memory_space<hbm>>
      tpu.wait_indirect_dma semaphore(%arg8 : memref<!tpu.dma_semaphore, #tpu.memory_space<semaphore_mem>>) src(%dma_wait3A_388 : memref<1000000x32xf32, #tpu.memory_space<hbm>>) dst(%dma_wait3A_383 : memref<64x32xf32, #tpu.memory_space<vmem>>)
      %dma_wait3A_389 = arith.constant 2 : i32
      %dma_wait3A_390 = arith.constant 0 : i32
      %dma_wait3A_391 = arith.constant 0 : i32
      %dma_wait3A_392 = tpu.memref_slice %arg7[%dma_wait3A_389, %dma_wait3A_390, %dma_wait3A_391] : memref<8x64x32xf32, #tpu.memory_space<vmem>> -> memref<1x64x32xf32, #tpu.memory_space<vmem>>
      %dma_wait3A_393 = tpu.memref_squeeze %dma_wait3A_392 : memref<1x64x32xf32, #tpu.memory_space<vmem>> -> memref<64x32xf32, #tpu.memory_space<vmem>>
      %dma_wait3A_394 = arith.constant 128 : i32
      %dma_wait3A_395 = tpu.memref_slice %arg6[%dma_wait3A_394] : memref<512xi32, #tpu.memory_space<vmem>> -> memref<64xi32, #tpu.memory_space<vmem>>
      %dma_wait3A_396 = arith.constant 0 : i32
      %dma_wait3A_397 = arith.constant 0 : i32
      %dma_wait3A_398 = tpu.memref_slice %arg2[%dma_wait3A_396, %dma_wait3A_397] : memref<1000000x32xf32, #tpu.memory_space<hbm>> -> memref<1000000x32xf32, #tpu.memory_space<hbm>>
      tpu.wait_indirect_dma semaphore(%arg8 : memref<!tpu.dma_semaphore, #tpu.memory_space<semaphore_mem>>) src(%dma_wait3A_398 : memref<1000000x32xf32, #tpu.memory_space<hbm>>) dst(%dma_wait3A_393 : memref<64x32xf32, #tpu.memory_space<vmem>>)
      %dma_wait3A_399 = arith.constant 3 : i32
      %dma_wait3A_400 = arith.constant 0 : i32
      %dma_wait3A_401 = arith.constant 0 : i32
      %dma_wait3A_402 = tpu.memref_slice %arg7[%dma_wait3A_399, %dma_wait3A_400, %dma_wait3A_401] : memref<8x64x32xf32, #tpu.memory_space<vmem>> -> memref<1x64x32xf32, #tpu.memory_space<vmem>>
      %dma_wait3A_403 = tpu.memref_squeeze %dma_wait3A_402 : memref<1x64x32xf32, #tpu.memory_space<vmem>> -> memref<64x32xf32, #tpu.memory_space<vmem>>
      %dma_wait3A_404 = arith.constant 192 : i32
      %dma_wait3A_405 = tpu.memref_slice %arg6[%dma_wait3A_404] : memref<512xi32, #tpu.memory_space<vmem>> -> memref<64xi32, #tpu.memory_space<vmem>>
      %dma_wait3A_406 = arith.constant 0 : i32
      %dma_wait3A_407 = arith.constant 0 : i32
      %dma_wait3A_408 = tpu.memref_slice %arg2[%dma_wait3A_406, %dma_wait3A_407] : memref<1000000x32xf32, #tpu.memory_space<hbm>> -> memref<1000000x32xf32, #tpu.memory_space<hbm>>
      tpu.wait_indirect_dma semaphore(%arg8 : memref<!tpu.dma_semaphore, #tpu.memory_space<semaphore_mem>>) src(%dma_wait3A_408 : memref<1000000x32xf32, #tpu.memory_space<hbm>>) dst(%dma_wait3A_403 : memref<64x32xf32, #tpu.memory_space<vmem>>)
      %dma_wait3A_409 = arith.constant 4 : i32
      %dma_wait3A_410 = arith.constant 0 : i32
      %dma_wait3A_411 = arith.constant 0 : i32
      %dma_wait3A_412 = tpu.memref_slice %arg7[%dma_wait3A_409, %dma_wait3A_410, %dma_wait3A_411] : memref<8x64x32xf32, #tpu.memory_space<vmem>> -> memref<1x64x32xf32, #tpu.memory_space<vmem>>
      %dma_wait3A_413 = tpu.memref_squeeze %dma_wait3A_412 : memref<1x64x32xf32, #tpu.memory_space<vmem>> -> memref<64x32xf32, #tpu.memory_space<vmem>>
      %dma_wait3A_414 = arith.constant 256 : i32
      %dma_wait3A_415 = tpu.memref_slice %arg6[%dma_wait3A_414] : memref<512xi32, #tpu.memory_space<vmem>> -> memref<64xi32, #tpu.memory_space<vmem>>
      %dma_wait3A_416 = arith.constant 0 : i32
      %dma_wait3A_417 = arith.constant 0 : i32
      %dma_wait3A_418 = tpu.memref_slice %arg2[%dma_wait3A_416, %dma_wait3A_417] : memref<1000000x32xf32, #tpu.memory_space<hbm>> -> memref<1000000x32xf32, #tpu.memory_space<hbm>>
      tpu.wait_indirect_dma semaphore(%arg8 : memref<!tpu.dma_semaphore, #tpu.memory_space<semaphore_mem>>) src(%dma_wait3A_418 : memref<1000000x32xf32, #tpu.memory_space<hbm>>) dst(%dma_wait3A_413 : memref<64x32xf32, #tpu.memory_space<vmem>>)
      %dma_wait3A_419 = arith.constant 5 : i32
      %dma_wait3A_420 = arith.constant 0 : i32
      %dma_wait3A_421 = arith.constant 0 : i32
      %dma_wait3A_422 = tpu.memref_slice %arg7[%dma_wait3A_419, %dma_wait3A_420, %dma_wait3A_421] : memref<8x64x32xf32, #tpu.memory_space<vmem>> -> memref<1x64x32xf32, #tpu.memory_space<vmem>>
      %dma_wait3A_423 = tpu.memref_squeeze %dma_wait3A_422 : memref<1x64x32xf32, #tpu.memory_space<vmem>> -> memref<64x32xf32, #tpu.memory_space<vmem>>
      %dma_wait3A_424 = arith.constant 320 : i32
      %dma_wait3A_425 = tpu.memref_slice %arg6[%dma_wait3A_424] : memref<512xi32, #tpu.memory_space<vmem>> -> memref<64xi32, #tpu.memory_space<vmem>>
      %dma_wait3A_426 = arith.constant 0 : i32
      %dma_wait3A_427 = arith.constant 0 : i32
      %dma_wait3A_428 = tpu.memref_slice %arg2[%dma_wait3A_426, %dma_wait3A_427] : memref<1000000x32xf32, #tpu.memory_space<hbm>> -> memref<1000000x32xf32, #tpu.memory_space<hbm>>
      tpu.wait_indirect_dma semaphore(%arg8 : memref<!tpu.dma_semaphore, #tpu.memory_space<semaphore_mem>>) src(%dma_wait3A_428 : memref<1000000x32xf32, #tpu.memory_space<hbm>>) dst(%dma_wait3A_423 : memref<64x32xf32, #tpu.memory_space<vmem>>)
      %dma_wait3A_429 = arith.constant 6 : i32
      %dma_wait3A_430 = arith.constant 0 : i32
      %dma_wait3A_431 = arith.constant 0 : i32
      %dma_wait3A_432 = tpu.memref_slice %arg7[%dma_wait3A_429, %dma_wait3A_430, %dma_wait3A_431] : memref<8x64x32xf32, #tpu.memory_space<vmem>> -> memref<1x64x32xf32, #tpu.memory_space<vmem>>
      %dma_wait3A_433 = tpu.memref_squeeze %dma_wait3A_432 : memref<1x64x32xf32, #tpu.memory_space<vmem>> -> memref<64x32xf32, #tpu.memory_space<vmem>>
      %dma_wait3A_434 = arith.constant 384 : i32
      %dma_wait3A_435 = tpu.memref_slice %arg6[%dma_wait3A_434] : memref<512xi32, #tpu.memory_space<vmem>> -> memref<64xi32, #tpu.memory_space<vmem>>
      %dma_wait3A_436 = arith.constant 0 : i32
      %dma_wait3A_437 = arith.constant 0 : i32
      %dma_wait3A_438 = tpu.memref_slice %arg2[%dma_wait3A_436, %dma_wait3A_437] : memref<1000000x32xf32, #tpu.memory_space<hbm>> -> memref<1000000x32xf32, #tpu.memory_space<hbm>>
      tpu.wait_indirect_dma semaphore(%arg8 : memref<!tpu.dma_semaphore, #tpu.memory_space<semaphore_mem>>) src(%dma_wait3A_438 : memref<1000000x32xf32, #tpu.memory_space<hbm>>) dst(%dma_wait3A_433 : memref<64x32xf32, #tpu.memory_space<vmem>>)
      %dma_wait3A_439 = arith.constant 7 : i32
      %dma_wait3A_440 = arith.constant 0 : i32
      %dma_wait3A_441 = arith.constant 0 : i32
      %dma_wait3A_442 = tpu.memref_slice %arg7[%dma_wait3A_439, %dma_wait3A_440, %dma_wait3A_441] : memref<8x64x32xf32, #tpu.memory_space<vmem>> -> memref<1x64x32xf32, #tpu.memory_space<vmem>>
      %dma_wait3A_443 = tpu.memref_squeeze %dma_wait3A_442 : memref<1x64x32xf32, #tpu.memory_space<vmem>> -> memref<64x32xf32, #tpu.memory_space<vmem>>
      %dma_wait3A_444 = arith.constant 448 : i32
      %dma_wait3A_445 = tpu.memref_slice %arg6[%dma_wait3A_444] : memref<512xi32, #tpu.memory_space<vmem>> -> memref<64xi32, #tpu.memory_space<vmem>>
      %dma_wait3A_446 = arith.constant 0 : i32
      %dma_wait3A_447 = arith.constant 0 : i32
      %dma_wait3A_448 = tpu.memref_slice %arg2[%dma_wait3A_446, %dma_wait3A_447] : memref<1000000x32xf32, #tpu.memory_space<hbm>> -> memref<1000000x32xf32, #tpu.memory_space<hbm>>
      tpu.wait_indirect_dma semaphore(%arg8 : memref<!tpu.dma_semaphore, #tpu.memory_space<semaphore_mem>>) src(%dma_wait3A_448 : memref<1000000x32xf32, #tpu.memory_space<hbm>>) dst(%dma_wait3A_443 : memref<64x32xf32, #tpu.memory_space<vmem>>)
      %mul3A_449 = arith.constant 8 : i32
      %mul3A_450 = arith.muli %scan3A_83, %mul3A_449 : i32
      %mul3A_451 = arith.constant 32 : i32
      %mul3A_452 = arith.muli %select_n3A_56, %mul3A_451 : i32
      "tpu.region"() ({
        %run_scoped3A = tpu.sem_alloc : memref<!tpu.dma_semaphore, #tpu.memory_space<semaphore_mem>>
        %dma_start3A_453 = tpu.memref_slice %arg4[%mul3A_450, %add3A_77, %mul3A_452] : memref<200x512x128xf32, #tpu.memory_space<hbm>> -> memref<8x64x32xf32, #tpu.memory_space<hbm>>
        %dma_start3A_454 = tpu.memref_slice %arg4[%mul3A_450, %add3A_77, %mul3A_452] : memref<200x512x128xf32, #tpu.memory_space<hbm>> -> memref<8x64x32xf32, #tpu.memory_space<hbm>>
        tpu.enqueue_dma source(%arg7 : memref<8x64x32xf32, #tpu.memory_space<vmem>>) target(%dma_start3A_454 : memref<8x64x32xf32, #tpu.memory_space<hbm>>) target_semaphore(%run_scoped3A : memref<!tpu.dma_semaphore, #tpu.memory_space<semaphore_mem>>)
        %dma_wait3A_455 = tpu.memref_slice %arg4[%mul3A_450, %add3A_77, %mul3A_452] : memref<200x512x128xf32, #tpu.memory_space<hbm>> -> memref<8x64x32xf32, #tpu.memory_space<hbm>>
        %dma_wait3A_456 = tpu.memref_slice %arg4[%mul3A_450, %add3A_77, %mul3A_452] : memref<200x512x128xf32, #tpu.memory_space<hbm>> -> memref<8x64x32xf32, #tpu.memory_space<hbm>>
        tpu.wait_dma2 semaphore(%run_scoped3A : memref<!tpu.dma_semaphore, #tpu.memory_space<semaphore_mem>>) src(%arg7 : memref<8x64x32xf32, #tpu.memory_space<vmem>>) dst(%dma_wait3A_456 : memref<8x64x32xf32, #tpu.memory_space<hbm>>)
        tpu.yield
      }) : () -> ()
    }
    %scan3A_82 = arith.constant 25 : i32
    return
  }
}

module attributes {stable_mosaic.version = 14 : i64} {
  func.func @body(%arg0: i32, %arg1: i32, %arg2: memref<8x512x128xf32, #tpu.memory_space<vmem>>, %arg3: memref<256x128xf32, #tpu.memory_space<vmem>>, %arg4: memref<256x256xf32, #tpu.memory_space<vmem>>, %arg5: memref<256x1xf32, #tpu.memory_space<vmem>>, %arg6: memref<4x64x256xf32, #tpu.memory_space<vmem>>, %arg7: memref<64x1xf32, #tpu.memory_space<vmem>>, %arg8: memref<512x2048xf32, #tpu.memory_space<vmem>>, %arg9: memref<256x512xf32, #tpu.memory_space<vmem>>) attributes {dimension_semantics = [#tpu.dimension_semantics<parallel>, #tpu.dimension_semantics<arbitrary>], iteration_bounds = array<i64: 1, 25>, scalar_prefetch = 0 : i64, scratch_operands = 1 : i64, tpu.core_type = #tpu.core_type<tc>, window_params = [{transform_indices = @transform_0, window_bounds = array<i64: 8, 512, 128>}, {pipeline_mode = #tpu.pipeline_mode<synchronous>, transform_indices = @transform_1, window_bounds = array<i64: 256, 128>}, {pipeline_mode = #tpu.pipeline_mode<synchronous>, transform_indices = @transform_2, window_bounds = array<i64: 256, 256>}, {pipeline_mode = #tpu.pipeline_mode<synchronous>, transform_indices = @transform_3, window_bounds = array<i64: 256, 1>}, {pipeline_mode = #tpu.pipeline_mode<synchronous>, transform_indices = @transform_4, window_bounds = array<i64: 4, 64, 256>}, {pipeline_mode = #tpu.pipeline_mode<synchronous>, transform_indices = @transform_5, window_bounds = array<i64: 64, 1>}, {transform_indices = @transform_6, window_bounds = array<i64: 512, 2048>}]} {
    %eq3A = arith.constant 0 : i32
    %eq3A_0 = arith.cmpi eq, %arg1, %eq3A : i32
    %convert_element_type3A = arith.extui %eq3A_0 : i1 to i32
    %cond3A = arith.constant 0 : i32
    %cond3A_1 = arith.cmpi ne, %convert_element_type3A, %cond3A : i32
    scf.if %cond3A_1 {
      %broadcast_in_dim3A = arith.constant 0.000000e+00 : f32
      %broadcast_in_dim3A_510 = vector.broadcast %broadcast_in_dim3A : f32 to vector<256x512xf32>
      %swap3A_511 = arith.constant 0 : index
      %swap3A_512 = arith.constant 0 : index
      %swap3A_513 = vector.load %arg9[%swap3A_511, %swap3A_512] : memref<256x512xf32, #tpu.memory_space<vmem>>, vector<256x512xf32>
      tpu.vector_store %arg9[%swap3A_511, %swap3A_512], %broadcast_in_dim3A_510 {strides = array<i32>} : memref<256x512xf32, #tpu.memory_space<vmem>>, vector<256x512xf32>,
    } else {
    }
    %get3A = arith.constant 0 : index
    %get3A_2 = arith.constant 0 : index
    %get3A_3 = vector.load %arg9[%get3A, %get3A_2] : memref<256x512xf32, #tpu.memory_space<vmem>>, vector<256x512xf32>
    %get3A_4 = arith.constant 0 : index
    %get3A_5 = arith.constant 0 : index
    %get3A_6 = vector.load %arg3[%get3A_4, %get3A_5] : memref<256x128xf32, #tpu.memory_space<vmem>>, vector<256x128xf32>
    %get3A_7 = arith.constant 0 : index
    %get3A_8 = arith.constant 0 : index
    %get3A_9 = vector.load %arg4[%get3A_7, %get3A_8] : memref<256x256xf32, #tpu.memory_space<vmem>>, vector<256x256xf32>
    %get3A_10 = arith.constant 0 : index
    %get3A_11 = arith.constant 0 : index
    %get3A_12 = vector.load %arg5[%get3A_10, %get3A_11] : memref<256x1xf32, #tpu.memory_space<vmem>>, vector<256x1xf32>
    %get3A_13 = arith.constant 0 : index
    %get3A_14 = arith.constant 0 : index
    %get3A_15 = vector.load %arg7[%get3A_13, %get3A_14] : memref<64x1xf32, #tpu.memory_space<vmem>>, vector<64x1xf32>
    %get3A_16 = arith.constant 0 : index
    %get3A_17 = arith.constant 0 : index
    %get3A_18 = arith.constant 0 : index
    %get3A_19 = vector.load %arg2[%get3A_16, %get3A_17, %get3A_18] : memref<8x512x128xf32, #tpu.memory_space<vmem>>, vector<1x512x128xf32>
    %get3A_20 = vector.shape_cast %get3A_19 : vector<1x512x128xf32> to vector<512x128xf32>
    %transpose3A = tpu.transpose %get3A_20, [1, 0] : vector<512x128xf32> -> vector<128x512xf32>
    %dot_general3A = arith.constant dense<0.000000e+00> : vector<256x512xf32>
    %dot_general3A_21 = tpu.matmul %get3A_6, %transpose3A, %dot_general3A {dimension_numbers = #tpu.dot_dimension_numbers<[1], [0], [0], [1], [0, 0, 1, 1], [], []>, transpose_lhs_hint = false} : vector<256x128xf32>, vector<128x512xf32>, vector<256x512xf32> -> vector<256x512xf32>
    %dot_general3A_22 = arith.constant dense<0.000000e+00> : vector<256x512xf32>
    %dot_general3A_23 = tpu.matmul %get3A_9, %get3A_3, %dot_general3A_22 {dimension_numbers = #tpu.dot_dimension_numbers<[1], [0], [0], [1], [0, 0, 1, 1], [], []>, transpose_lhs_hint = false} : vector<256x256xf32>, vector<256x512xf32>, vector<256x512xf32> -> vector<256x512xf32>
    %add3A = arith.addf %dot_general3A_21, %dot_general3A_23 : vector<256x512xf32>
    %add3A_24 = vector.broadcast %get3A_12 : vector<256x1xf32> to vector<256x512xf32>
    %add3A_25 = arith.addf %add3A, %add3A_24 : vector<256x512xf32>
    %tanh3A = math.tanh %add3A_25 : vector<256x512xf32>
    %get3A_26 = arith.constant 0 : index
    %get3A_27 = arith.constant 0 : index
    %get3A_28 = arith.constant 0 : index
    %get3A_29 = vector.load %arg6[%get3A_26, %get3A_27, %get3A_28] : memref<4x64x256xf32, #tpu.memory_space<vmem>>, vector<1x64x256xf32>
    %get3A_30 = vector.shape_cast %get3A_29 : vector<1x64x256xf32> to vector<64x256xf32>
    %dot_general3A_31 = arith.constant dense<0.000000e+00> : vector<64x512xf32>
    %dot_general3A_32 = tpu.matmul %get3A_30, %tanh3A, %dot_general3A_31 {dimension_numbers = #tpu.dot_dimension_numbers<[1], [0], [0], [1], [0, 0, 1, 1], [], []>, transpose_lhs_hint = false} : vector<64x256xf32>, vector<256x512xf32>, vector<64x512xf32> -> vector<64x512xf32>
    %add3A_33 = vector.broadcast %get3A_15 : vector<64x1xf32> to vector<64x512xf32>
    %add3A_34 = arith.addf %dot_general3A_32, %add3A_33 : vector<64x512xf32>
    %swap3A = arith.constant 0 : index
    %swap3A_35 = arith.constant 0 : index
    %swap3A_36 = vector.load %arg8[%swap3A, %swap3A_35] : memref<512x2048xf32, #tpu.memory_space<vmem>>, vector<64x512xf32>
    tpu.vector_store %arg8[%swap3A, %swap3A_35], %add3A_34 {strides = array<i32>} : memref<512x2048xf32, #tpu.memory_space<vmem>>, vector<64x512xf32>,
    %get3A_37 = arith.constant 1 : index
    %get3A_38 = arith.constant 0 : index
    %get3A_39 = arith.constant 0 : index
    %get3A_40 = vector.load %arg6[%get3A_37, %get3A_38, %get3A_39] : memref<4x64x256xf32, #tpu.memory_space<vmem>>, vector<1x64x256xf32>
    %get3A_41 = vector.shape_cast %get3A_40 : vector<1x64x256xf32> to vector<64x256xf32>
    %dot_general3A_42 = arith.constant dense<0.000000e+00> : vector<64x512xf32>
    %dot_general3A_43 = tpu.matmul %get3A_41, %tanh3A, %dot_general3A_42 {dimension_numbers = #tpu.dot_dimension_numbers<[1], [0], [0], [1], [0, 0, 1, 1], [], []>, transpose_lhs_hint = false} : vector<64x256xf32>, vector<256x512xf32>, vector<64x512xf32> -> vector<64x512xf32>
    %add3A_44 = vector.broadcast %get3A_15 : vector<64x1xf32> to vector<64x512xf32>
    %add3A_45 = arith.addf %dot_general3A_43, %add3A_44 : vector<64x512xf32>
    %swap3A_46 = arith.constant 0 : index
    %swap3A_47 = arith.constant 512 : index
    %swap3A_48 = vector.load %arg8[%swap3A_46, %swap3A_47] : memref<512x2048xf32, #tpu.memory_space<vmem>>, vector<64x512xf32>
    tpu.vector_store %arg8[%swap3A_46, %swap3A_47], %add3A_45 {strides = array<i32>} : memref<512x2048xf32, #tpu.memory_space<vmem>>, vector<64x512xf32>,
    %get3A_49 = arith.constant 2 : index
    %get3A_50 = arith.constant 0 : index
    %get3A_51 = arith.constant 0 : index
    %get3A_52 = vector.load %arg6[%get3A_49, %get3A_50, %get3A_51] : memref<4x64x256xf32, #tpu.memory_space<vmem>>, vector<1x64x256xf32>
    %get3A_53 = vector.shape_cast %get3A_52 : vector<1x64x256xf32> to vector<64x256xf32>
    %dot_general3A_54 = arith.constant dense<0.000000e+00> : vector<64x512xf32>
    %dot_general3A_55 = tpu.matmul %get3A_53, %tanh3A, %dot_general3A_54 {dimension_numbers = #tpu.dot_dimension_numbers<[1], [0], [0], [1], [0, 0, 1, 1], [], []>, transpose_lhs_hint = false} : vector<64x256xf32>, vector<256x512xf32>, vector<64x512xf32> -> vector<64x512xf32>
    %add3A_56 = vector.broadcast %get3A_15 : vector<64x1xf32> to vector<64x512xf32>
    %add3A_57 = arith.addf %dot_general3A_55, %add3A_56 : vector<64x512xf32>
    %swap3A_58 = arith.constant 0 : index
    %swap3A_59 = arith.constant 1024 : index
    %swap3A_60 = vector.load %arg8[%swap3A_58, %swap3A_59] : memref<512x2048xf32, #tpu.memory_space<vmem>>, vector<64x512xf32>
    tpu.vector_store %arg8[%swap3A_58, %swap3A_59], %add3A_57 {strides = array<i32>} : memref<512x2048xf32, #tpu.memory_space<vmem>>, vector<64x512xf32>,
    %get3A_61 = arith.constant 3 : index
    %get3A_62 = arith.constant 0 : index
    %get3A_63 = arith.constant 0 : index
    %get3A_64 = vector.load %arg6[%get3A_61, %get3A_62, %get3A_63] : memref<4x64x256xf32, #tpu.memory_space<vmem>>, vector<1x64x256xf32>
    %get3A_65 = vector.shape_cast %get3A_64 : vector<1x64x256xf32> to vector<64x256xf32>
    %dot_general3A_66 = arith.constant dense<0.000000e+00> : vector<64x512xf32>
    %dot_general3A_67 = tpu.matmul %get3A_65, %tanh3A, %dot_general3A_66 {dimension_numbers = #tpu.dot_dimension_numbers<[1], [0], [0], [1], [0, 0, 1, 1], [], []>, transpose_lhs_hint = false} : vector<64x256xf32>, vector<256x512xf32>, vector<64x512xf32> -> vector<64x512xf32>
    %add3A_68 = vector.broadcast %get3A_15 : vector<64x1xf32> to vector<64x512xf32>
    %add3A_69 = arith.addf %dot_general3A_67, %add3A_68 : vector<64x512xf32>
    %swap3A_70 = arith.constant 0 : index
    %swap3A_71 = arith.constant 1536 : index
    %swap3A_72 = vector.load %arg8[%swap3A_70, %swap3A_71] : memref<512x2048xf32, #tpu.memory_space<vmem>>, vector<64x512xf32>
    tpu.vector_store %arg8[%swap3A_70, %swap3A_71], %add3A_69 {strides = array<i32>} : memref<512x2048xf32, #tpu.memory_space<vmem>>, vector<64x512xf32>,
    %get3A_73 = arith.constant 1 : index
    %get3A_74 = arith.constant 0 : index
    %get3A_75 = arith.constant 0 : index
    %get3A_76 = vector.load %arg2[%get3A_73, %get3A_74, %get3A_75] : memref<8x512x128xf32, #tpu.memory_space<vmem>>, vector<1x512x128xf32>
    %get3A_77 = vector.shape_cast %get3A_76 : vector<1x512x128xf32> to vector<512x128xf32>
    %transpose3A_78 = tpu.transpose %get3A_77, [1, 0] : vector<512x128xf32> -> vector<128x512xf32>
    %dot_general3A_79 = arith.constant dense<0.000000e+00> : vector<256x512xf32>
    %dot_general3A_80 = tpu.matmul %get3A_6, %transpose3A_78, %dot_general3A_79 {dimension_numbers = #tpu.dot_dimension_numbers<[1], [0], [0], [1], [0, 0, 1, 1], [], []>, transpose_lhs_hint = false} : vector<256x128xf32>, vector<128x512xf32>, vector<256x512xf32> -> vector<256x512xf32>
    %dot_general3A_81 = arith.constant dense<0.000000e+00> : vector<256x512xf32>
    %dot_general3A_82 = tpu.matmul %get3A_9, %tanh3A, %dot_general3A_81 {dimension_numbers = #tpu.dot_dimension_numbers<[1], [0], [0], [1], [0, 0, 1, 1], [], []>, transpose_lhs_hint = false} : vector<256x256xf32>, vector<256x512xf32>, vector<256x512xf32> -> vector<256x512xf32>
    %add3A_83 = arith.addf %dot_general3A_80, %dot_general3A_82 : vector<256x512xf32>
    %add3A_84 = vector.broadcast %get3A_12 : vector<256x1xf32> to vector<256x512xf32>
    %add3A_85 = arith.addf %add3A_83, %add3A_84 : vector<256x512xf32>
    %tanh3A_86 = math.tanh %add3A_85 : vector<256x512xf32>
    %get3A_87 = arith.constant 0 : index
    %get3A_88 = arith.constant 0 : index
    %get3A_89 = arith.constant 0 : index
    %get3A_90 = vector.load %arg6[%get3A_87, %get3A_88, %get3A_89] : memref<4x64x256xf32, #tpu.memory_space<vmem>>, vector<1x64x256xf32>
    %get3A_91 = vector.shape_cast %get3A_90 : vector<1x64x256xf32> to vector<64x256xf32>
    %dot_general3A_92 = arith.constant dense<0.000000e+00> : vector<64x512xf32>
    %dot_general3A_93 = tpu.matmul %get3A_91, %tanh3A_86, %dot_general3A_92 {dimension_numbers = #tpu.dot_dimension_numbers<[1], [0], [0], [1], [0, 0, 1, 1], [], []>, transpose_lhs_hint = false} : vector<64x256xf32>, vector<256x512xf32>, vector<64x512xf32> -> vector<64x512xf32>
    %add3A_94 = vector.broadcast %get3A_15 : vector<64x1xf32> to vector<64x512xf32>
    %add3A_95 = arith.addf %dot_general3A_93, %add3A_94 : vector<64x512xf32>
    %swap3A_96 = arith.constant 64 : index
    %swap3A_97 = arith.constant 0 : index
    %swap3A_98 = vector.load %arg8[%swap3A_96, %swap3A_97] : memref<512x2048xf32, #tpu.memory_space<vmem>>, vector<64x512xf32>
    tpu.vector_store %arg8[%swap3A_96, %swap3A_97], %add3A_95 {strides = array<i32>} : memref<512x2048xf32, #tpu.memory_space<vmem>>, vector<64x512xf32>,
    %get3A_99 = arith.constant 1 : index
    %get3A_100 = arith.constant 0 : index
    %get3A_101 = arith.constant 0 : index
    %get3A_102 = vector.load %arg6[%get3A_99, %get3A_100, %get3A_101] : memref<4x64x256xf32, #tpu.memory_space<vmem>>, vector<1x64x256xf32>
    %get3A_103 = vector.shape_cast %get3A_102 : vector<1x64x256xf32> to vector<64x256xf32>
    %dot_general3A_104 = arith.constant dense<0.000000e+00> : vector<64x512xf32>
    %dot_general3A_105 = tpu.matmul %get3A_103, %tanh3A_86, %dot_general3A_104 {dimension_numbers = #tpu.dot_dimension_numbers<[1], [0], [0], [1], [0, 0, 1, 1], [], []>, transpose_lhs_hint = false} : vector<64x256xf32>, vector<256x512xf32>, vector<64x512xf32> -> vector<64x512xf32>
    %add3A_106 = vector.broadcast %get3A_15 : vector<64x1xf32> to vector<64x512xf32>
    %add3A_107 = arith.addf %dot_general3A_105, %add3A_106 : vector<64x512xf32>
    %swap3A_108 = arith.constant 64 : index
    %swap3A_109 = arith.constant 512 : index
    %swap3A_110 = vector.load %arg8[%swap3A_108, %swap3A_109] : memref<512x2048xf32, #tpu.memory_space<vmem>>, vector<64x512xf32>
    tpu.vector_store %arg8[%swap3A_108, %swap3A_109], %add3A_107 {strides = array<i32>} : memref<512x2048xf32, #tpu.memory_space<vmem>>, vector<64x512xf32>,
    %get3A_111 = arith.constant 2 : index
    %get3A_112 = arith.constant 0 : index
    %get3A_113 = arith.constant 0 : index
    %get3A_114 = vector.load %arg6[%get3A_111, %get3A_112, %get3A_113] : memref<4x64x256xf32, #tpu.memory_space<vmem>>, vector<1x64x256xf32>
    %get3A_115 = vector.shape_cast %get3A_114 : vector<1x64x256xf32> to vector<64x256xf32>
    %dot_general3A_116 = arith.constant dense<0.000000e+00> : vector<64x512xf32>
    %dot_general3A_117 = tpu.matmul %get3A_115, %tanh3A_86, %dot_general3A_116 {dimension_numbers = #tpu.dot_dimension_numbers<[1], [0], [0], [1], [0, 0, 1, 1], [], []>, transpose_lhs_hint = false} : vector<64x256xf32>, vector<256x512xf32>, vector<64x512xf32> -> vector<64x512xf32>
    %add3A_118 = vector.broadcast %get3A_15 : vector<64x1xf32> to vector<64x512xf32>
    %add3A_119 = arith.addf %dot_general3A_117, %add3A_118 : vector<64x512xf32>
    %swap3A_120 = arith.constant 64 : index
    %swap3A_121 = arith.constant 1024 : index
    %swap3A_122 = vector.load %arg8[%swap3A_120, %swap3A_121] : memref<512x2048xf32, #tpu.memory_space<vmem>>, vector<64x512xf32>
    tpu.vector_store %arg8[%swap3A_120, %swap3A_121], %add3A_119 {strides = array<i32>} : memref<512x2048xf32, #tpu.memory_space<vmem>>, vector<64x512xf32>,
    %get3A_123 = arith.constant 3 : index
    %get3A_124 = arith.constant 0 : index
    %get3A_125 = arith.constant 0 : index
    %get3A_126 = vector.load %arg6[%get3A_123, %get3A_124, %get3A_125] : memref<4x64x256xf32, #tpu.memory_space<vmem>>, vector<1x64x256xf32>
    %get3A_127 = vector.shape_cast %get3A_126 : vector<1x64x256xf32> to vector<64x256xf32>
    %dot_general3A_128 = arith.constant dense<0.000000e+00> : vector<64x512xf32>
    %dot_general3A_129 = tpu.matmul %get3A_127, %tanh3A_86, %dot_general3A_128 {dimension_numbers = #tpu.dot_dimension_numbers<[1], [0], [0], [1], [0, 0, 1, 1], [], []>, transpose_lhs_hint = false} : vector<64x256xf32>, vector<256x512xf32>, vector<64x512xf32> -> vector<64x512xf32>
    %add3A_130 = vector.broadcast %get3A_15 : vector<64x1xf32> to vector<64x512xf32>
    %add3A_131 = arith.addf %dot_general3A_129, %add3A_130 : vector<64x512xf32>
    %swap3A_132 = arith.constant 64 : index
    %swap3A_133 = arith.constant 1536 : index
    %swap3A_134 = vector.load %arg8[%swap3A_132, %swap3A_133] : memref<512x2048xf32, #tpu.memory_space<vmem>>, vector<64x512xf32>
    tpu.vector_store %arg8[%swap3A_132, %swap3A_133], %add3A_131 {strides = array<i32>} : memref<512x2048xf32, #tpu.memory_space<vmem>>, vector<64x512xf32>,
    %get3A_135 = arith.constant 2 : index
    %get3A_136 = arith.constant 0 : index
    %get3A_137 = arith.constant 0 : index
    %get3A_138 = vector.load %arg2[%get3A_135, %get3A_136, %get3A_137] : memref<8x512x128xf32, #tpu.memory_space<vmem>>, vector<1x512x128xf32>
    %get3A_139 = vector.shape_cast %get3A_138 : vector<1x512x128xf32> to vector<512x128xf32>
    %transpose3A_140 = tpu.transpose %get3A_139, [1, 0] : vector<512x128xf32> -> vector<128x512xf32>
    %dot_general3A_141 = arith.constant dense<0.000000e+00> : vector<256x512xf32>
    %dot_general3A_142 = tpu.matmul %get3A_6, %transpose3A_140, %dot_general3A_141 {dimension_numbers = #tpu.dot_dimension_numbers<[1], [0], [0], [1], [0, 0, 1, 1], [], []>, transpose_lhs_hint = false} : vector<256x128xf32>, vector<128x512xf32>, vector<256x512xf32> -> vector<256x512xf32>
    %dot_general3A_143 = arith.constant dense<0.000000e+00> : vector<256x512xf32>
    %dot_general3A_144 = tpu.matmul %get3A_9, %tanh3A_86, %dot_general3A_143 {dimension_numbers = #tpu.dot_dimension_numbers<[1], [0], [0], [1], [0, 0, 1, 1], [], []>, transpose_lhs_hint = false} : vector<256x256xf32>, vector<256x512xf32>, vector<256x512xf32> -> vector<256x512xf32>
    %add3A_145 = arith.addf %dot_general3A_142, %dot_general3A_144 : vector<256x512xf32>
    %add3A_146 = vector.broadcast %get3A_12 : vector<256x1xf32> to vector<256x512xf32>
    %add3A_147 = arith.addf %add3A_145, %add3A_146 : vector<256x512xf32>
    %tanh3A_148 = math.tanh %add3A_147 : vector<256x512xf32>
    %get3A_149 = arith.constant 0 : index
    %get3A_150 = arith.constant 0 : index
    %get3A_151 = arith.constant 0 : index
    %get3A_152 = vector.load %arg6[%get3A_149, %get3A_150, %get3A_151] : memref<4x64x256xf32, #tpu.memory_space<vmem>>, vector<1x64x256xf32>
    %get3A_153 = vector.shape_cast %get3A_152 : vector<1x64x256xf32> to vector<64x256xf32>
    %dot_general3A_154 = arith.constant dense<0.000000e+00> : vector<64x512xf32>
    %dot_general3A_155 = tpu.matmul %get3A_153, %tanh3A_148, %dot_general3A_154 {dimension_numbers = #tpu.dot_dimension_numbers<[1], [0], [0], [1], [0, 0, 1, 1], [], []>, transpose_lhs_hint = false} : vector<64x256xf32>, vector<256x512xf32>, vector<64x512xf32> -> vector<64x512xf32>
    %add3A_156 = vector.broadcast %get3A_15 : vector<64x1xf32> to vector<64x512xf32>
    %add3A_157 = arith.addf %dot_general3A_155, %add3A_156 : vector<64x512xf32>
    %swap3A_158 = arith.constant 128 : index
    %swap3A_159 = arith.constant 0 : index
    %swap3A_160 = vector.load %arg8[%swap3A_158, %swap3A_159] : memref<512x2048xf32, #tpu.memory_space<vmem>>, vector<64x512xf32>
    tpu.vector_store %arg8[%swap3A_158, %swap3A_159], %add3A_157 {strides = array<i32>} : memref<512x2048xf32, #tpu.memory_space<vmem>>, vector<64x512xf32>,
    %get3A_161 = arith.constant 1 : index
    %get3A_162 = arith.constant 0 : index
    %get3A_163 = arith.constant 0 : index
    %get3A_164 = vector.load %arg6[%get3A_161, %get3A_162, %get3A_163] : memref<4x64x256xf32, #tpu.memory_space<vmem>>, vector<1x64x256xf32>
    %get3A_165 = vector.shape_cast %get3A_164 : vector<1x64x256xf32> to vector<64x256xf32>
    %dot_general3A_166 = arith.constant dense<0.000000e+00> : vector<64x512xf32>
    %dot_general3A_167 = tpu.matmul %get3A_165, %tanh3A_148, %dot_general3A_166 {dimension_numbers = #tpu.dot_dimension_numbers<[1], [0], [0], [1], [0, 0, 1, 1], [], []>, transpose_lhs_hint = false} : vector<64x256xf32>, vector<256x512xf32>, vector<64x512xf32> -> vector<64x512xf32>
    %add3A_168 = vector.broadcast %get3A_15 : vector<64x1xf32> to vector<64x512xf32>
    %add3A_169 = arith.addf %dot_general3A_167, %add3A_168 : vector<64x512xf32>
    %swap3A_170 = arith.constant 128 : index
    %swap3A_171 = arith.constant 512 : index
    %swap3A_172 = vector.load %arg8[%swap3A_170, %swap3A_171] : memref<512x2048xf32, #tpu.memory_space<vmem>>, vector<64x512xf32>
    tpu.vector_store %arg8[%swap3A_170, %swap3A_171], %add3A_169 {strides = array<i32>} : memref<512x2048xf32, #tpu.memory_space<vmem>>, vector<64x512xf32>,
    %get3A_173 = arith.constant 2 : index
    %get3A_174 = arith.constant 0 : index
    %get3A_175 = arith.constant 0 : index
    %get3A_176 = vector.load %arg6[%get3A_173, %get3A_174, %get3A_175] : memref<4x64x256xf32, #tpu.memory_space<vmem>>, vector<1x64x256xf32>
    %get3A_177 = vector.shape_cast %get3A_176 : vector<1x64x256xf32> to vector<64x256xf32>
    %dot_general3A_178 = arith.constant dense<0.000000e+00> : vector<64x512xf32>
    %dot_general3A_179 = tpu.matmul %get3A_177, %tanh3A_148, %dot_general3A_178 {dimension_numbers = #tpu.dot_dimension_numbers<[1], [0], [0], [1], [0, 0, 1, 1], [], []>, transpose_lhs_hint = false} : vector<64x256xf32>, vector<256x512xf32>, vector<64x512xf32> -> vector<64x512xf32>
    %add3A_180 = vector.broadcast %get3A_15 : vector<64x1xf32> to vector<64x512xf32>
    %add3A_181 = arith.addf %dot_general3A_179, %add3A_180 : vector<64x512xf32>
    %swap3A_182 = arith.constant 128 : index
    %swap3A_183 = arith.constant 1024 : index
    %swap3A_184 = vector.load %arg8[%swap3A_182, %swap3A_183] : memref<512x2048xf32, #tpu.memory_space<vmem>>, vector<64x512xf32>
    tpu.vector_store %arg8[%swap3A_182, %swap3A_183], %add3A_181 {strides = array<i32>} : memref<512x2048xf32, #tpu.memory_space<vmem>>, vector<64x512xf32>,
    %get3A_185 = arith.constant 3 : index
    %get3A_186 = arith.constant 0 : index
    %get3A_187 = arith.constant 0 : index
    %get3A_188 = vector.load %arg6[%get3A_185, %get3A_186, %get3A_187] : memref<4x64x256xf32, #tpu.memory_space<vmem>>, vector<1x64x256xf32>
    %get3A_189 = vector.shape_cast %get3A_188 : vector<1x64x256xf32> to vector<64x256xf32>
    %dot_general3A_190 = arith.constant dense<0.000000e+00> : vector<64x512xf32>
    %dot_general3A_191 = tpu.matmul %get3A_189, %tanh3A_148, %dot_general3A_190 {dimension_numbers = #tpu.dot_dimension_numbers<[1], [0], [0], [1], [0, 0, 1, 1], [], []>, transpose_lhs_hint = false} : vector<64x256xf32>, vector<256x512xf32>, vector<64x512xf32> -> vector<64x512xf32>
    %add3A_192 = vector.broadcast %get3A_15 : vector<64x1xf32> to vector<64x512xf32>
    %add3A_193 = arith.addf %dot_general3A_191, %add3A_192 : vector<64x512xf32>
    %swap3A_194 = arith.constant 128 : index
    %swap3A_195 = arith.constant 1536 : index
    %swap3A_196 = vector.load %arg8[%swap3A_194, %swap3A_195] : memref<512x2048xf32, #tpu.memory_space<vmem>>, vector<64x512xf32>
    tpu.vector_store %arg8[%swap3A_194, %swap3A_195], %add3A_193 {strides = array<i32>} : memref<512x2048xf32, #tpu.memory_space<vmem>>, vector<64x512xf32>,
    %get3A_197 = arith.constant 3 : index
    %get3A_198 = arith.constant 0 : index
    %get3A_199 = arith.constant 0 : index
    %get3A_200 = vector.load %arg2[%get3A_197, %get3A_198, %get3A_199] : memref<8x512x128xf32, #tpu.memory_space<vmem>>, vector<1x512x128xf32>
    %get3A_201 = vector.shape_cast %get3A_200 : vector<1x512x128xf32> to vector<512x128xf32>
    %transpose3A_202 = tpu.transpose %get3A_201, [1, 0] : vector<512x128xf32> -> vector<128x512xf32>
    %dot_general3A_203 = arith.constant dense<0.000000e+00> : vector<256x512xf32>
    %dot_general3A_204 = tpu.matmul %get3A_6, %transpose3A_202, %dot_general3A_203 {dimension_numbers = #tpu.dot_dimension_numbers<[1], [0], [0], [1], [0, 0, 1, 1], [], []>, transpose_lhs_hint = false} : vector<256x128xf32>, vector<128x512xf32>, vector<256x512xf32> -> vector<256x512xf32>
    %dot_general3A_205 = arith.constant dense<0.000000e+00> : vector<256x512xf32>
    %dot_general3A_206 = tpu.matmul %get3A_9, %tanh3A_148, %dot_general3A_205 {dimension_numbers = #tpu.dot_dimension_numbers<[1], [0], [0], [1], [0, 0, 1, 1], [], []>, transpose_lhs_hint = false} : vector<256x256xf32>, vector<256x512xf32>, vector<256x512xf32> -> vector<256x512xf32>
    %add3A_207 = arith.addf %dot_general3A_204, %dot_general3A_206 : vector<256x512xf32>
    %add3A_208 = vector.broadcast %get3A_12 : vector<256x1xf32> to vector<256x512xf32>
    %add3A_209 = arith.addf %add3A_207, %add3A_208 : vector<256x512xf32>
    %tanh3A_210 = math.tanh %add3A_209 : vector<256x512xf32>
    %get3A_211 = arith.constant 0 : index
    %get3A_212 = arith.constant 0 : index
    %get3A_213 = arith.constant 0 : index
    %get3A_214 = vector.load %arg6[%get3A_211, %get3A_212, %get3A_213] : memref<4x64x256xf32, #tpu.memory_space<vmem>>, vector<1x64x256xf32>
    %get3A_215 = vector.shape_cast %get3A_214 : vector<1x64x256xf32> to vector<64x256xf32>
    %dot_general3A_216 = arith.constant dense<0.000000e+00> : vector<64x512xf32>
    %dot_general3A_217 = tpu.matmul %get3A_215, %tanh3A_210, %dot_general3A_216 {dimension_numbers = #tpu.dot_dimension_numbers<[1], [0], [0], [1], [0, 0, 1, 1], [], []>, transpose_lhs_hint = false} : vector<64x256xf32>, vector<256x512xf32>, vector<64x512xf32> -> vector<64x512xf32>
    %add3A_218 = vector.broadcast %get3A_15 : vector<64x1xf32> to vector<64x512xf32>
    %add3A_219 = arith.addf %dot_general3A_217, %add3A_218 : vector<64x512xf32>
    %swap3A_220 = arith.constant 192 : index
    %swap3A_221 = arith.constant 0 : index
    %swap3A_222 = vector.load %arg8[%swap3A_220, %swap3A_221] : memref<512x2048xf32, #tpu.memory_space<vmem>>, vector<64x512xf32>
    tpu.vector_store %arg8[%swap3A_220, %swap3A_221], %add3A_219 {strides = array<i32>} : memref<512x2048xf32, #tpu.memory_space<vmem>>, vector<64x512xf32>,
    %get3A_223 = arith.constant 1 : index
    %get3A_224 = arith.constant 0 : index
    %get3A_225 = arith.constant 0 : index
    %get3A_226 = vector.load %arg6[%get3A_223, %get3A_224, %get3A_225] : memref<4x64x256xf32, #tpu.memory_space<vmem>>, vector<1x64x256xf32>
    %get3A_227 = vector.shape_cast %get3A_226 : vector<1x64x256xf32> to vector<64x256xf32>
    %dot_general3A_228 = arith.constant dense<0.000000e+00> : vector<64x512xf32>
    %dot_general3A_229 = tpu.matmul %get3A_227, %tanh3A_210, %dot_general3A_228 {dimension_numbers = #tpu.dot_dimension_numbers<[1], [0], [0], [1], [0, 0, 1, 1], [], []>, transpose_lhs_hint = false} : vector<64x256xf32>, vector<256x512xf32>, vector<64x512xf32> -> vector<64x512xf32>
    %add3A_230 = vector.broadcast %get3A_15 : vector<64x1xf32> to vector<64x512xf32>
    %add3A_231 = arith.addf %dot_general3A_229, %add3A_230 : vector<64x512xf32>
    %swap3A_232 = arith.constant 192 : index
    %swap3A_233 = arith.constant 512 : index
    %swap3A_234 = vector.load %arg8[%swap3A_232, %swap3A_233] : memref<512x2048xf32, #tpu.memory_space<vmem>>, vector<64x512xf32>
    tpu.vector_store %arg8[%swap3A_232, %swap3A_233], %add3A_231 {strides = array<i32>} : memref<512x2048xf32, #tpu.memory_space<vmem>>, vector<64x512xf32>,
    %get3A_235 = arith.constant 2 : index
    %get3A_236 = arith.constant 0 : index
    %get3A_237 = arith.constant 0 : index
    %get3A_238 = vector.load %arg6[%get3A_235, %get3A_236, %get3A_237] : memref<4x64x256xf32, #tpu.memory_space<vmem>>, vector<1x64x256xf32>
    %get3A_239 = vector.shape_cast %get3A_238 : vector<1x64x256xf32> to vector<64x256xf32>
    %dot_general3A_240 = arith.constant dense<0.000000e+00> : vector<64x512xf32>
    %dot_general3A_241 = tpu.matmul %get3A_239, %tanh3A_210, %dot_general3A_240 {dimension_numbers = #tpu.dot_dimension_numbers<[1], [0], [0], [1], [0, 0, 1, 1], [], []>, transpose_lhs_hint = false} : vector<64x256xf32>, vector<256x512xf32>, vector<64x512xf32> -> vector<64x512xf32>
    %add3A_242 = vector.broadcast %get3A_15 : vector<64x1xf32> to vector<64x512xf32>
    %add3A_243 = arith.addf %dot_general3A_241, %add3A_242 : vector<64x512xf32>
    %swap3A_244 = arith.constant 192 : index
    %swap3A_245 = arith.constant 1024 : index
    %swap3A_246 = vector.load %arg8[%swap3A_244, %swap3A_245] : memref<512x2048xf32, #tpu.memory_space<vmem>>, vector<64x512xf32>
    tpu.vector_store %arg8[%swap3A_244, %swap3A_245], %add3A_243 {strides = array<i32>} : memref<512x2048xf32, #tpu.memory_space<vmem>>, vector<64x512xf32>,
    %get3A_247 = arith.constant 3 : index
    %get3A_248 = arith.constant 0 : index
    %get3A_249 = arith.constant 0 : index
    %get3A_250 = vector.load %arg6[%get3A_247, %get3A_248, %get3A_249] : memref<4x64x256xf32, #tpu.memory_space<vmem>>, vector<1x64x256xf32>
    %get3A_251 = vector.shape_cast %get3A_250 : vector<1x64x256xf32> to vector<64x256xf32>
    %dot_general3A_252 = arith.constant dense<0.000000e+00> : vector<64x512xf32>
    %dot_general3A_253 = tpu.matmul %get3A_251, %tanh3A_210, %dot_general3A_252 {dimension_numbers = #tpu.dot_dimension_numbers<[1], [0], [0], [1], [0, 0, 1, 1], [], []>, transpose_lhs_hint = false} : vector<64x256xf32>, vector<256x512xf32>, vector<64x512xf32> -> vector<64x512xf32>
    %add3A_254 = vector.broadcast %get3A_15 : vector<64x1xf32> to vector<64x512xf32>
    %add3A_255 = arith.addf %dot_general3A_253, %add3A_254 : vector<64x512xf32>
    %swap3A_256 = arith.constant 192 : index
    %swap3A_257 = arith.constant 1536 : index
    %swap3A_258 = vector.load %arg8[%swap3A_256, %swap3A_257] : memref<512x2048xf32, #tpu.memory_space<vmem>>, vector<64x512xf32>
    tpu.vector_store %arg8[%swap3A_256, %swap3A_257], %add3A_255 {strides = array<i32>} : memref<512x2048xf32, #tpu.memory_space<vmem>>, vector<64x512xf32>,
    %get3A_259 = arith.constant 4 : index
    %get3A_260 = arith.constant 0 : index
    %get3A_261 = arith.constant 0 : index
    %get3A_262 = vector.load %arg2[%get3A_259, %get3A_260, %get3A_261] : memref<8x512x128xf32, #tpu.memory_space<vmem>>, vector<1x512x128xf32>
    %get3A_263 = vector.shape_cast %get3A_262 : vector<1x512x128xf32> to vector<512x128xf32>
    %transpose3A_264 = tpu.transpose %get3A_263, [1, 0] : vector<512x128xf32> -> vector<128x512xf32>
    %dot_general3A_265 = arith.constant dense<0.000000e+00> : vector<256x512xf32>
    %dot_general3A_266 = tpu.matmul %get3A_6, %transpose3A_264, %dot_general3A_265 {dimension_numbers = #tpu.dot_dimension_numbers<[1], [0], [0], [1], [0, 0, 1, 1], [], []>, transpose_lhs_hint = false} : vector<256x128xf32>, vector<128x512xf32>, vector<256x512xf32> -> vector<256x512xf32>
    %dot_general3A_267 = arith.constant dense<0.000000e+00> : vector<256x512xf32>
    %dot_general3A_268 = tpu.matmul %get3A_9, %tanh3A_210, %dot_general3A_267 {dimension_numbers = #tpu.dot_dimension_numbers<[1], [0], [0], [1], [0, 0, 1, 1], [], []>, transpose_lhs_hint = false} : vector<256x256xf32>, vector<256x512xf32>, vector<256x512xf32> -> vector<256x512xf32>
    %add3A_269 = arith.addf %dot_general3A_266, %dot_general3A_268 : vector<256x512xf32>
    %add3A_270 = vector.broadcast %get3A_12 : vector<256x1xf32> to vector<256x512xf32>
    %add3A_271 = arith.addf %add3A_269, %add3A_270 : vector<256x512xf32>
    %tanh3A_272 = math.tanh %add3A_271 : vector<256x512xf32>
    %get3A_273 = arith.constant 0 : index
    %get3A_274 = arith.constant 0 : index
    %get3A_275 = arith.constant 0 : index
    %get3A_276 = vector.load %arg6[%get3A_273, %get3A_274, %get3A_275] : memref<4x64x256xf32, #tpu.memory_space<vmem>>, vector<1x64x256xf32>
    %get3A_277 = vector.shape_cast %get3A_276 : vector<1x64x256xf32> to vector<64x256xf32>
    %dot_general3A_278 = arith.constant dense<0.000000e+00> : vector<64x512xf32>
    %dot_general3A_279 = tpu.matmul %get3A_277, %tanh3A_272, %dot_general3A_278 {dimension_numbers = #tpu.dot_dimension_numbers<[1], [0], [0], [1], [0, 0, 1, 1], [], []>, transpose_lhs_hint = false} : vector<64x256xf32>, vector<256x512xf32>, vector<64x512xf32> -> vector<64x512xf32>
    %add3A_280 = vector.broadcast %get3A_15 : vector<64x1xf32> to vector<64x512xf32>
    %add3A_281 = arith.addf %dot_general3A_279, %add3A_280 : vector<64x512xf32>
    %swap3A_282 = arith.constant 256 : index
    %swap3A_283 = arith.constant 0 : index
    %swap3A_284 = vector.load %arg8[%swap3A_282, %swap3A_283] : memref<512x2048xf32, #tpu.memory_space<vmem>>, vector<64x512xf32>
    tpu.vector_store %arg8[%swap3A_282, %swap3A_283], %add3A_281 {strides = array<i32>} : memref<512x2048xf32, #tpu.memory_space<vmem>>, vector<64x512xf32>,
    %get3A_285 = arith.constant 1 : index
    %get3A_286 = arith.constant 0 : index
    %get3A_287 = arith.constant 0 : index
    %get3A_288 = vector.load %arg6[%get3A_285, %get3A_286, %get3A_287] : memref<4x64x256xf32, #tpu.memory_space<vmem>>, vector<1x64x256xf32>
    %get3A_289 = vector.shape_cast %get3A_288 : vector<1x64x256xf32> to vector<64x256xf32>
    %dot_general3A_290 = arith.constant dense<0.000000e+00> : vector<64x512xf32>
    %dot_general3A_291 = tpu.matmul %get3A_289, %tanh3A_272, %dot_general3A_290 {dimension_numbers = #tpu.dot_dimension_numbers<[1], [0], [0], [1], [0, 0, 1, 1], [], []>, transpose_lhs_hint = false} : vector<64x256xf32>, vector<256x512xf32>, vector<64x512xf32> -> vector<64x512xf32>
    %add3A_292 = vector.broadcast %get3A_15 : vector<64x1xf32> to vector<64x512xf32>
    %add3A_293 = arith.addf %dot_general3A_291, %add3A_292 : vector<64x512xf32>
    %swap3A_294 = arith.constant 256 : index
    %swap3A_295 = arith.constant 512 : index
    %swap3A_296 = vector.load %arg8[%swap3A_294, %swap3A_295] : memref<512x2048xf32, #tpu.memory_space<vmem>>, vector<64x512xf32>
    tpu.vector_store %arg8[%swap3A_294, %swap3A_295], %add3A_293 {strides = array<i32>} : memref<512x2048xf32, #tpu.memory_space<vmem>>, vector<64x512xf32>,
    %get3A_297 = arith.constant 2 : index
    %get3A_298 = arith.constant 0 : index
    %get3A_299 = arith.constant 0 : index
    %get3A_300 = vector.load %arg6[%get3A_297, %get3A_298, %get3A_299] : memref<4x64x256xf32, #tpu.memory_space<vmem>>, vector<1x64x256xf32>
    %get3A_301 = vector.shape_cast %get3A_300 : vector<1x64x256xf32> to vector<64x256xf32>
    %dot_general3A_302 = arith.constant dense<0.000000e+00> : vector<64x512xf32>
    %dot_general3A_303 = tpu.matmul %get3A_301, %tanh3A_272, %dot_general3A_302 {dimension_numbers = #tpu.dot_dimension_numbers<[1], [0], [0], [1], [0, 0, 1, 1], [], []>, transpose_lhs_hint = false} : vector<64x256xf32>, vector<256x512xf32>, vector<64x512xf32> -> vector<64x512xf32>
    %add3A_304 = vector.broadcast %get3A_15 : vector<64x1xf32> to vector<64x512xf32>
    %add3A_305 = arith.addf %dot_general3A_303, %add3A_304 : vector<64x512xf32>
    %swap3A_306 = arith.constant 256 : index
    %swap3A_307 = arith.constant 1024 : index
    %swap3A_308 = vector.load %arg8[%swap3A_306, %swap3A_307] : memref<512x2048xf32, #tpu.memory_space<vmem>>, vector<64x512xf32>
    tpu.vector_store %arg8[%swap3A_306, %swap3A_307], %add3A_305 {strides = array<i32>} : memref<512x2048xf32, #tpu.memory_space<vmem>>, vector<64x512xf32>,
    %get3A_309 = arith.constant 3 : index
    %get3A_310 = arith.constant 0 : index
    %get3A_311 = arith.constant 0 : index
    %get3A_312 = vector.load %arg6[%get3A_309, %get3A_310, %get3A_311] : memref<4x64x256xf32, #tpu.memory_space<vmem>>, vector<1x64x256xf32>
    %get3A_313 = vector.shape_cast %get3A_312 : vector<1x64x256xf32> to vector<64x256xf32>
    %dot_general3A_314 = arith.constant dense<0.000000e+00> : vector<64x512xf32>
    %dot_general3A_315 = tpu.matmul %get3A_313, %tanh3A_272, %dot_general3A_314 {dimension_numbers = #tpu.dot_dimension_numbers<[1], [0], [0], [1], [0, 0, 1, 1], [], []>, transpose_lhs_hint = false} : vector<64x256xf32>, vector<256x512xf32>, vector<64x512xf32> -> vector<64x512xf32>
    %add3A_316 = vector.broadcast %get3A_15 : vector<64x1xf32> to vector<64x512xf32>
    %add3A_317 = arith.addf %dot_general3A_315, %add3A_316 : vector<64x512xf32>
    %swap3A_318 = arith.constant 256 : index
    %swap3A_319 = arith.constant 1536 : index
    %swap3A_320 = vector.load %arg8[%swap3A_318, %swap3A_319] : memref<512x2048xf32, #tpu.memory_space<vmem>>, vector<64x512xf32>
    tpu.vector_store %arg8[%swap3A_318, %swap3A_319], %add3A_317 {strides = array<i32>} : memref<512x2048xf32, #tpu.memory_space<vmem>>, vector<64x512xf32>,
    %get3A_321 = arith.constant 5 : index
    %get3A_322 = arith.constant 0 : index
    %get3A_323 = arith.constant 0 : index
    %get3A_324 = vector.load %arg2[%get3A_321, %get3A_322, %get3A_323] : memref<8x512x128xf32, #tpu.memory_space<vmem>>, vector<1x512x128xf32>
    %get3A_325 = vector.shape_cast %get3A_324 : vector<1x512x128xf32> to vector<512x128xf32>
    %transpose3A_326 = tpu.transpose %get3A_325, [1, 0] : vector<512x128xf32> -> vector<128x512xf32>
    %dot_general3A_327 = arith.constant dense<0.000000e+00> : vector<256x512xf32>
    %dot_general3A_328 = tpu.matmul %get3A_6, %transpose3A_326, %dot_general3A_327 {dimension_numbers = #tpu.dot_dimension_numbers<[1], [0], [0], [1], [0, 0, 1, 1], [], []>, transpose_lhs_hint = false} : vector<256x128xf32>, vector<128x512xf32>, vector<256x512xf32> -> vector<256x512xf32>
    %dot_general3A_329 = arith.constant dense<0.000000e+00> : vector<256x512xf32>
    %dot_general3A_330 = tpu.matmul %get3A_9, %tanh3A_272, %dot_general3A_329 {dimension_numbers = #tpu.dot_dimension_numbers<[1], [0], [0], [1], [0, 0, 1, 1], [], []>, transpose_lhs_hint = false} : vector<256x256xf32>, vector<256x512xf32>, vector<256x512xf32> -> vector<256x512xf32>
    %add3A_331 = arith.addf %dot_general3A_328, %dot_general3A_330 : vector<256x512xf32>
    %add3A_332 = vector.broadcast %get3A_12 : vector<256x1xf32> to vector<256x512xf32>
    %add3A_333 = arith.addf %add3A_331, %add3A_332 : vector<256x512xf32>
    %tanh3A_334 = math.tanh %add3A_333 : vector<256x512xf32>
    %get3A_335 = arith.constant 0 : index
    %get3A_336 = arith.constant 0 : index
    %get3A_337 = arith.constant 0 : index
    %get3A_338 = vector.load %arg6[%get3A_335, %get3A_336, %get3A_337] : memref<4x64x256xf32, #tpu.memory_space<vmem>>, vector<1x64x256xf32>
    %get3A_339 = vector.shape_cast %get3A_338 : vector<1x64x256xf32> to vector<64x256xf32>
    %dot_general3A_340 = arith.constant dense<0.000000e+00> : vector<64x512xf32>
    %dot_general3A_341 = tpu.matmul %get3A_339, %tanh3A_334, %dot_general3A_340 {dimension_numbers = #tpu.dot_dimension_numbers<[1], [0], [0], [1], [0, 0, 1, 1], [], []>, transpose_lhs_hint = false} : vector<64x256xf32>, vector<256x512xf32>, vector<64x512xf32> -> vector<64x512xf32>
    %add3A_342 = vector.broadcast %get3A_15 : vector<64x1xf32> to vector<64x512xf32>
    %add3A_343 = arith.addf %dot_general3A_341, %add3A_342 : vector<64x512xf32>
    %swap3A_344 = arith.constant 320 : index
    %swap3A_345 = arith.constant 0 : index
    %swap3A_346 = vector.load %arg8[%swap3A_344, %swap3A_345] : memref<512x2048xf32, #tpu.memory_space<vmem>>, vector<64x512xf32>
    tpu.vector_store %arg8[%swap3A_344, %swap3A_345], %add3A_343 {strides = array<i32>} : memref<512x2048xf32, #tpu.memory_space<vmem>>, vector<64x512xf32>,
    %get3A_347 = arith.constant 1 : index
    %get3A_348 = arith.constant 0 : index
    %get3A_349 = arith.constant 0 : index
    %get3A_350 = vector.load %arg6[%get3A_347, %get3A_348, %get3A_349] : memref<4x64x256xf32, #tpu.memory_space<vmem>>, vector<1x64x256xf32>
    %get3A_351 = vector.shape_cast %get3A_350 : vector<1x64x256xf32> to vector<64x256xf32>
    %dot_general3A_352 = arith.constant dense<0.000000e+00> : vector<64x512xf32>
    %dot_general3A_353 = tpu.matmul %get3A_351, %tanh3A_334, %dot_general3A_352 {dimension_numbers = #tpu.dot_dimension_numbers<[1], [0], [0], [1], [0, 0, 1, 1], [], []>, transpose_lhs_hint = false} : vector<64x256xf32>, vector<256x512xf32>, vector<64x512xf32> -> vector<64x512xf32>
    %add3A_354 = vector.broadcast %get3A_15 : vector<64x1xf32> to vector<64x512xf32>
    %add3A_355 = arith.addf %dot_general3A_353, %add3A_354 : vector<64x512xf32>
    %swap3A_356 = arith.constant 320 : index
    %swap3A_357 = arith.constant 512 : index
    %swap3A_358 = vector.load %arg8[%swap3A_356, %swap3A_357] : memref<512x2048xf32, #tpu.memory_space<vmem>>, vector<64x512xf32>
    tpu.vector_store %arg8[%swap3A_356, %swap3A_357], %add3A_355 {strides = array<i32>} : memref<512x2048xf32, #tpu.memory_space<vmem>>, vector<64x512xf32>,
    %get3A_359 = arith.constant 2 : index
    %get3A_360 = arith.constant 0 : index
    %get3A_361 = arith.constant 0 : index
    %get3A_362 = vector.load %arg6[%get3A_359, %get3A_360, %get3A_361] : memref<4x64x256xf32, #tpu.memory_space<vmem>>, vector<1x64x256xf32>
    %get3A_363 = vector.shape_cast %get3A_362 : vector<1x64x256xf32> to vector<64x256xf32>
    %dot_general3A_364 = arith.constant dense<0.000000e+00> : vector<64x512xf32>
    %dot_general3A_365 = tpu.matmul %get3A_363, %tanh3A_334, %dot_general3A_364 {dimension_numbers = #tpu.dot_dimension_numbers<[1], [0], [0], [1], [0, 0, 1, 1], [], []>, transpose_lhs_hint = false} : vector<64x256xf32>, vector<256x512xf32>, vector<64x512xf32> -> vector<64x512xf32>
    %add3A_366 = vector.broadcast %get3A_15 : vector<64x1xf32> to vector<64x512xf32>
    %add3A_367 = arith.addf %dot_general3A_365, %add3A_366 : vector<64x512xf32>
    %swap3A_368 = arith.constant 320 : index
    %swap3A_369 = arith.constant 1024 : index
    %swap3A_370 = vector.load %arg8[%swap3A_368, %swap3A_369] : memref<512x2048xf32, #tpu.memory_space<vmem>>, vector<64x512xf32>
    tpu.vector_store %arg8[%swap3A_368, %swap3A_369], %add3A_367 {strides = array<i32>} : memref<512x2048xf32, #tpu.memory_space<vmem>>, vector<64x512xf32>,
    %get3A_371 = arith.constant 3 : index
    %get3A_372 = arith.constant 0 : index
    %get3A_373 = arith.constant 0 : index
    %get3A_374 = vector.load %arg6[%get3A_371, %get3A_372, %get3A_373] : memref<4x64x256xf32, #tpu.memory_space<vmem>>, vector<1x64x256xf32>
    %get3A_375 = vector.shape_cast %get3A_374 : vector<1x64x256xf32> to vector<64x256xf32>
    %dot_general3A_376 = arith.constant dense<0.000000e+00> : vector<64x512xf32>
    %dot_general3A_377 = tpu.matmul %get3A_375, %tanh3A_334, %dot_general3A_376 {dimension_numbers = #tpu.dot_dimension_numbers<[1], [0], [0], [1], [0, 0, 1, 1], [], []>, transpose_lhs_hint = false} : vector<64x256xf32>, vector<256x512xf32>, vector<64x512xf32> -> vector<64x512xf32>
    %add3A_378 = vector.broadcast %get3A_15 : vector<64x1xf32> to vector<64x512xf32>
    %add3A_379 = arith.addf %dot_general3A_377, %add3A_378 : vector<64x512xf32>
    %swap3A_380 = arith.constant 320 : index
    %swap3A_381 = arith.constant 1536 : index
    %swap3A_382 = vector.load %arg8[%swap3A_380, %swap3A_381] : memref<512x2048xf32, #tpu.memory_space<vmem>>, vector<64x512xf32>
    tpu.vector_store %arg8[%swap3A_380, %swap3A_381], %add3A_379 {strides = array<i32>} : memref<512x2048xf32, #tpu.memory_space<vmem>>, vector<64x512xf32>,
    %get3A_383 = arith.constant 6 : index
    %get3A_384 = arith.constant 0 : index
    %get3A_385 = arith.constant 0 : index
    %get3A_386 = vector.load %arg2[%get3A_383, %get3A_384, %get3A_385] : memref<8x512x128xf32, #tpu.memory_space<vmem>>, vector<1x512x128xf32>
    %get3A_387 = vector.shape_cast %get3A_386 : vector<1x512x128xf32> to vector<512x128xf32>
    %transpose3A_388 = tpu.transpose %get3A_387, [1, 0] : vector<512x128xf32> -> vector<128x512xf32>
    %dot_general3A_389 = arith.constant dense<0.000000e+00> : vector<256x512xf32>
    %dot_general3A_390 = tpu.matmul %get3A_6, %transpose3A_388, %dot_general3A_389 {dimension_numbers = #tpu.dot_dimension_numbers<[1], [0], [0], [1], [0, 0, 1, 1], [], []>, transpose_lhs_hint = false} : vector<256x128xf32>, vector<128x512xf32>, vector<256x512xf32> -> vector<256x512xf32>
    %dot_general3A_391 = arith.constant dense<0.000000e+00> : vector<256x512xf32>
    %dot_general3A_392 = tpu.matmul %get3A_9, %tanh3A_334, %dot_general3A_391 {dimension_numbers = #tpu.dot_dimension_numbers<[1], [0], [0], [1], [0, 0, 1, 1], [], []>, transpose_lhs_hint = false} : vector<256x256xf32>, vector<256x512xf32>, vector<256x512xf32> -> vector<256x512xf32>
    %add3A_393 = arith.addf %dot_general3A_390, %dot_general3A_392 : vector<256x512xf32>
    %add3A_394 = vector.broadcast %get3A_12 : vector<256x1xf32> to vector<256x512xf32>
    %add3A_395 = arith.addf %add3A_393, %add3A_394 : vector<256x512xf32>
    %tanh3A_396 = math.tanh %add3A_395 : vector<256x512xf32>
    %get3A_397 = arith.constant 0 : index
    %get3A_398 = arith.constant 0 : index
    %get3A_399 = arith.constant 0 : index
    %get3A_400 = vector.load %arg6[%get3A_397, %get3A_398, %get3A_399] : memref<4x64x256xf32, #tpu.memory_space<vmem>>, vector<1x64x256xf32>
    %get3A_401 = vector.shape_cast %get3A_400 : vector<1x64x256xf32> to vector<64x256xf32>
    %dot_general3A_402 = arith.constant dense<0.000000e+00> : vector<64x512xf32>
    %dot_general3A_403 = tpu.matmul %get3A_401, %tanh3A_396, %dot_general3A_402 {dimension_numbers = #tpu.dot_dimension_numbers<[1], [0], [0], [1], [0, 0, 1, 1], [], []>, transpose_lhs_hint = false} : vector<64x256xf32>, vector<256x512xf32>, vector<64x512xf32> -> vector<64x512xf32>
    %add3A_404 = vector.broadcast %get3A_15 : vector<64x1xf32> to vector<64x512xf32>
    %add3A_405 = arith.addf %dot_general3A_403, %add3A_404 : vector<64x512xf32>
    %swap3A_406 = arith.constant 384 : index
    %swap3A_407 = arith.constant 0 : index
    %swap3A_408 = vector.load %arg8[%swap3A_406, %swap3A_407] : memref<512x2048xf32, #tpu.memory_space<vmem>>, vector<64x512xf32>
    tpu.vector_store %arg8[%swap3A_406, %swap3A_407], %add3A_405 {strides = array<i32>} : memref<512x2048xf32, #tpu.memory_space<vmem>>, vector<64x512xf32>,
    %get3A_409 = arith.constant 1 : index
    %get3A_410 = arith.constant 0 : index
    %get3A_411 = arith.constant 0 : index
    %get3A_412 = vector.load %arg6[%get3A_409, %get3A_410, %get3A_411] : memref<4x64x256xf32, #tpu.memory_space<vmem>>, vector<1x64x256xf32>
    %get3A_413 = vector.shape_cast %get3A_412 : vector<1x64x256xf32> to vector<64x256xf32>
    %dot_general3A_414 = arith.constant dense<0.000000e+00> : vector<64x512xf32>
    %dot_general3A_415 = tpu.matmul %get3A_413, %tanh3A_396, %dot_general3A_414 {dimension_numbers = #tpu.dot_dimension_numbers<[1], [0], [0], [1], [0, 0, 1, 1], [], []>, transpose_lhs_hint = false} : vector<64x256xf32>, vector<256x512xf32>, vector<64x512xf32> -> vector<64x512xf32>
    %add3A_416 = vector.broadcast %get3A_15 : vector<64x1xf32> to vector<64x512xf32>
    %add3A_417 = arith.addf %dot_general3A_415, %add3A_416 : vector<64x512xf32>
    %swap3A_418 = arith.constant 384 : index
    %swap3A_419 = arith.constant 512 : index
    %swap3A_420 = vector.load %arg8[%swap3A_418, %swap3A_419] : memref<512x2048xf32, #tpu.memory_space<vmem>>, vector<64x512xf32>
    tpu.vector_store %arg8[%swap3A_418, %swap3A_419], %add3A_417 {strides = array<i32>} : memref<512x2048xf32, #tpu.memory_space<vmem>>, vector<64x512xf32>,
    %get3A_421 = arith.constant 2 : index
    %get3A_422 = arith.constant 0 : index
    %get3A_423 = arith.constant 0 : index
    %get3A_424 = vector.load %arg6[%get3A_421, %get3A_422, %get3A_423] : memref<4x64x256xf32, #tpu.memory_space<vmem>>, vector<1x64x256xf32>
    %get3A_425 = vector.shape_cast %get3A_424 : vector<1x64x256xf32> to vector<64x256xf32>
    %dot_general3A_426 = arith.constant dense<0.000000e+00> : vector<64x512xf32>
    %dot_general3A_427 = tpu.matmul %get3A_425, %tanh3A_396, %dot_general3A_426 {dimension_numbers = #tpu.dot_dimension_numbers<[1], [0], [0], [1], [0, 0, 1, 1], [], []>, transpose_lhs_hint = false} : vector<64x256xf32>, vector<256x512xf32>, vector<64x512xf32> -> vector<64x512xf32>
    %add3A_428 = vector.broadcast %get3A_15 : vector<64x1xf32> to vector<64x512xf32>
    %add3A_429 = arith.addf %dot_general3A_427, %add3A_428 : vector<64x512xf32>
    %swap3A_430 = arith.constant 384 : index
    %swap3A_431 = arith.constant 1024 : index
    %swap3A_432 = vector.load %arg8[%swap3A_430, %swap3A_431] : memref<512x2048xf32, #tpu.memory_space<vmem>>, vector<64x512xf32>
    tpu.vector_store %arg8[%swap3A_430, %swap3A_431], %add3A_429 {strides = array<i32>} : memref<512x2048xf32, #tpu.memory_space<vmem>>, vector<64x512xf32>,
    %get3A_433 = arith.constant 3 : index
    %get3A_434 = arith.constant 0 : index
    %get3A_435 = arith.constant 0 : index
    %get3A_436 = vector.load %arg6[%get3A_433, %get3A_434, %get3A_435] : memref<4x64x256xf32, #tpu.memory_space<vmem>>, vector<1x64x256xf32>
    %get3A_437 = vector.shape_cast %get3A_436 : vector<1x64x256xf32> to vector<64x256xf32>
    %dot_general3A_438 = arith.constant dense<0.000000e+00> : vector<64x512xf32>
    %dot_general3A_439 = tpu.matmul %get3A_437, %tanh3A_396, %dot_general3A_438 {dimension_numbers = #tpu.dot_dimension_numbers<[1], [0], [0], [1], [0, 0, 1, 1], [], []>, transpose_lhs_hint = false} : vector<64x256xf32>, vector<256x512xf32>, vector<64x512xf32> -> vector<64x512xf32>
    %add3A_440 = vector.broadcast %get3A_15 : vector<64x1xf32> to vector<64x512xf32>
    %add3A_441 = arith.addf %dot_general3A_439, %add3A_440 : vector<64x512xf32>
    %swap3A_442 = arith.constant 384 : index
    %swap3A_443 = arith.constant 1536 : index
    %swap3A_444 = vector.load %arg8[%swap3A_442, %swap3A_443] : memref<512x2048xf32, #tpu.memory_space<vmem>>, vector<64x512xf32>
    tpu.vector_store %arg8[%swap3A_442, %swap3A_443], %add3A_441 {strides = array<i32>} : memref<512x2048xf32, #tpu.memory_space<vmem>>, vector<64x512xf32>,
    %get3A_445 = arith.constant 7 : index
    %get3A_446 = arith.constant 0 : index
    %get3A_447 = arith.constant 0 : index
    %get3A_448 = vector.load %arg2[%get3A_445, %get3A_446, %get3A_447] : memref<8x512x128xf32, #tpu.memory_space<vmem>>, vector<1x512x128xf32>
    %get3A_449 = vector.shape_cast %get3A_448 : vector<1x512x128xf32> to vector<512x128xf32>
    %transpose3A_450 = tpu.transpose %get3A_449, [1, 0] : vector<512x128xf32> -> vector<128x512xf32>
    %dot_general3A_451 = arith.constant dense<0.000000e+00> : vector<256x512xf32>
    %dot_general3A_452 = tpu.matmul %get3A_6, %transpose3A_450, %dot_general3A_451 {dimension_numbers = #tpu.dot_dimension_numbers<[1], [0], [0], [1], [0, 0, 1, 1], [], []>, transpose_lhs_hint = false} : vector<256x128xf32>, vector<128x512xf32>, vector<256x512xf32> -> vector<256x512xf32>
    %dot_general3A_453 = arith.constant dense<0.000000e+00> : vector<256x512xf32>
    %dot_general3A_454 = tpu.matmul %get3A_9, %tanh3A_396, %dot_general3A_453 {dimension_numbers = #tpu.dot_dimension_numbers<[1], [0], [0], [1], [0, 0, 1, 1], [], []>, transpose_lhs_hint = false} : vector<256x256xf32>, vector<256x512xf32>, vector<256x512xf32> -> vector<256x512xf32>
    %add3A_455 = arith.addf %dot_general3A_452, %dot_general3A_454 : vector<256x512xf32>
    %add3A_456 = vector.broadcast %get3A_12 : vector<256x1xf32> to vector<256x512xf32>
    %add3A_457 = arith.addf %add3A_455, %add3A_456 : vector<256x512xf32>
    %tanh3A_458 = math.tanh %add3A_457 : vector<256x512xf32>
    %get3A_459 = arith.constant 0 : index
    %get3A_460 = arith.constant 0 : index
    %get3A_461 = arith.constant 0 : index
    %get3A_462 = vector.load %arg6[%get3A_459, %get3A_460, %get3A_461] : memref<4x64x256xf32, #tpu.memory_space<vmem>>, vector<1x64x256xf32>
    %get3A_463 = vector.shape_cast %get3A_462 : vector<1x64x256xf32> to vector<64x256xf32>
    %dot_general3A_464 = arith.constant dense<0.000000e+00> : vector<64x512xf32>
    %dot_general3A_465 = tpu.matmul %get3A_463, %tanh3A_458, %dot_general3A_464 {dimension_numbers = #tpu.dot_dimension_numbers<[1], [0], [0], [1], [0, 0, 1, 1], [], []>, transpose_lhs_hint = false} : vector<64x256xf32>, vector<256x512xf32>, vector<64x512xf32> -> vector<64x512xf32>
    %add3A_466 = vector.broadcast %get3A_15 : vector<64x1xf32> to vector<64x512xf32>
    %add3A_467 = arith.addf %dot_general3A_465, %add3A_466 : vector<64x512xf32>
    %swap3A_468 = arith.constant 448 : index
    %swap3A_469 = arith.constant 0 : index
    %swap3A_470 = vector.load %arg8[%swap3A_468, %swap3A_469] : memref<512x2048xf32, #tpu.memory_space<vmem>>, vector<64x512xf32>
    tpu.vector_store %arg8[%swap3A_468, %swap3A_469], %add3A_467 {strides = array<i32>} : memref<512x2048xf32, #tpu.memory_space<vmem>>, vector<64x512xf32>,
    %get3A_471 = arith.constant 1 : index
    %get3A_472 = arith.constant 0 : index
    %get3A_473 = arith.constant 0 : index
    %get3A_474 = vector.load %arg6[%get3A_471, %get3A_472, %get3A_473] : memref<4x64x256xf32, #tpu.memory_space<vmem>>, vector<1x64x256xf32>
    %get3A_475 = vector.shape_cast %get3A_474 : vector<1x64x256xf32> to vector<64x256xf32>
    %dot_general3A_476 = arith.constant dense<0.000000e+00> : vector<64x512xf32>
    %dot_general3A_477 = tpu.matmul %get3A_475, %tanh3A_458, %dot_general3A_476 {dimension_numbers = #tpu.dot_dimension_numbers<[1], [0], [0], [1], [0, 0, 1, 1], [], []>, transpose_lhs_hint = false} : vector<64x256xf32>, vector<256x512xf32>, vector<64x512xf32> -> vector<64x512xf32>
    %add3A_478 = vector.broadcast %get3A_15 : vector<64x1xf32> to vector<64x512xf32>
    %add3A_479 = arith.addf %dot_general3A_477, %add3A_478 : vector<64x512xf32>
    %swap3A_480 = arith.constant 448 : index
    %swap3A_481 = arith.constant 512 : index
    %swap3A_482 = vector.load %arg8[%swap3A_480, %swap3A_481] : memref<512x2048xf32, #tpu.memory_space<vmem>>, vector<64x512xf32>
    tpu.vector_store %arg8[%swap3A_480, %swap3A_481], %add3A_479 {strides = array<i32>} : memref<512x2048xf32, #tpu.memory_space<vmem>>, vector<64x512xf32>,
    %get3A_483 = arith.constant 2 : index
    %get3A_484 = arith.constant 0 : index
    %get3A_485 = arith.constant 0 : index
    %get3A_486 = vector.load %arg6[%get3A_483, %get3A_484, %get3A_485] : memref<4x64x256xf32, #tpu.memory_space<vmem>>, vector<1x64x256xf32>
    %get3A_487 = vector.shape_cast %get3A_486 : vector<1x64x256xf32> to vector<64x256xf32>
    %dot_general3A_488 = arith.constant dense<0.000000e+00> : vector<64x512xf32>
    %dot_general3A_489 = tpu.matmul %get3A_487, %tanh3A_458, %dot_general3A_488 {dimension_numbers = #tpu.dot_dimension_numbers<[1], [0], [0], [1], [0, 0, 1, 1], [], []>, transpose_lhs_hint = false} : vector<64x256xf32>, vector<256x512xf32>, vector<64x512xf32> -> vector<64x512xf32>
    %add3A_490 = vector.broadcast %get3A_15 : vector<64x1xf32> to vector<64x512xf32>
    %add3A_491 = arith.addf %dot_general3A_489, %add3A_490 : vector<64x512xf32>
    %swap3A_492 = arith.constant 448 : index
    %swap3A_493 = arith.constant 1024 : index
    %swap3A_494 = vector.load %arg8[%swap3A_492, %swap3A_493] : memref<512x2048xf32, #tpu.memory_space<vmem>>, vector<64x512xf32>
    tpu.vector_store %arg8[%swap3A_492, %swap3A_493], %add3A_491 {strides = array<i32>} : memref<512x2048xf32, #tpu.memory_space<vmem>>, vector<64x512xf32>,
    %get3A_495 = arith.constant 3 : index
    %get3A_496 = arith.constant 0 : index
    %get3A_497 = arith.constant 0 : index
    %get3A_498 = vector.load %arg6[%get3A_495, %get3A_496, %get3A_497] : memref<4x64x256xf32, #tpu.memory_space<vmem>>, vector<1x64x256xf32>
    %get3A_499 = vector.shape_cast %get3A_498 : vector<1x64x256xf32> to vector<64x256xf32>
    %dot_general3A_500 = arith.constant dense<0.000000e+00> : vector<64x512xf32>
    %dot_general3A_501 = tpu.matmul %get3A_499, %tanh3A_458, %dot_general3A_500 {dimension_numbers = #tpu.dot_dimension_numbers<[1], [0], [0], [1], [0, 0, 1, 1], [], []>, transpose_lhs_hint = false} : vector<64x256xf32>, vector<256x512xf32>, vector<64x512xf32> -> vector<64x512xf32>
    %add3A_502 = vector.broadcast %get3A_15 : vector<64x1xf32> to vector<64x512xf32>
    %add3A_503 = arith.addf %dot_general3A_501, %add3A_502 : vector<64x512xf32>
    %swap3A_504 = arith.constant 448 : index
    %swap3A_505 = arith.constant 1536 : index
    %swap3A_506 = vector.load %arg8[%swap3A_504, %swap3A_505] : memref<512x2048xf32, #tpu.memory_space<vmem>>, vector<64x512xf32>
    tpu.vector_store %arg8[%swap3A_504, %swap3A_505], %add3A_503 {strides = array<i32>} : memref<512x2048xf32, #tpu.memory_space<vmem>>, vector<64x512xf32>,
    %swap3A_507 = arith.constant 0 : index
    %swap3A_508 = arith.constant 0 : index
    %swap3A_509 = vector.load %arg9[%swap3A_507, %swap3A_508] : memref<256x512xf32, #tpu.memory_space<vmem>>, vector<256x512xf32>
    tpu.vector_store %arg9[%swap3A_507, %swap3A_508], %tanh3A_458 {strides = array<i32>} : memref<256x512xf32, #tpu.memory_space<vmem>>, vector<256x512xf32>,
    return
  }
  func.func @transform_0(%arg0: i32, %arg1: i32) -> (i32, i32, i32) {
    %c0_i32 = arith.constant 0 : i32
    %c0_i32_0 = arith.constant 0 : i32
    return %arg1, %arg0, %c0_i32 : i32, i32, i32
  }
  func.func @transform_1(%arg0: i32, %arg1: i32) -> (i32, i32) {
    %c0_i32 = arith.constant 0 : i32
    %c0_i32_0 = arith.constant 0 : i32
    %c0_i32_1 = arith.constant 0 : i32
    return %c0_i32, %c0_i32_0 : i32, i32
  }
  func.func @transform_2(%arg0: i32, %arg1: i32) -> (i32, i32) {
    %c0_i32 = arith.constant 0 : i32
    %c0_i32_0 = arith.constant 0 : i32
    %c0_i32_1 = arith.constant 0 : i32
    return %c0_i32, %c0_i32_0 : i32, i32
  }
  func.func @transform_3(%arg0: i32, %arg1: i32) -> (i32, i32) {
    %c0_i32 = arith.constant 0 : i32
    %c0_i32_0 = arith.constant 0 : i32
    %c0_i32_1 = arith.constant 0 : i32
    return %c0_i32, %c0_i32_0 : i32, i32
  }
  func.func @transform_4(%arg0: i32, %arg1: i32) -> (i32, i32, i32) {
    %c0_i32 = arith.constant 0 : i32
    %c0_i32_0 = arith.constant 0 : i32
    %c0_i32_1 = arith.constant 0 : i32
    %c0_i32_2 = arith.constant 0 : i32
    return %c0_i32, %c0_i32_0, %c0_i32_1 : i32, i32, i32
  }
  func.func @transform_5(%arg0: i32, %arg1: i32) -> (i32, i32) {
    %c0_i32 = arith.constant 0 : i32
    %c0_i32_0 = arith.constant 0 : i32
    %c0_i32_1 = arith.constant 0 : i32
    return %c0_i32, %c0_i32_0 : i32, i32
  }
  func.func @transform_6(%arg0: i32, %arg1: i32) -> (i32, i32) {
    %add3A = arith.constant 0 : i32
    %add3A_0 = arith.addi %add3A, %arg0 : i32
    %c0_i32 = arith.constant 0 : i32
    return %arg1, %add3A_0 : i32, i32
  }
}

module attributes {stable_mosaic.version = 14 : i64} {
  func.func @body(%arg0: i32, %arg1: i32, %arg2: memref<8x512x128xf32, #tpu.memory_space<vmem>>, %arg3: memref<256x128xf32, #tpu.memory_space<vmem>>, %arg4: memref<256x256xf32, #tpu.memory_space<vmem>>, %arg5: memref<256x1xf32, #tpu.memory_space<vmem>>, %arg6: memref<4x64x256xf32, #tpu.memory_space<vmem>>, %arg7: memref<64x1xf32, #tpu.memory_space<vmem>>, %arg8: memref<12800x4096xf32, #tpu.memory_space<hbm>>, %arg9: memref<512x2048xf32, #tpu.memory_space<vmem>>, %arg10: memref<256x512xf32, #tpu.memory_space<vmem>>) attributes {dimension_semantics = [#tpu.dimension_semantics<parallel>, #tpu.dimension_semantics<arbitrary>], iteration_bounds = array<i64: 1, 25>, scalar_prefetch = 0 : i64, scratch_operands = 1 : i64, tpu.core_type = #tpu.core_type<tc>, window_params = [{transform_indices = @transform_0, window_bounds = array<i64: 8, 512, 128>}, {pipeline_mode = #tpu.pipeline_mode<synchronous>, transform_indices = @transform_1, window_bounds = array<i64: 256, 128>}, {pipeline_mode = #tpu.pipeline_mode<synchronous>, transform_indices = @transform_2, window_bounds = array<i64: 256, 256>}, {pipeline_mode = #tpu.pipeline_mode<synchronous>, transform_indices = @transform_3, window_bounds = array<i64: 256, 1>}, {pipeline_mode = #tpu.pipeline_mode<synchronous>, transform_indices = @transform_4, window_bounds = array<i64: 4, 64, 256>}, {pipeline_mode = #tpu.pipeline_mode<synchronous>, transform_indices = @transform_5, window_bounds = array<i64: 64, 1>}, {}, {transform_indices = @transform_7, window_bounds = array<i64: 512, 2048>}]} {
    %eq3A = arith.constant 0 : i32
    %eq3A_0 = arith.cmpi eq, %arg1, %eq3A : i32
    %convert_element_type3A = arith.extui %eq3A_0 : i1 to i32
    %cond3A = arith.constant 0 : i32
    %cond3A_1 = arith.cmpi ne, %convert_element_type3A, %cond3A : i32
    scf.if %cond3A_1 {
      %broadcast_in_dim3A = arith.constant 0.000000e+00 : f32
      %broadcast_in_dim3A_510 = vector.broadcast %broadcast_in_dim3A : f32 to vector<256x512xf32>
      %swap3A_511 = arith.constant 0 : index
      %swap3A_512 = arith.constant 0 : index
      %swap3A_513 = vector.load %arg10[%swap3A_511, %swap3A_512] : memref<256x512xf32, #tpu.memory_space<vmem>>, vector<256x512xf32>
      tpu.vector_store %arg10[%swap3A_511, %swap3A_512], %broadcast_in_dim3A_510 {strides = array<i32>} : memref<256x512xf32, #tpu.memory_space<vmem>>, vector<256x512xf32>,
    } else {
    }
    %get3A = arith.constant 0 : index
    %get3A_2 = arith.constant 0 : index
    %get3A_3 = vector.load %arg10[%get3A, %get3A_2] : memref<256x512xf32, #tpu.memory_space<vmem>>, vector<256x512xf32>
    %get3A_4 = arith.constant 0 : index
    %get3A_5 = arith.constant 0 : index
    %get3A_6 = vector.load %arg3[%get3A_4, %get3A_5] : memref<256x128xf32, #tpu.memory_space<vmem>>, vector<256x128xf32>
    %get3A_7 = arith.constant 0 : index
    %get3A_8 = arith.constant 0 : index
    %get3A_9 = vector.load %arg4[%get3A_7, %get3A_8] : memref<256x256xf32, #tpu.memory_space<vmem>>, vector<256x256xf32>
    %get3A_10 = arith.constant 0 : index
    %get3A_11 = arith.constant 0 : index
    %get3A_12 = vector.load %arg5[%get3A_10, %get3A_11] : memref<256x1xf32, #tpu.memory_space<vmem>>, vector<256x1xf32>
    %get3A_13 = arith.constant 0 : index
    %get3A_14 = arith.constant 0 : index
    %get3A_15 = vector.load %arg7[%get3A_13, %get3A_14] : memref<64x1xf32, #tpu.memory_space<vmem>>, vector<64x1xf32>
    %get3A_16 = arith.constant 0 : index
    %get3A_17 = arith.constant 0 : index
    %get3A_18 = arith.constant 0 : index
    %get3A_19 = vector.load %arg2[%get3A_16, %get3A_17, %get3A_18] : memref<8x512x128xf32, #tpu.memory_space<vmem>>, vector<1x512x128xf32>
    %get3A_20 = vector.shape_cast %get3A_19 : vector<1x512x128xf32> to vector<512x128xf32>
    %transpose3A = tpu.transpose %get3A_20, [1, 0] : vector<512x128xf32> -> vector<128x512xf32>
    %dot_general3A = arith.constant dense<0.000000e+00> : vector<256x512xf32>
    %dot_general3A_21 = tpu.matmul %get3A_6, %transpose3A, %dot_general3A {dimension_numbers = #tpu.dot_dimension_numbers<[1], [0], [0], [1], [0, 0, 1, 1], [], []>, transpose_lhs_hint = false} : vector<256x128xf32>, vector<128x512xf32>, vector<256x512xf32> -> vector<256x512xf32>
    %dot_general3A_22 = arith.constant dense<0.000000e+00> : vector<256x512xf32>
    %dot_general3A_23 = tpu.matmul %get3A_9, %get3A_3, %dot_general3A_22 {dimension_numbers = #tpu.dot_dimension_numbers<[1], [0], [0], [1], [0, 0, 1, 1], [], []>, transpose_lhs_hint = false} : vector<256x256xf32>, vector<256x512xf32>, vector<256x512xf32> -> vector<256x512xf32>
    %add3A = arith.addf %dot_general3A_21, %dot_general3A_23 : vector<256x512xf32>
    %add3A_24 = vector.broadcast %get3A_12 : vector<256x1xf32> to vector<256x512xf32>
    %add3A_25 = arith.addf %add3A, %add3A_24 : vector<256x512xf32>
    %tanh3A = math.tanh %add3A_25 : vector<256x512xf32>
    %get3A_26 = arith.constant 0 : index
    %get3A_27 = arith.constant 0 : index
    %get3A_28 = arith.constant 0 : index
    %get3A_29 = vector.load %arg6[%get3A_26, %get3A_27, %get3A_28] : memref<4x64x256xf32, #tpu.memory_space<vmem>>, vector<1x64x256xf32>
    %get3A_30 = vector.shape_cast %get3A_29 : vector<1x64x256xf32> to vector<64x256xf32>
    %dot_general3A_31 = arith.constant dense<0.000000e+00> : vector<64x512xf32>
    %dot_general3A_32 = tpu.matmul %get3A_30, %tanh3A, %dot_general3A_31 {dimension_numbers = #tpu.dot_dimension_numbers<[1], [0], [0], [1], [0, 0, 1, 1], [], []>, transpose_lhs_hint = false} : vector<64x256xf32>, vector<256x512xf32>, vector<64x512xf32> -> vector<64x512xf32>
    %add3A_33 = vector.broadcast %get3A_15 : vector<64x1xf32> to vector<64x512xf32>
    %add3A_34 = arith.addf %dot_general3A_32, %add3A_33 : vector<64x512xf32>
    %swap3A = arith.constant 0 : index
    %swap3A_35 = arith.constant 0 : index
    %swap3A_36 = vector.load %arg9[%swap3A, %swap3A_35] : memref<512x2048xf32, #tpu.memory_space<vmem>>, vector<64x512xf32>
    tpu.vector_store %arg9[%swap3A, %swap3A_35], %add3A_34 {strides = array<i32>} : memref<512x2048xf32, #tpu.memory_space<vmem>>, vector<64x512xf32>,
    %get3A_37 = arith.constant 1 : index
    %get3A_38 = arith.constant 0 : index
    %get3A_39 = arith.constant 0 : index
    %get3A_40 = vector.load %arg6[%get3A_37, %get3A_38, %get3A_39] : memref<4x64x256xf32, #tpu.memory_space<vmem>>, vector<1x64x256xf32>
    %get3A_41 = vector.shape_cast %get3A_40 : vector<1x64x256xf32> to vector<64x256xf32>
    %dot_general3A_42 = arith.constant dense<0.000000e+00> : vector<64x512xf32>
    %dot_general3A_43 = tpu.matmul %get3A_41, %tanh3A, %dot_general3A_42 {dimension_numbers = #tpu.dot_dimension_numbers<[1], [0], [0], [1], [0, 0, 1, 1], [], []>, transpose_lhs_hint = false} : vector<64x256xf32>, vector<256x512xf32>, vector<64x512xf32> -> vector<64x512xf32>
    %add3A_44 = vector.broadcast %get3A_15 : vector<64x1xf32> to vector<64x512xf32>
    %add3A_45 = arith.addf %dot_general3A_43, %add3A_44 : vector<64x512xf32>
    %swap3A_46 = arith.constant 0 : index
    %swap3A_47 = arith.constant 512 : index
    %swap3A_48 = vector.load %arg9[%swap3A_46, %swap3A_47] : memref<512x2048xf32, #tpu.memory_space<vmem>>, vector<64x512xf32>
    tpu.vector_store %arg9[%swap3A_46, %swap3A_47], %add3A_45 {strides = array<i32>} : memref<512x2048xf32, #tpu.memory_space<vmem>>, vector<64x512xf32>,
    %get3A_49 = arith.constant 2 : index
    %get3A_50 = arith.constant 0 : index
    %get3A_51 = arith.constant 0 : index
    %get3A_52 = vector.load %arg6[%get3A_49, %get3A_50, %get3A_51] : memref<4x64x256xf32, #tpu.memory_space<vmem>>, vector<1x64x256xf32>
    %get3A_53 = vector.shape_cast %get3A_52 : vector<1x64x256xf32> to vector<64x256xf32>
    %dot_general3A_54 = arith.constant dense<0.000000e+00> : vector<64x512xf32>
    %dot_general3A_55 = tpu.matmul %get3A_53, %tanh3A, %dot_general3A_54 {dimension_numbers = #tpu.dot_dimension_numbers<[1], [0], [0], [1], [0, 0, 1, 1], [], []>, transpose_lhs_hint = false} : vector<64x256xf32>, vector<256x512xf32>, vector<64x512xf32> -> vector<64x512xf32>
    %add3A_56 = vector.broadcast %get3A_15 : vector<64x1xf32> to vector<64x512xf32>
    %add3A_57 = arith.addf %dot_general3A_55, %add3A_56 : vector<64x512xf32>
    %swap3A_58 = arith.constant 0 : index
    %swap3A_59 = arith.constant 1024 : index
    %swap3A_60 = vector.load %arg9[%swap3A_58, %swap3A_59] : memref<512x2048xf32, #tpu.memory_space<vmem>>, vector<64x512xf32>
    tpu.vector_store %arg9[%swap3A_58, %swap3A_59], %add3A_57 {strides = array<i32>} : memref<512x2048xf32, #tpu.memory_space<vmem>>, vector<64x512xf32>,
    %get3A_61 = arith.constant 3 : index
    %get3A_62 = arith.constant 0 : index
    %get3A_63 = arith.constant 0 : index
    %get3A_64 = vector.load %arg6[%get3A_61, %get3A_62, %get3A_63] : memref<4x64x256xf32, #tpu.memory_space<vmem>>, vector<1x64x256xf32>
    %get3A_65 = vector.shape_cast %get3A_64 : vector<1x64x256xf32> to vector<64x256xf32>
    %dot_general3A_66 = arith.constant dense<0.000000e+00> : vector<64x512xf32>
    %dot_general3A_67 = tpu.matmul %get3A_65, %tanh3A, %dot_general3A_66 {dimension_numbers = #tpu.dot_dimension_numbers<[1], [0], [0], [1], [0, 0, 1, 1], [], []>, transpose_lhs_hint = false} : vector<64x256xf32>, vector<256x512xf32>, vector<64x512xf32> -> vector<64x512xf32>
    %add3A_68 = vector.broadcast %get3A_15 : vector<64x1xf32> to vector<64x512xf32>
    %add3A_69 = arith.addf %dot_general3A_67, %add3A_68 : vector<64x512xf32>
    %swap3A_70 = arith.constant 0 : index
    %swap3A_71 = arith.constant 1536 : index
    %swap3A_72 = vector.load %arg9[%swap3A_70, %swap3A_71] : memref<512x2048xf32, #tpu.memory_space<vmem>>, vector<64x512xf32>
    tpu.vector_store %arg9[%swap3A_70, %swap3A_71], %add3A_69 {strides = array<i32>} : memref<512x2048xf32, #tpu.memory_space<vmem>>, vector<64x512xf32>,
    %get3A_73 = arith.constant 1 : index
    %get3A_74 = arith.constant 0 : index
    %get3A_75 = arith.constant 0 : index
    %get3A_76 = vector.load %arg2[%get3A_73, %get3A_74, %get3A_75] : memref<8x512x128xf32, #tpu.memory_space<vmem>>, vector<1x512x128xf32>
    %get3A_77 = vector.shape_cast %get3A_76 : vector<1x512x128xf32> to vector<512x128xf32>
    %transpose3A_78 = tpu.transpose %get3A_77, [1, 0] : vector<512x128xf32> -> vector<128x512xf32>
    %dot_general3A_79 = arith.constant dense<0.000000e+00> : vector<256x512xf32>
    %dot_general3A_80 = tpu.matmul %get3A_6, %transpose3A_78, %dot_general3A_79 {dimension_numbers = #tpu.dot_dimension_numbers<[1], [0], [0], [1], [0, 0, 1, 1], [], []>, transpose_lhs_hint = false} : vector<256x128xf32>, vector<128x512xf32>, vector<256x512xf32> -> vector<256x512xf32>
    %dot_general3A_81 = arith.constant dense<0.000000e+00> : vector<256x512xf32>
    %dot_general3A_82 = tpu.matmul %get3A_9, %tanh3A, %dot_general3A_81 {dimension_numbers = #tpu.dot_dimension_numbers<[1], [0], [0], [1], [0, 0, 1, 1], [], []>, transpose_lhs_hint = false} : vector<256x256xf32>, vector<256x512xf32>, vector<256x512xf32> -> vector<256x512xf32>
    %add3A_83 = arith.addf %dot_general3A_80, %dot_general3A_82 : vector<256x512xf32>
    %add3A_84 = vector.broadcast %get3A_12 : vector<256x1xf32> to vector<256x512xf32>
    %add3A_85 = arith.addf %add3A_83, %add3A_84 : vector<256x512xf32>
    %tanh3A_86 = math.tanh %add3A_85 : vector<256x512xf32>
    %get3A_87 = arith.constant 0 : index
    %get3A_88 = arith.constant 0 : index
    %get3A_89 = arith.constant 0 : index
    %get3A_90 = vector.load %arg6[%get3A_87, %get3A_88, %get3A_89] : memref<4x64x256xf32, #tpu.memory_space<vmem>>, vector<1x64x256xf32>
    %get3A_91 = vector.shape_cast %get3A_90 : vector<1x64x256xf32> to vector<64x256xf32>
    %dot_general3A_92 = arith.constant dense<0.000000e+00> : vector<64x512xf32>
    %dot_general3A_93 = tpu.matmul %get3A_91, %tanh3A_86, %dot_general3A_92 {dimension_numbers = #tpu.dot_dimension_numbers<[1], [0], [0], [1], [0, 0, 1, 1], [], []>, transpose_lhs_hint = false} : vector<64x256xf32>, vector<256x512xf32>, vector<64x512xf32> -> vector<64x512xf32>
    %add3A_94 = vector.broadcast %get3A_15 : vector<64x1xf32> to vector<64x512xf32>
    %add3A_95 = arith.addf %dot_general3A_93, %add3A_94 : vector<64x512xf32>
    %swap3A_96 = arith.constant 64 : index
    %swap3A_97 = arith.constant 0 : index
    %swap3A_98 = vector.load %arg9[%swap3A_96, %swap3A_97] : memref<512x2048xf32, #tpu.memory_space<vmem>>, vector<64x512xf32>
    tpu.vector_store %arg9[%swap3A_96, %swap3A_97], %add3A_95 {strides = array<i32>} : memref<512x2048xf32, #tpu.memory_space<vmem>>, vector<64x512xf32>,
    %get3A_99 = arith.constant 1 : index
    %get3A_100 = arith.constant 0 : index
    %get3A_101 = arith.constant 0 : index
    %get3A_102 = vector.load %arg6[%get3A_99, %get3A_100, %get3A_101] : memref<4x64x256xf32, #tpu.memory_space<vmem>>, vector<1x64x256xf32>
    %get3A_103 = vector.shape_cast %get3A_102 : vector<1x64x256xf32> to vector<64x256xf32>
    %dot_general3A_104 = arith.constant dense<0.000000e+00> : vector<64x512xf32>
    %dot_general3A_105 = tpu.matmul %get3A_103, %tanh3A_86, %dot_general3A_104 {dimension_numbers = #tpu.dot_dimension_numbers<[1], [0], [0], [1], [0, 0, 1, 1], [], []>, transpose_lhs_hint = false} : vector<64x256xf32>, vector<256x512xf32>, vector<64x512xf32> -> vector<64x512xf32>
    %add3A_106 = vector.broadcast %get3A_15 : vector<64x1xf32> to vector<64x512xf32>
    %add3A_107 = arith.addf %dot_general3A_105, %add3A_106 : vector<64x512xf32>
    %swap3A_108 = arith.constant 64 : index
    %swap3A_109 = arith.constant 512 : index
    %swap3A_110 = vector.load %arg9[%swap3A_108, %swap3A_109] : memref<512x2048xf32, #tpu.memory_space<vmem>>, vector<64x512xf32>
    tpu.vector_store %arg9[%swap3A_108, %swap3A_109], %add3A_107 {strides = array<i32>} : memref<512x2048xf32, #tpu.memory_space<vmem>>, vector<64x512xf32>,
    %get3A_111 = arith.constant 2 : index
    %get3A_112 = arith.constant 0 : index
    %get3A_113 = arith.constant 0 : index
    %get3A_114 = vector.load %arg6[%get3A_111, %get3A_112, %get3A_113] : memref<4x64x256xf32, #tpu.memory_space<vmem>>, vector<1x64x256xf32>
    %get3A_115 = vector.shape_cast %get3A_114 : vector<1x64x256xf32> to vector<64x256xf32>
    %dot_general3A_116 = arith.constant dense<0.000000e+00> : vector<64x512xf32>
    %dot_general3A_117 = tpu.matmul %get3A_115, %tanh3A_86, %dot_general3A_116 {dimension_numbers = #tpu.dot_dimension_numbers<[1], [0], [0], [1], [0, 0, 1, 1], [], []>, transpose_lhs_hint = false} : vector<64x256xf32>, vector<256x512xf32>, vector<64x512xf32> -> vector<64x512xf32>
    %add3A_118 = vector.broadcast %get3A_15 : vector<64x1xf32> to vector<64x512xf32>
    %add3A_119 = arith.addf %dot_general3A_117, %add3A_118 : vector<64x512xf32>
    %swap3A_120 = arith.constant 64 : index
    %swap3A_121 = arith.constant 1024 : index
    %swap3A_122 = vector.load %arg9[%swap3A_120, %swap3A_121] : memref<512x2048xf32, #tpu.memory_space<vmem>>, vector<64x512xf32>
    tpu.vector_store %arg9[%swap3A_120, %swap3A_121], %add3A_119 {strides = array<i32>} : memref<512x2048xf32, #tpu.memory_space<vmem>>, vector<64x512xf32>,
    %get3A_123 = arith.constant 3 : index
    %get3A_124 = arith.constant 0 : index
    %get3A_125 = arith.constant 0 : index
    %get3A_126 = vector.load %arg6[%get3A_123, %get3A_124, %get3A_125] : memref<4x64x256xf32, #tpu.memory_space<vmem>>, vector<1x64x256xf32>
    %get3A_127 = vector.shape_cast %get3A_126 : vector<1x64x256xf32> to vector<64x256xf32>
    %dot_general3A_128 = arith.constant dense<0.000000e+00> : vector<64x512xf32>
    %dot_general3A_129 = tpu.matmul %get3A_127, %tanh3A_86, %dot_general3A_128 {dimension_numbers = #tpu.dot_dimension_numbers<[1], [0], [0], [1], [0, 0, 1, 1], [], []>, transpose_lhs_hint = false} : vector<64x256xf32>, vector<256x512xf32>, vector<64x512xf32> -> vector<64x512xf32>
    %add3A_130 = vector.broadcast %get3A_15 : vector<64x1xf32> to vector<64x512xf32>
    %add3A_131 = arith.addf %dot_general3A_129, %add3A_130 : vector<64x512xf32>
    %swap3A_132 = arith.constant 64 : index
    %swap3A_133 = arith.constant 1536 : index
    %swap3A_134 = vector.load %arg9[%swap3A_132, %swap3A_133] : memref<512x2048xf32, #tpu.memory_space<vmem>>, vector<64x512xf32>
    tpu.vector_store %arg9[%swap3A_132, %swap3A_133], %add3A_131 {strides = array<i32>} : memref<512x2048xf32, #tpu.memory_space<vmem>>, vector<64x512xf32>,
    %get3A_135 = arith.constant 2 : index
    %get3A_136 = arith.constant 0 : index
    %get3A_137 = arith.constant 0 : index
    %get3A_138 = vector.load %arg2[%get3A_135, %get3A_136, %get3A_137] : memref<8x512x128xf32, #tpu.memory_space<vmem>>, vector<1x512x128xf32>
    %get3A_139 = vector.shape_cast %get3A_138 : vector<1x512x128xf32> to vector<512x128xf32>
    %transpose3A_140 = tpu.transpose %get3A_139, [1, 0] : vector<512x128xf32> -> vector<128x512xf32>
    %dot_general3A_141 = arith.constant dense<0.000000e+00> : vector<256x512xf32>
    %dot_general3A_142 = tpu.matmul %get3A_6, %transpose3A_140, %dot_general3A_141 {dimension_numbers = #tpu.dot_dimension_numbers<[1], [0], [0], [1], [0, 0, 1, 1], [], []>, transpose_lhs_hint = false} : vector<256x128xf32>, vector<128x512xf32>, vector<256x512xf32> -> vector<256x512xf32>
    %dot_general3A_143 = arith.constant dense<0.000000e+00> : vector<256x512xf32>
    %dot_general3A_144 = tpu.matmul %get3A_9, %tanh3A_86, %dot_general3A_143 {dimension_numbers = #tpu.dot_dimension_numbers<[1], [0], [0], [1], [0, 0, 1, 1], [], []>, transpose_lhs_hint = false} : vector<256x256xf32>, vector<256x512xf32>, vector<256x512xf32> -> vector<256x512xf32>
    %add3A_145 = arith.addf %dot_general3A_142, %dot_general3A_144 : vector<256x512xf32>
    %add3A_146 = vector.broadcast %get3A_12 : vector<256x1xf32> to vector<256x512xf32>
    %add3A_147 = arith.addf %add3A_145, %add3A_146 : vector<256x512xf32>
    %tanh3A_148 = math.tanh %add3A_147 : vector<256x512xf32>
    %get3A_149 = arith.constant 0 : index
    %get3A_150 = arith.constant 0 : index
    %get3A_151 = arith.constant 0 : index
    %get3A_152 = vector.load %arg6[%get3A_149, %get3A_150, %get3A_151] : memref<4x64x256xf32, #tpu.memory_space<vmem>>, vector<1x64x256xf32>
    %get3A_153 = vector.shape_cast %get3A_152 : vector<1x64x256xf32> to vector<64x256xf32>
    %dot_general3A_154 = arith.constant dense<0.000000e+00> : vector<64x512xf32>
    %dot_general3A_155 = tpu.matmul %get3A_153, %tanh3A_148, %dot_general3A_154 {dimension_numbers = #tpu.dot_dimension_numbers<[1], [0], [0], [1], [0, 0, 1, 1], [], []>, transpose_lhs_hint = false} : vector<64x256xf32>, vector<256x512xf32>, vector<64x512xf32> -> vector<64x512xf32>
    %add3A_156 = vector.broadcast %get3A_15 : vector<64x1xf32> to vector<64x512xf32>
    %add3A_157 = arith.addf %dot_general3A_155, %add3A_156 : vector<64x512xf32>
    %swap3A_158 = arith.constant 128 : index
    %swap3A_159 = arith.constant 0 : index
    %swap3A_160 = vector.load %arg9[%swap3A_158, %swap3A_159] : memref<512x2048xf32, #tpu.memory_space<vmem>>, vector<64x512xf32>
    tpu.vector_store %arg9[%swap3A_158, %swap3A_159], %add3A_157 {strides = array<i32>} : memref<512x2048xf32, #tpu.memory_space<vmem>>, vector<64x512xf32>,
    %get3A_161 = arith.constant 1 : index
    %get3A_162 = arith.constant 0 : index
    %get3A_163 = arith.constant 0 : index
    %get3A_164 = vector.load %arg6[%get3A_161, %get3A_162, %get3A_163] : memref<4x64x256xf32, #tpu.memory_space<vmem>>, vector<1x64x256xf32>
    %get3A_165 = vector.shape_cast %get3A_164 : vector<1x64x256xf32> to vector<64x256xf32>
    %dot_general3A_166 = arith.constant dense<0.000000e+00> : vector<64x512xf32>
    %dot_general3A_167 = tpu.matmul %get3A_165, %tanh3A_148, %dot_general3A_166 {dimension_numbers = #tpu.dot_dimension_numbers<[1], [0], [0], [1], [0, 0, 1, 1], [], []>, transpose_lhs_hint = false} : vector<64x256xf32>, vector<256x512xf32>, vector<64x512xf32> -> vector<64x512xf32>
    %add3A_168 = vector.broadcast %get3A_15 : vector<64x1xf32> to vector<64x512xf32>
    %add3A_169 = arith.addf %dot_general3A_167, %add3A_168 : vector<64x512xf32>
    %swap3A_170 = arith.constant 128 : index
    %swap3A_171 = arith.constant 512 : index
    %swap3A_172 = vector.load %arg9[%swap3A_170, %swap3A_171] : memref<512x2048xf32, #tpu.memory_space<vmem>>, vector<64x512xf32>
    tpu.vector_store %arg9[%swap3A_170, %swap3A_171], %add3A_169 {strides = array<i32>} : memref<512x2048xf32, #tpu.memory_space<vmem>>, vector<64x512xf32>,
    %get3A_173 = arith.constant 2 : index
    %get3A_174 = arith.constant 0 : index
    %get3A_175 = arith.constant 0 : index
    %get3A_176 = vector.load %arg6[%get3A_173, %get3A_174, %get3A_175] : memref<4x64x256xf32, #tpu.memory_space<vmem>>, vector<1x64x256xf32>
    %get3A_177 = vector.shape_cast %get3A_176 : vector<1x64x256xf32> to vector<64x256xf32>
    %dot_general3A_178 = arith.constant dense<0.000000e+00> : vector<64x512xf32>
    %dot_general3A_179 = tpu.matmul %get3A_177, %tanh3A_148, %dot_general3A_178 {dimension_numbers = #tpu.dot_dimension_numbers<[1], [0], [0], [1], [0, 0, 1, 1], [], []>, transpose_lhs_hint = false} : vector<64x256xf32>, vector<256x512xf32>, vector<64x512xf32> -> vector<64x512xf32>
    %add3A_180 = vector.broadcast %get3A_15 : vector<64x1xf32> to vector<64x512xf32>
    %add3A_181 = arith.addf %dot_general3A_179, %add3A_180 : vector<64x512xf32>
    %swap3A_182 = arith.constant 128 : index
    %swap3A_183 = arith.constant 1024 : index
    %swap3A_184 = vector.load %arg9[%swap3A_182, %swap3A_183] : memref<512x2048xf32, #tpu.memory_space<vmem>>, vector<64x512xf32>
    tpu.vector_store %arg9[%swap3A_182, %swap3A_183], %add3A_181 {strides = array<i32>} : memref<512x2048xf32, #tpu.memory_space<vmem>>, vector<64x512xf32>,
    %get3A_185 = arith.constant 3 : index
    %get3A_186 = arith.constant 0 : index
    %get3A_187 = arith.constant 0 : index
    %get3A_188 = vector.load %arg6[%get3A_185, %get3A_186, %get3A_187] : memref<4x64x256xf32, #tpu.memory_space<vmem>>, vector<1x64x256xf32>
    %get3A_189 = vector.shape_cast %get3A_188 : vector<1x64x256xf32> to vector<64x256xf32>
    %dot_general3A_190 = arith.constant dense<0.000000e+00> : vector<64x512xf32>
    %dot_general3A_191 = tpu.matmul %get3A_189, %tanh3A_148, %dot_general3A_190 {dimension_numbers = #tpu.dot_dimension_numbers<[1], [0], [0], [1], [0, 0, 1, 1], [], []>, transpose_lhs_hint = false} : vector<64x256xf32>, vector<256x512xf32>, vector<64x512xf32> -> vector<64x512xf32>
    %add3A_192 = vector.broadcast %get3A_15 : vector<64x1xf32> to vector<64x512xf32>
    %add3A_193 = arith.addf %dot_general3A_191, %add3A_192 : vector<64x512xf32>
    %swap3A_194 = arith.constant 128 : index
    %swap3A_195 = arith.constant 1536 : index
    %swap3A_196 = vector.load %arg9[%swap3A_194, %swap3A_195] : memref<512x2048xf32, #tpu.memory_space<vmem>>, vector<64x512xf32>
    tpu.vector_store %arg9[%swap3A_194, %swap3A_195], %add3A_193 {strides = array<i32>} : memref<512x2048xf32, #tpu.memory_space<vmem>>, vector<64x512xf32>,
    %get3A_197 = arith.constant 3 : index
    %get3A_198 = arith.constant 0 : index
    %get3A_199 = arith.constant 0 : index
    %get3A_200 = vector.load %arg2[%get3A_197, %get3A_198, %get3A_199] : memref<8x512x128xf32, #tpu.memory_space<vmem>>, vector<1x512x128xf32>
    %get3A_201 = vector.shape_cast %get3A_200 : vector<1x512x128xf32> to vector<512x128xf32>
    %transpose3A_202 = tpu.transpose %get3A_201, [1, 0] : vector<512x128xf32> -> vector<128x512xf32>
    %dot_general3A_203 = arith.constant dense<0.000000e+00> : vector<256x512xf32>
    %dot_general3A_204 = tpu.matmul %get3A_6, %transpose3A_202, %dot_general3A_203 {dimension_numbers = #tpu.dot_dimension_numbers<[1], [0], [0], [1], [0, 0, 1, 1], [], []>, transpose_lhs_hint = false} : vector<256x128xf32>, vector<128x512xf32>, vector<256x512xf32> -> vector<256x512xf32>
    %dot_general3A_205 = arith.constant dense<0.000000e+00> : vector<256x512xf32>
    %dot_general3A_206 = tpu.matmul %get3A_9, %tanh3A_148, %dot_general3A_205 {dimension_numbers = #tpu.dot_dimension_numbers<[1], [0], [0], [1], [0, 0, 1, 1], [], []>, transpose_lhs_hint = false} : vector<256x256xf32>, vector<256x512xf32>, vector<256x512xf32> -> vector<256x512xf32>
    %add3A_207 = arith.addf %dot_general3A_204, %dot_general3A_206 : vector<256x512xf32>
    %add3A_208 = vector.broadcast %get3A_12 : vector<256x1xf32> to vector<256x512xf32>
    %add3A_209 = arith.addf %add3A_207, %add3A_208 : vector<256x512xf32>
    %tanh3A_210 = math.tanh %add3A_209 : vector<256x512xf32>
    %get3A_211 = arith.constant 0 : index
    %get3A_212 = arith.constant 0 : index
    %get3A_213 = arith.constant 0 : index
    %get3A_214 = vector.load %arg6[%get3A_211, %get3A_212, %get3A_213] : memref<4x64x256xf32, #tpu.memory_space<vmem>>, vector<1x64x256xf32>
    %get3A_215 = vector.shape_cast %get3A_214 : vector<1x64x256xf32> to vector<64x256xf32>
    %dot_general3A_216 = arith.constant dense<0.000000e+00> : vector<64x512xf32>
    %dot_general3A_217 = tpu.matmul %get3A_215, %tanh3A_210, %dot_general3A_216 {dimension_numbers = #tpu.dot_dimension_numbers<[1], [0], [0], [1], [0, 0, 1, 1], [], []>, transpose_lhs_hint = false} : vector<64x256xf32>, vector<256x512xf32>, vector<64x512xf32> -> vector<64x512xf32>
    %add3A_218 = vector.broadcast %get3A_15 : vector<64x1xf32> to vector<64x512xf32>
    %add3A_219 = arith.addf %dot_general3A_217, %add3A_218 : vector<64x512xf32>
    %swap3A_220 = arith.constant 192 : index
    %swap3A_221 = arith.constant 0 : index
    %swap3A_222 = vector.load %arg9[%swap3A_220, %swap3A_221] : memref<512x2048xf32, #tpu.memory_space<vmem>>, vector<64x512xf32>
    tpu.vector_store %arg9[%swap3A_220, %swap3A_221], %add3A_219 {strides = array<i32>} : memref<512x2048xf32, #tpu.memory_space<vmem>>, vector<64x512xf32>,
    %get3A_223 = arith.constant 1 : index
    %get3A_224 = arith.constant 0 : index
    %get3A_225 = arith.constant 0 : index
    %get3A_226 = vector.load %arg6[%get3A_223, %get3A_224, %get3A_225] : memref<4x64x256xf32, #tpu.memory_space<vmem>>, vector<1x64x256xf32>
    %get3A_227 = vector.shape_cast %get3A_226 : vector<1x64x256xf32> to vector<64x256xf32>
    %dot_general3A_228 = arith.constant dense<0.000000e+00> : vector<64x512xf32>
    %dot_general3A_229 = tpu.matmul %get3A_227, %tanh3A_210, %dot_general3A_228 {dimension_numbers = #tpu.dot_dimension_numbers<[1], [0], [0], [1], [0, 0, 1, 1], [], []>, transpose_lhs_hint = false} : vector<64x256xf32>, vector<256x512xf32>, vector<64x512xf32> -> vector<64x512xf32>
    %add3A_230 = vector.broadcast %get3A_15 : vector<64x1xf32> to vector<64x512xf32>
    %add3A_231 = arith.addf %dot_general3A_229, %add3A_230 : vector<64x512xf32>
    %swap3A_232 = arith.constant 192 : index
    %swap3A_233 = arith.constant 512 : index
    %swap3A_234 = vector.load %arg9[%swap3A_232, %swap3A_233] : memref<512x2048xf32, #tpu.memory_space<vmem>>, vector<64x512xf32>
    tpu.vector_store %arg9[%swap3A_232, %swap3A_233], %add3A_231 {strides = array<i32>} : memref<512x2048xf32, #tpu.memory_space<vmem>>, vector<64x512xf32>,
    %get3A_235 = arith.constant 2 : index
    %get3A_236 = arith.constant 0 : index
    %get3A_237 = arith.constant 0 : index
    %get3A_238 = vector.load %arg6[%get3A_235, %get3A_236, %get3A_237] : memref<4x64x256xf32, #tpu.memory_space<vmem>>, vector<1x64x256xf32>
    %get3A_239 = vector.shape_cast %get3A_238 : vector<1x64x256xf32> to vector<64x256xf32>
    %dot_general3A_240 = arith.constant dense<0.000000e+00> : vector<64x512xf32>
    %dot_general3A_241 = tpu.matmul %get3A_239, %tanh3A_210, %dot_general3A_240 {dimension_numbers = #tpu.dot_dimension_numbers<[1], [0], [0], [1], [0, 0, 1, 1], [], []>, transpose_lhs_hint = false} : vector<64x256xf32>, vector<256x512xf32>, vector<64x512xf32> -> vector<64x512xf32>
    %add3A_242 = vector.broadcast %get3A_15 : vector<64x1xf32> to vector<64x512xf32>
    %add3A_243 = arith.addf %dot_general3A_241, %add3A_242 : vector<64x512xf32>
    %swap3A_244 = arith.constant 192 : index
    %swap3A_245 = arith.constant 1024 : index
    %swap3A_246 = vector.load %arg9[%swap3A_244, %swap3A_245] : memref<512x2048xf32, #tpu.memory_space<vmem>>, vector<64x512xf32>
    tpu.vector_store %arg9[%swap3A_244, %swap3A_245], %add3A_243 {strides = array<i32>} : memref<512x2048xf32, #tpu.memory_space<vmem>>, vector<64x512xf32>,
    %get3A_247 = arith.constant 3 : index
    %get3A_248 = arith.constant 0 : index
    %get3A_249 = arith.constant 0 : index
    %get3A_250 = vector.load %arg6[%get3A_247, %get3A_248, %get3A_249] : memref<4x64x256xf32, #tpu.memory_space<vmem>>, vector<1x64x256xf32>
    %get3A_251 = vector.shape_cast %get3A_250 : vector<1x64x256xf32> to vector<64x256xf32>
    %dot_general3A_252 = arith.constant dense<0.000000e+00> : vector<64x512xf32>
    %dot_general3A_253 = tpu.matmul %get3A_251, %tanh3A_210, %dot_general3A_252 {dimension_numbers = #tpu.dot_dimension_numbers<[1], [0], [0], [1], [0, 0, 1, 1], [], []>, transpose_lhs_hint = false} : vector<64x256xf32>, vector<256x512xf32>, vector<64x512xf32> -> vector<64x512xf32>
    %add3A_254 = vector.broadcast %get3A_15 : vector<64x1xf32> to vector<64x512xf32>
    %add3A_255 = arith.addf %dot_general3A_253, %add3A_254 : vector<64x512xf32>
    %swap3A_256 = arith.constant 192 : index
    %swap3A_257 = arith.constant 1536 : index
    %swap3A_258 = vector.load %arg9[%swap3A_256, %swap3A_257] : memref<512x2048xf32, #tpu.memory_space<vmem>>, vector<64x512xf32>
    tpu.vector_store %arg9[%swap3A_256, %swap3A_257], %add3A_255 {strides = array<i32>} : memref<512x2048xf32, #tpu.memory_space<vmem>>, vector<64x512xf32>,
    %get3A_259 = arith.constant 4 : index
    %get3A_260 = arith.constant 0 : index
    %get3A_261 = arith.constant 0 : index
    %get3A_262 = vector.load %arg2[%get3A_259, %get3A_260, %get3A_261] : memref<8x512x128xf32, #tpu.memory_space<vmem>>, vector<1x512x128xf32>
    %get3A_263 = vector.shape_cast %get3A_262 : vector<1x512x128xf32> to vector<512x128xf32>
    %transpose3A_264 = tpu.transpose %get3A_263, [1, 0] : vector<512x128xf32> -> vector<128x512xf32>
    %dot_general3A_265 = arith.constant dense<0.000000e+00> : vector<256x512xf32>
    %dot_general3A_266 = tpu.matmul %get3A_6, %transpose3A_264, %dot_general3A_265 {dimension_numbers = #tpu.dot_dimension_numbers<[1], [0], [0], [1], [0, 0, 1, 1], [], []>, transpose_lhs_hint = false} : vector<256x128xf32>, vector<128x512xf32>, vector<256x512xf32> -> vector<256x512xf32>
    %dot_general3A_267 = arith.constant dense<0.000000e+00> : vector<256x512xf32>
    %dot_general3A_268 = tpu.matmul %get3A_9, %tanh3A_210, %dot_general3A_267 {dimension_numbers = #tpu.dot_dimension_numbers<[1], [0], [0], [1], [0, 0, 1, 1], [], []>, transpose_lhs_hint = false} : vector<256x256xf32>, vector<256x512xf32>, vector<256x512xf32> -> vector<256x512xf32>
    %add3A_269 = arith.addf %dot_general3A_266, %dot_general3A_268 : vector<256x512xf32>
    %add3A_270 = vector.broadcast %get3A_12 : vector<256x1xf32> to vector<256x512xf32>
    %add3A_271 = arith.addf %add3A_269, %add3A_270 : vector<256x512xf32>
    %tanh3A_272 = math.tanh %add3A_271 : vector<256x512xf32>
    %get3A_273 = arith.constant 0 : index
    %get3A_274 = arith.constant 0 : index
    %get3A_275 = arith.constant 0 : index
    %get3A_276 = vector.load %arg6[%get3A_273, %get3A_274, %get3A_275] : memref<4x64x256xf32, #tpu.memory_space<vmem>>, vector<1x64x256xf32>
    %get3A_277 = vector.shape_cast %get3A_276 : vector<1x64x256xf32> to vector<64x256xf32>
    %dot_general3A_278 = arith.constant dense<0.000000e+00> : vector<64x512xf32>
    %dot_general3A_279 = tpu.matmul %get3A_277, %tanh3A_272, %dot_general3A_278 {dimension_numbers = #tpu.dot_dimension_numbers<[1], [0], [0], [1], [0, 0, 1, 1], [], []>, transpose_lhs_hint = false} : vector<64x256xf32>, vector<256x512xf32>, vector<64x512xf32> -> vector<64x512xf32>
    %add3A_280 = vector.broadcast %get3A_15 : vector<64x1xf32> to vector<64x512xf32>
    %add3A_281 = arith.addf %dot_general3A_279, %add3A_280 : vector<64x512xf32>
    %swap3A_282 = arith.constant 256 : index
    %swap3A_283 = arith.constant 0 : index
    %swap3A_284 = vector.load %arg9[%swap3A_282, %swap3A_283] : memref<512x2048xf32, #tpu.memory_space<vmem>>, vector<64x512xf32>
    tpu.vector_store %arg9[%swap3A_282, %swap3A_283], %add3A_281 {strides = array<i32>} : memref<512x2048xf32, #tpu.memory_space<vmem>>, vector<64x512xf32>,
    %get3A_285 = arith.constant 1 : index
    %get3A_286 = arith.constant 0 : index
    %get3A_287 = arith.constant 0 : index
    %get3A_288 = vector.load %arg6[%get3A_285, %get3A_286, %get3A_287] : memref<4x64x256xf32, #tpu.memory_space<vmem>>, vector<1x64x256xf32>
    %get3A_289 = vector.shape_cast %get3A_288 : vector<1x64x256xf32> to vector<64x256xf32>
    %dot_general3A_290 = arith.constant dense<0.000000e+00> : vector<64x512xf32>
    %dot_general3A_291 = tpu.matmul %get3A_289, %tanh3A_272, %dot_general3A_290 {dimension_numbers = #tpu.dot_dimension_numbers<[1], [0], [0], [1], [0, 0, 1, 1], [], []>, transpose_lhs_hint = false} : vector<64x256xf32>, vector<256x512xf32>, vector<64x512xf32> -> vector<64x512xf32>
    %add3A_292 = vector.broadcast %get3A_15 : vector<64x1xf32> to vector<64x512xf32>
    %add3A_293 = arith.addf %dot_general3A_291, %add3A_292 : vector<64x512xf32>
    %swap3A_294 = arith.constant 256 : index
    %swap3A_295 = arith.constant 512 : index
    %swap3A_296 = vector.load %arg9[%swap3A_294, %swap3A_295] : memref<512x2048xf32, #tpu.memory_space<vmem>>, vector<64x512xf32>
    tpu.vector_store %arg9[%swap3A_294, %swap3A_295], %add3A_293 {strides = array<i32>} : memref<512x2048xf32, #tpu.memory_space<vmem>>, vector<64x512xf32>,
    %get3A_297 = arith.constant 2 : index
    %get3A_298 = arith.constant 0 : index
    %get3A_299 = arith.constant 0 : index
    %get3A_300 = vector.load %arg6[%get3A_297, %get3A_298, %get3A_299] : memref<4x64x256xf32, #tpu.memory_space<vmem>>, vector<1x64x256xf32>
    %get3A_301 = vector.shape_cast %get3A_300 : vector<1x64x256xf32> to vector<64x256xf32>
    %dot_general3A_302 = arith.constant dense<0.000000e+00> : vector<64x512xf32>
    %dot_general3A_303 = tpu.matmul %get3A_301, %tanh3A_272, %dot_general3A_302 {dimension_numbers = #tpu.dot_dimension_numbers<[1], [0], [0], [1], [0, 0, 1, 1], [], []>, transpose_lhs_hint = false} : vector<64x256xf32>, vector<256x512xf32>, vector<64x512xf32> -> vector<64x512xf32>
    %add3A_304 = vector.broadcast %get3A_15 : vector<64x1xf32> to vector<64x512xf32>
    %add3A_305 = arith.addf %dot_general3A_303, %add3A_304 : vector<64x512xf32>
    %swap3A_306 = arith.constant 256 : index
    %swap3A_307 = arith.constant 1024 : index
    %swap3A_308 = vector.load %arg9[%swap3A_306, %swap3A_307] : memref<512x2048xf32, #tpu.memory_space<vmem>>, vector<64x512xf32>
    tpu.vector_store %arg9[%swap3A_306, %swap3A_307], %add3A_305 {strides = array<i32>} : memref<512x2048xf32, #tpu.memory_space<vmem>>, vector<64x512xf32>,
    %get3A_309 = arith.constant 3 : index
    %get3A_310 = arith.constant 0 : index
    %get3A_311 = arith.constant 0 : index
    %get3A_312 = vector.load %arg6[%get3A_309, %get3A_310, %get3A_311] : memref<4x64x256xf32, #tpu.memory_space<vmem>>, vector<1x64x256xf32>
    %get3A_313 = vector.shape_cast %get3A_312 : vector<1x64x256xf32> to vector<64x256xf32>
    %dot_general3A_314 = arith.constant dense<0.000000e+00> : vector<64x512xf32>
    %dot_general3A_315 = tpu.matmul %get3A_313, %tanh3A_272, %dot_general3A_314 {dimension_numbers = #tpu.dot_dimension_numbers<[1], [0], [0], [1], [0, 0, 1, 1], [], []>, transpose_lhs_hint = false} : vector<64x256xf32>, vector<256x512xf32>, vector<64x512xf32> -> vector<64x512xf32>
    %add3A_316 = vector.broadcast %get3A_15 : vector<64x1xf32> to vector<64x512xf32>
    %add3A_317 = arith.addf %dot_general3A_315, %add3A_316 : vector<64x512xf32>
    %swap3A_318 = arith.constant 256 : index
    %swap3A_319 = arith.constant 1536 : index
    %swap3A_320 = vector.load %arg9[%swap3A_318, %swap3A_319] : memref<512x2048xf32, #tpu.memory_space<vmem>>, vector<64x512xf32>
    tpu.vector_store %arg9[%swap3A_318, %swap3A_319], %add3A_317 {strides = array<i32>} : memref<512x2048xf32, #tpu.memory_space<vmem>>, vector<64x512xf32>,
    %get3A_321 = arith.constant 5 : index
    %get3A_322 = arith.constant 0 : index
    %get3A_323 = arith.constant 0 : index
    %get3A_324 = vector.load %arg2[%get3A_321, %get3A_322, %get3A_323] : memref<8x512x128xf32, #tpu.memory_space<vmem>>, vector<1x512x128xf32>
    %get3A_325 = vector.shape_cast %get3A_324 : vector<1x512x128xf32> to vector<512x128xf32>
    %transpose3A_326 = tpu.transpose %get3A_325, [1, 0] : vector<512x128xf32> -> vector<128x512xf32>
    %dot_general3A_327 = arith.constant dense<0.000000e+00> : vector<256x512xf32>
    %dot_general3A_328 = tpu.matmul %get3A_6, %transpose3A_326, %dot_general3A_327 {dimension_numbers = #tpu.dot_dimension_numbers<[1], [0], [0], [1], [0, 0, 1, 1], [], []>, transpose_lhs_hint = false} : vector<256x128xf32>, vector<128x512xf32>, vector<256x512xf32> -> vector<256x512xf32>
    %dot_general3A_329 = arith.constant dense<0.000000e+00> : vector<256x512xf32>
    %dot_general3A_330 = tpu.matmul %get3A_9, %tanh3A_272, %dot_general3A_329 {dimension_numbers = #tpu.dot_dimension_numbers<[1], [0], [0], [1], [0, 0, 1, 1], [], []>, transpose_lhs_hint = false} : vector<256x256xf32>, vector<256x512xf32>, vector<256x512xf32> -> vector<256x512xf32>
    %add3A_331 = arith.addf %dot_general3A_328, %dot_general3A_330 : vector<256x512xf32>
    %add3A_332 = vector.broadcast %get3A_12 : vector<256x1xf32> to vector<256x512xf32>
    %add3A_333 = arith.addf %add3A_331, %add3A_332 : vector<256x512xf32>
    %tanh3A_334 = math.tanh %add3A_333 : vector<256x512xf32>
    %get3A_335 = arith.constant 0 : index
    %get3A_336 = arith.constant 0 : index
    %get3A_337 = arith.constant 0 : index
    %get3A_338 = vector.load %arg6[%get3A_335, %get3A_336, %get3A_337] : memref<4x64x256xf32, #tpu.memory_space<vmem>>, vector<1x64x256xf32>
    %get3A_339 = vector.shape_cast %get3A_338 : vector<1x64x256xf32> to vector<64x256xf32>
    %dot_general3A_340 = arith.constant dense<0.000000e+00> : vector<64x512xf32>
    %dot_general3A_341 = tpu.matmul %get3A_339, %tanh3A_334, %dot_general3A_340 {dimension_numbers = #tpu.dot_dimension_numbers<[1], [0], [0], [1], [0, 0, 1, 1], [], []>, transpose_lhs_hint = false} : vector<64x256xf32>, vector<256x512xf32>, vector<64x512xf32> -> vector<64x512xf32>
    %add3A_342 = vector.broadcast %get3A_15 : vector<64x1xf32> to vector<64x512xf32>
    %add3A_343 = arith.addf %dot_general3A_341, %add3A_342 : vector<64x512xf32>
    %swap3A_344 = arith.constant 320 : index
    %swap3A_345 = arith.constant 0 : index
    %swap3A_346 = vector.load %arg9[%swap3A_344, %swap3A_345] : memref<512x2048xf32, #tpu.memory_space<vmem>>, vector<64x512xf32>
    tpu.vector_store %arg9[%swap3A_344, %swap3A_345], %add3A_343 {strides = array<i32>} : memref<512x2048xf32, #tpu.memory_space<vmem>>, vector<64x512xf32>,
    %get3A_347 = arith.constant 1 : index
    %get3A_348 = arith.constant 0 : index
    %get3A_349 = arith.constant 0 : index
    %get3A_350 = vector.load %arg6[%get3A_347, %get3A_348, %get3A_349] : memref<4x64x256xf32, #tpu.memory_space<vmem>>, vector<1x64x256xf32>
    %get3A_351 = vector.shape_cast %get3A_350 : vector<1x64x256xf32> to vector<64x256xf32>
    %dot_general3A_352 = arith.constant dense<0.000000e+00> : vector<64x512xf32>
    %dot_general3A_353 = tpu.matmul %get3A_351, %tanh3A_334, %dot_general3A_352 {dimension_numbers = #tpu.dot_dimension_numbers<[1], [0], [0], [1], [0, 0, 1, 1], [], []>, transpose_lhs_hint = false} : vector<64x256xf32>, vector<256x512xf32>, vector<64x512xf32> -> vector<64x512xf32>
    %add3A_354 = vector.broadcast %get3A_15 : vector<64x1xf32> to vector<64x512xf32>
    %add3A_355 = arith.addf %dot_general3A_353, %add3A_354 : vector<64x512xf32>
    %swap3A_356 = arith.constant 320 : index
    %swap3A_357 = arith.constant 512 : index
    %swap3A_358 = vector.load %arg9[%swap3A_356, %swap3A_357] : memref<512x2048xf32, #tpu.memory_space<vmem>>, vector<64x512xf32>
    tpu.vector_store %arg9[%swap3A_356, %swap3A_357], %add3A_355 {strides = array<i32>} : memref<512x2048xf32, #tpu.memory_space<vmem>>, vector<64x512xf32>,
    %get3A_359 = arith.constant 2 : index
    %get3A_360 = arith.constant 0 : index
    %get3A_361 = arith.constant 0 : index
    %get3A_362 = vector.load %arg6[%get3A_359, %get3A_360, %get3A_361] : memref<4x64x256xf32, #tpu.memory_space<vmem>>, vector<1x64x256xf32>
    %get3A_363 = vector.shape_cast %get3A_362 : vector<1x64x256xf32> to vector<64x256xf32>
    %dot_general3A_364 = arith.constant dense<0.000000e+00> : vector<64x512xf32>
    %dot_general3A_365 = tpu.matmul %get3A_363, %tanh3A_334, %dot_general3A_364 {dimension_numbers = #tpu.dot_dimension_numbers<[1], [0], [0], [1], [0, 0, 1, 1], [], []>, transpose_lhs_hint = false} : vector<64x256xf32>, vector<256x512xf32>, vector<64x512xf32> -> vector<64x512xf32>
    %add3A_366 = vector.broadcast %get3A_15 : vector<64x1xf32> to vector<64x512xf32>
    %add3A_367 = arith.addf %dot_general3A_365, %add3A_366 : vector<64x512xf32>
    %swap3A_368 = arith.constant 320 : index
    %swap3A_369 = arith.constant 1024 : index
    %swap3A_370 = vector.load %arg9[%swap3A_368, %swap3A_369] : memref<512x2048xf32, #tpu.memory_space<vmem>>, vector<64x512xf32>
    tpu.vector_store %arg9[%swap3A_368, %swap3A_369], %add3A_367 {strides = array<i32>} : memref<512x2048xf32, #tpu.memory_space<vmem>>, vector<64x512xf32>,
    %get3A_371 = arith.constant 3 : index
    %get3A_372 = arith.constant 0 : index
    %get3A_373 = arith.constant 0 : index
    %get3A_374 = vector.load %arg6[%get3A_371, %get3A_372, %get3A_373] : memref<4x64x256xf32, #tpu.memory_space<vmem>>, vector<1x64x256xf32>
    %get3A_375 = vector.shape_cast %get3A_374 : vector<1x64x256xf32> to vector<64x256xf32>
    %dot_general3A_376 = arith.constant dense<0.000000e+00> : vector<64x512xf32>
    %dot_general3A_377 = tpu.matmul %get3A_375, %tanh3A_334, %dot_general3A_376 {dimension_numbers = #tpu.dot_dimension_numbers<[1], [0], [0], [1], [0, 0, 1, 1], [], []>, transpose_lhs_hint = false} : vector<64x256xf32>, vector<256x512xf32>, vector<64x512xf32> -> vector<64x512xf32>
    %add3A_378 = vector.broadcast %get3A_15 : vector<64x1xf32> to vector<64x512xf32>
    %add3A_379 = arith.addf %dot_general3A_377, %add3A_378 : vector<64x512xf32>
    %swap3A_380 = arith.constant 320 : index
    %swap3A_381 = arith.constant 1536 : index
    %swap3A_382 = vector.load %arg9[%swap3A_380, %swap3A_381] : memref<512x2048xf32, #tpu.memory_space<vmem>>, vector<64x512xf32>
    tpu.vector_store %arg9[%swap3A_380, %swap3A_381], %add3A_379 {strides = array<i32>} : memref<512x2048xf32, #tpu.memory_space<vmem>>, vector<64x512xf32>,
    %get3A_383 = arith.constant 6 : index
    %get3A_384 = arith.constant 0 : index
    %get3A_385 = arith.constant 0 : index
    %get3A_386 = vector.load %arg2[%get3A_383, %get3A_384, %get3A_385] : memref<8x512x128xf32, #tpu.memory_space<vmem>>, vector<1x512x128xf32>
    %get3A_387 = vector.shape_cast %get3A_386 : vector<1x512x128xf32> to vector<512x128xf32>
    %transpose3A_388 = tpu.transpose %get3A_387, [1, 0] : vector<512x128xf32> -> vector<128x512xf32>
    %dot_general3A_389 = arith.constant dense<0.000000e+00> : vector<256x512xf32>
    %dot_general3A_390 = tpu.matmul %get3A_6, %transpose3A_388, %dot_general3A_389 {dimension_numbers = #tpu.dot_dimension_numbers<[1], [0], [0], [1], [0, 0, 1, 1], [], []>, transpose_lhs_hint = false} : vector<256x128xf32>, vector<128x512xf32>, vector<256x512xf32> -> vector<256x512xf32>
    %dot_general3A_391 = arith.constant dense<0.000000e+00> : vector<256x512xf32>
    %dot_general3A_392 = tpu.matmul %get3A_9, %tanh3A_334, %dot_general3A_391 {dimension_numbers = #tpu.dot_dimension_numbers<[1], [0], [0], [1], [0, 0, 1, 1], [], []>, transpose_lhs_hint = false} : vector<256x256xf32>, vector<256x512xf32>, vector<256x512xf32> -> vector<256x512xf32>
    %add3A_393 = arith.addf %dot_general3A_390, %dot_general3A_392 : vector<256x512xf32>
    %add3A_394 = vector.broadcast %get3A_12 : vector<256x1xf32> to vector<256x512xf32>
    %add3A_395 = arith.addf %add3A_393, %add3A_394 : vector<256x512xf32>
    %tanh3A_396 = math.tanh %add3A_395 : vector<256x512xf32>
    %get3A_397 = arith.constant 0 : index
    %get3A_398 = arith.constant 0 : index
    %get3A_399 = arith.constant 0 : index
    %get3A_400 = vector.load %arg6[%get3A_397, %get3A_398, %get3A_399] : memref<4x64x256xf32, #tpu.memory_space<vmem>>, vector<1x64x256xf32>
    %get3A_401 = vector.shape_cast %get3A_400 : vector<1x64x256xf32> to vector<64x256xf32>
    %dot_general3A_402 = arith.constant dense<0.000000e+00> : vector<64x512xf32>
    %dot_general3A_403 = tpu.matmul %get3A_401, %tanh3A_396, %dot_general3A_402 {dimension_numbers = #tpu.dot_dimension_numbers<[1], [0], [0], [1], [0, 0, 1, 1], [], []>, transpose_lhs_hint = false} : vector<64x256xf32>, vector<256x512xf32>, vector<64x512xf32> -> vector<64x512xf32>
    %add3A_404 = vector.broadcast %get3A_15 : vector<64x1xf32> to vector<64x512xf32>
    %add3A_405 = arith.addf %dot_general3A_403, %add3A_404 : vector<64x512xf32>
    %swap3A_406 = arith.constant 384 : index
    %swap3A_407 = arith.constant 0 : index
    %swap3A_408 = vector.load %arg9[%swap3A_406, %swap3A_407] : memref<512x2048xf32, #tpu.memory_space<vmem>>, vector<64x512xf32>
    tpu.vector_store %arg9[%swap3A_406, %swap3A_407], %add3A_405 {strides = array<i32>} : memref<512x2048xf32, #tpu.memory_space<vmem>>, vector<64x512xf32>,
    %get3A_409 = arith.constant 1 : index
    %get3A_410 = arith.constant 0 : index
    %get3A_411 = arith.constant 0 : index
    %get3A_412 = vector.load %arg6[%get3A_409, %get3A_410, %get3A_411] : memref<4x64x256xf32, #tpu.memory_space<vmem>>, vector<1x64x256xf32>
    %get3A_413 = vector.shape_cast %get3A_412 : vector<1x64x256xf32> to vector<64x256xf32>
    %dot_general3A_414 = arith.constant dense<0.000000e+00> : vector<64x512xf32>
    %dot_general3A_415 = tpu.matmul %get3A_413, %tanh3A_396, %dot_general3A_414 {dimension_numbers = #tpu.dot_dimension_numbers<[1], [0], [0], [1], [0, 0, 1, 1], [], []>, transpose_lhs_hint = false} : vector<64x256xf32>, vector<256x512xf32>, vector<64x512xf32> -> vector<64x512xf32>
    %add3A_416 = vector.broadcast %get3A_15 : vector<64x1xf32> to vector<64x512xf32>
    %add3A_417 = arith.addf %dot_general3A_415, %add3A_416 : vector<64x512xf32>
    %swap3A_418 = arith.constant 384 : index
    %swap3A_419 = arith.constant 512 : index
    %swap3A_420 = vector.load %arg9[%swap3A_418, %swap3A_419] : memref<512x2048xf32, #tpu.memory_space<vmem>>, vector<64x512xf32>
    tpu.vector_store %arg9[%swap3A_418, %swap3A_419], %add3A_417 {strides = array<i32>} : memref<512x2048xf32, #tpu.memory_space<vmem>>, vector<64x512xf32>,
    %get3A_421 = arith.constant 2 : index
    %get3A_422 = arith.constant 0 : index
    %get3A_423 = arith.constant 0 : index
    %get3A_424 = vector.load %arg6[%get3A_421, %get3A_422, %get3A_423] : memref<4x64x256xf32, #tpu.memory_space<vmem>>, vector<1x64x256xf32>
    %get3A_425 = vector.shape_cast %get3A_424 : vector<1x64x256xf32> to vector<64x256xf32>
    %dot_general3A_426 = arith.constant dense<0.000000e+00> : vector<64x512xf32>
    %dot_general3A_427 = tpu.matmul %get3A_425, %tanh3A_396, %dot_general3A_426 {dimension_numbers = #tpu.dot_dimension_numbers<[1], [0], [0], [1], [0, 0, 1, 1], [], []>, transpose_lhs_hint = false} : vector<64x256xf32>, vector<256x512xf32>, vector<64x512xf32> -> vector<64x512xf32>
    %add3A_428 = vector.broadcast %get3A_15 : vector<64x1xf32> to vector<64x512xf32>
    %add3A_429 = arith.addf %dot_general3A_427, %add3A_428 : vector<64x512xf32>
    %swap3A_430 = arith.constant 384 : index
    %swap3A_431 = arith.constant 1024 : index
    %swap3A_432 = vector.load %arg9[%swap3A_430, %swap3A_431] : memref<512x2048xf32, #tpu.memory_space<vmem>>, vector<64x512xf32>
    tpu.vector_store %arg9[%swap3A_430, %swap3A_431], %add3A_429 {strides = array<i32>} : memref<512x2048xf32, #tpu.memory_space<vmem>>, vector<64x512xf32>,
    %get3A_433 = arith.constant 3 : index
    %get3A_434 = arith.constant 0 : index
    %get3A_435 = arith.constant 0 : index
    %get3A_436 = vector.load %arg6[%get3A_433, %get3A_434, %get3A_435] : memref<4x64x256xf32, #tpu.memory_space<vmem>>, vector<1x64x256xf32>
    %get3A_437 = vector.shape_cast %get3A_436 : vector<1x64x256xf32> to vector<64x256xf32>
    %dot_general3A_438 = arith.constant dense<0.000000e+00> : vector<64x512xf32>
    %dot_general3A_439 = tpu.matmul %get3A_437, %tanh3A_396, %dot_general3A_438 {dimension_numbers = #tpu.dot_dimension_numbers<[1], [0], [0], [1], [0, 0, 1, 1], [], []>, transpose_lhs_hint = false} : vector<64x256xf32>, vector<256x512xf32>, vector<64x512xf32> -> vector<64x512xf32>
    %add3A_440 = vector.broadcast %get3A_15 : vector<64x1xf32> to vector<64x512xf32>
    %add3A_441 = arith.addf %dot_general3A_439, %add3A_440 : vector<64x512xf32>
    %swap3A_442 = arith.constant 384 : index
    %swap3A_443 = arith.constant 1536 : index
    %swap3A_444 = vector.load %arg9[%swap3A_442, %swap3A_443] : memref<512x2048xf32, #tpu.memory_space<vmem>>, vector<64x512xf32>
    tpu.vector_store %arg9[%swap3A_442, %swap3A_443], %add3A_441 {strides = array<i32>} : memref<512x2048xf32, #tpu.memory_space<vmem>>, vector<64x512xf32>,
    %get3A_445 = arith.constant 7 : index
    %get3A_446 = arith.constant 0 : index
    %get3A_447 = arith.constant 0 : index
    %get3A_448 = vector.load %arg2[%get3A_445, %get3A_446, %get3A_447] : memref<8x512x128xf32, #tpu.memory_space<vmem>>, vector<1x512x128xf32>
    %get3A_449 = vector.shape_cast %get3A_448 : vector<1x512x128xf32> to vector<512x128xf32>
    %transpose3A_450 = tpu.transpose %get3A_449, [1, 0] : vector<512x128xf32> -> vector<128x512xf32>
    %dot_general3A_451 = arith.constant dense<0.000000e+00> : vector<256x512xf32>
    %dot_general3A_452 = tpu.matmul %get3A_6, %transpose3A_450, %dot_general3A_451 {dimension_numbers = #tpu.dot_dimension_numbers<[1], [0], [0], [1], [0, 0, 1, 1], [], []>, transpose_lhs_hint = false} : vector<256x128xf32>, vector<128x512xf32>, vector<256x512xf32> -> vector<256x512xf32>
    %dot_general3A_453 = arith.constant dense<0.000000e+00> : vector<256x512xf32>
    %dot_general3A_454 = tpu.matmul %get3A_9, %tanh3A_396, %dot_general3A_453 {dimension_numbers = #tpu.dot_dimension_numbers<[1], [0], [0], [1], [0, 0, 1, 1], [], []>, transpose_lhs_hint = false} : vector<256x256xf32>, vector<256x512xf32>, vector<256x512xf32> -> vector<256x512xf32>
    %add3A_455 = arith.addf %dot_general3A_452, %dot_general3A_454 : vector<256x512xf32>
    %add3A_456 = vector.broadcast %get3A_12 : vector<256x1xf32> to vector<256x512xf32>
    %add3A_457 = arith.addf %add3A_455, %add3A_456 : vector<256x512xf32>
    %tanh3A_458 = math.tanh %add3A_457 : vector<256x512xf32>
    %get3A_459 = arith.constant 0 : index
    %get3A_460 = arith.constant 0 : index
    %get3A_461 = arith.constant 0 : index
    %get3A_462 = vector.load %arg6[%get3A_459, %get3A_460, %get3A_461] : memref<4x64x256xf32, #tpu.memory_space<vmem>>, vector<1x64x256xf32>
    %get3A_463 = vector.shape_cast %get3A_462 : vector<1x64x256xf32> to vector<64x256xf32>
    %dot_general3A_464 = arith.constant dense<0.000000e+00> : vector<64x512xf32>
    %dot_general3A_465 = tpu.matmul %get3A_463, %tanh3A_458, %dot_general3A_464 {dimension_numbers = #tpu.dot_dimension_numbers<[1], [0], [0], [1], [0, 0, 1, 1], [], []>, transpose_lhs_hint = false} : vector<64x256xf32>, vector<256x512xf32>, vector<64x512xf32> -> vector<64x512xf32>
    %add3A_466 = vector.broadcast %get3A_15 : vector<64x1xf32> to vector<64x512xf32>
    %add3A_467 = arith.addf %dot_general3A_465, %add3A_466 : vector<64x512xf32>
    %swap3A_468 = arith.constant 448 : index
    %swap3A_469 = arith.constant 0 : index
    %swap3A_470 = vector.load %arg9[%swap3A_468, %swap3A_469] : memref<512x2048xf32, #tpu.memory_space<vmem>>, vector<64x512xf32>
    tpu.vector_store %arg9[%swap3A_468, %swap3A_469], %add3A_467 {strides = array<i32>} : memref<512x2048xf32, #tpu.memory_space<vmem>>, vector<64x512xf32>,
    %get3A_471 = arith.constant 1 : index
    %get3A_472 = arith.constant 0 : index
    %get3A_473 = arith.constant 0 : index
    %get3A_474 = vector.load %arg6[%get3A_471, %get3A_472, %get3A_473] : memref<4x64x256xf32, #tpu.memory_space<vmem>>, vector<1x64x256xf32>
    %get3A_475 = vector.shape_cast %get3A_474 : vector<1x64x256xf32> to vector<64x256xf32>
    %dot_general3A_476 = arith.constant dense<0.000000e+00> : vector<64x512xf32>
    %dot_general3A_477 = tpu.matmul %get3A_475, %tanh3A_458, %dot_general3A_476 {dimension_numbers = #tpu.dot_dimension_numbers<[1], [0], [0], [1], [0, 0, 1, 1], [], []>, transpose_lhs_hint = false} : vector<64x256xf32>, vector<256x512xf32>, vector<64x512xf32> -> vector<64x512xf32>
    %add3A_478 = vector.broadcast %get3A_15 : vector<64x1xf32> to vector<64x512xf32>
    %add3A_479 = arith.addf %dot_general3A_477, %add3A_478 : vector<64x512xf32>
    %swap3A_480 = arith.constant 448 : index
    %swap3A_481 = arith.constant 512 : index
    %swap3A_482 = vector.load %arg9[%swap3A_480, %swap3A_481] : memref<512x2048xf32, #tpu.memory_space<vmem>>, vector<64x512xf32>
    tpu.vector_store %arg9[%swap3A_480, %swap3A_481], %add3A_479 {strides = array<i32>} : memref<512x2048xf32, #tpu.memory_space<vmem>>, vector<64x512xf32>,
    %get3A_483 = arith.constant 2 : index
    %get3A_484 = arith.constant 0 : index
    %get3A_485 = arith.constant 0 : index
    %get3A_486 = vector.load %arg6[%get3A_483, %get3A_484, %get3A_485] : memref<4x64x256xf32, #tpu.memory_space<vmem>>, vector<1x64x256xf32>
    %get3A_487 = vector.shape_cast %get3A_486 : vector<1x64x256xf32> to vector<64x256xf32>
    %dot_general3A_488 = arith.constant dense<0.000000e+00> : vector<64x512xf32>
    %dot_general3A_489 = tpu.matmul %get3A_487, %tanh3A_458, %dot_general3A_488 {dimension_numbers = #tpu.dot_dimension_numbers<[1], [0], [0], [1], [0, 0, 1, 1], [], []>, transpose_lhs_hint = false} : vector<64x256xf32>, vector<256x512xf32>, vector<64x512xf32> -> vector<64x512xf32>
    %add3A_490 = vector.broadcast %get3A_15 : vector<64x1xf32> to vector<64x512xf32>
    %add3A_491 = arith.addf %dot_general3A_489, %add3A_490 : vector<64x512xf32>
    %swap3A_492 = arith.constant 448 : index
    %swap3A_493 = arith.constant 1024 : index
    %swap3A_494 = vector.load %arg9[%swap3A_492, %swap3A_493] : memref<512x2048xf32, #tpu.memory_space<vmem>>, vector<64x512xf32>
    tpu.vector_store %arg9[%swap3A_492, %swap3A_493], %add3A_491 {strides = array<i32>} : memref<512x2048xf32, #tpu.memory_space<vmem>>, vector<64x512xf32>,
    %get3A_495 = arith.constant 3 : index
    %get3A_496 = arith.constant 0 : index
    %get3A_497 = arith.constant 0 : index
    %get3A_498 = vector.load %arg6[%get3A_495, %get3A_496, %get3A_497] : memref<4x64x256xf32, #tpu.memory_space<vmem>>, vector<1x64x256xf32>
    %get3A_499 = vector.shape_cast %get3A_498 : vector<1x64x256xf32> to vector<64x256xf32>
    %dot_general3A_500 = arith.constant dense<0.000000e+00> : vector<64x512xf32>
    %dot_general3A_501 = tpu.matmul %get3A_499, %tanh3A_458, %dot_general3A_500 {dimension_numbers = #tpu.dot_dimension_numbers<[1], [0], [0], [1], [0, 0, 1, 1], [], []>, transpose_lhs_hint = false} : vector<64x256xf32>, vector<256x512xf32>, vector<64x512xf32> -> vector<64x512xf32>
    %add3A_502 = vector.broadcast %get3A_15 : vector<64x1xf32> to vector<64x512xf32>
    %add3A_503 = arith.addf %dot_general3A_501, %add3A_502 : vector<64x512xf32>
    %swap3A_504 = arith.constant 448 : index
    %swap3A_505 = arith.constant 1536 : index
    %swap3A_506 = vector.load %arg9[%swap3A_504, %swap3A_505] : memref<512x2048xf32, #tpu.memory_space<vmem>>, vector<64x512xf32>
    tpu.vector_store %arg9[%swap3A_504, %swap3A_505], %add3A_503 {strides = array<i32>} : memref<512x2048xf32, #tpu.memory_space<vmem>>, vector<64x512xf32>,
    %swap3A_507 = arith.constant 0 : index
    %swap3A_508 = arith.constant 0 : index
    %swap3A_509 = vector.load %arg10[%swap3A_507, %swap3A_508] : memref<256x512xf32, #tpu.memory_space<vmem>>, vector<256x512xf32>
    tpu.vector_store %arg10[%swap3A_507, %swap3A_508], %tanh3A_458 {strides = array<i32>} : memref<256x512xf32, #tpu.memory_space<vmem>>, vector<256x512xf32>,
    return
  }
  func.func @transform_0(%arg0: i32, %arg1: i32) -> (i32, i32, i32) {
    %c0_i32 = arith.constant 0 : i32
    %c0_i32_0 = arith.constant 0 : i32
    return %arg1, %arg0, %c0_i32 : i32, i32, i32
  }
  func.func @transform_1(%arg0: i32, %arg1: i32) -> (i32, i32) {
    %c0_i32 = arith.constant 0 : i32
    %c0_i32_0 = arith.constant 0 : i32
    %c0_i32_1 = arith.constant 0 : i32
    return %c0_i32, %c0_i32_0 : i32, i32
  }
  func.func @transform_2(%arg0: i32, %arg1: i32) -> (i32, i32) {
    %c0_i32 = arith.constant 0 : i32
    %c0_i32_0 = arith.constant 0 : i32
    %c0_i32_1 = arith.constant 0 : i32
    return %c0_i32, %c0_i32_0 : i32, i32
  }
  func.func @transform_3(%arg0: i32, %arg1: i32) -> (i32, i32) {
    %c0_i32 = arith.constant 0 : i32
    %c0_i32_0 = arith.constant 0 : i32
    %c0_i32_1 = arith.constant 0 : i32
    return %c0_i32, %c0_i32_0 : i32, i32
  }
  func.func @transform_4(%arg0: i32, %arg1: i32) -> (i32, i32, i32) {
    %c0_i32 = arith.constant 0 : i32
    %c0_i32_0 = arith.constant 0 : i32
    %c0_i32_1 = arith.constant 0 : i32
    %c0_i32_2 = arith.constant 0 : i32
    return %c0_i32, %c0_i32_0, %c0_i32_1 : i32, i32, i32
  }
  func.func @transform_5(%arg0: i32, %arg1: i32) -> (i32, i32) {
    %c0_i32 = arith.constant 0 : i32
    %c0_i32_0 = arith.constant 0 : i32
    %c0_i32_1 = arith.constant 0 : i32
    return %c0_i32, %c0_i32_0 : i32, i32
  }
  func.func @transform_7(%arg0: i32, %arg1: i32) -> (i32, i32) {
    %add3A = arith.constant 1 : i32
    %add3A_0 = arith.addi %add3A, %arg0 : i32
    %c0_i32 = arith.constant 0 : i32
    return %arg1, %add3A_0 : i32, i32
  }
}

</mosaic_0001>

<sc_bundles>
// kernel: kernel.6.cloned.1.call-start
scs
__scs_entry_jumppad:
0x0: {  	(pc) =	sbr.rel $0x88, $3  }
0x1: {  	(tag) =	ssettag $0x0;
	lr =	simm.s32 $0x1  }
0x2: {  	[smem:$0x3F9A] =	sst lr;
	_ =	strace $0xD0000000  }
0x3: {  	_ = 	snop  }
0x4: {  	_ = 	snop  }
0x5: {  	_ = 	snop  }
0x6: {  	_ = 	snop  }
0x7: {  	_ = 	snop  }
__scs_overlays_trampoline_lowered:
0x8: {  	[smem:$0x3FA9] =	sst s0  }
0x9: {  	[smem:$0x3FAA] =	sst s1  }
0xa: {  	[smem:$0x3FAB] =	sst s2  }
0xb: {  	[smem:$0x3FAC] =	sst s3  }
0xc: {  	[smem:$0x3FAD] =	sst s4  }
0xd: {  	[smem:$0x3FAE] =	sst s5  }
0xe: {  	[smem:$0x3FAF] =	sst s6  }
0xf: {  	[smem:$0x3FB0] =	sst s7  }
0x10: {  	[smem:$0x3FB1] =	sst s8  }
0x11: {  	[smem:$0x3FB2] =	sst s9;
	s0 =	simm.s32 @!p0 $0x0  }
0x12: {  	s1 =	sld [smem:$0x3F98];
	s0 =	simm.s32 @p0 $0x1  }
0x13: {  	[smem:$0x3FB3] =	sst s0;
	s0 =	simm.s32 @!p1 $0x0  }
0x14: {  	s2 =	sld [smem:$0x3F97];
	s0 =	simm.s32 @p1 $0x1  }
0x15: {  	[smem:$0x3FB4] =	sst s0;
	s0 =	simm.s32 @!p2 $0x0  }
0x16: {  	s3 =	sld [smem:$0x3FDB];
	s0 =	simm.s32 @p2 $0x1  }
0x17: {  	s4 =	simm.s32 $0x1BF5;
	[smem:$0x3FB6] =	sst s0  }
0x18: {  	s0 =	sld [smem:$0x3F99];
	_ =	swait.ge [sflag:s4], $0x0  }
0x19: {  	s7 =	sld [smem:$0x3F9A]  }
0x1a: {  	s8 =	sadd.s32 $0xFFFFE003, lr  }
0x1b: {  	s9 =	sadd.s32 $0xFFFFFEF7, lr;
	s5 =	simm.s32 $0xFFFFFFFF;
	p2 =	slt.u32 s8, $0xFFFFF086  }
0x1c: {  	p1 =	slt.u32 s9, $0xF7A;
	s5 =	simm.s32 @!p2 $0x0  }
0x1d: {  	s5 =	simm.s32 @p1 $0x1;
	p0 =	seq.s32 s7, s2  }
0x1e: {  	s7 =	smul.u32 @!p0 $0xF7A, s2;
	p2 =	seq.s32 @!p0 s5, $0x0  }
0x1f: {  	s9 =	smul.u32 $0xF7A, s1;
	s8 =	simm.s32 @!p0 $0x1BF5;
	p2 =	por !p2, p0  }
0x20: {  	[sflag:s8] =	ssyncset.s32 @!p0 $0xFFFFF086;
	s6 =	sadd.s32 @!p0 s3, s7;
	s7 =	simm.s32 @!p0 $0x108  }
0x21: {  	s3 =	sadd.s32 s3, s9;
	s6 =	sadd.s32 @!p0 $0x88, s6;
	s7 =	simm.s32 @p2 $0x1082  }
0x22: {  	[simem:s7], [sflag:s8] =	dma.local @!p0 [hbm:s6], $0xF7A  }
0x23: {  	s9 =	sor.u32 $0xD0000000, s2;
	s6 =	simm.s32 $0x108;
	_ =	swait.ge @!p0 [sflag:s8], $0x0  }
0x24: {  	s3 =	sadd.s32 $0x88, s3;
	s6 =	simm.s32 @!p1 $0x1082;
	[sflag:s4] =	ssyncset.s32 $0xFFFFF086  }
0x25: {  	[simem:s6], [sflag:s4] =	dma.local [hbm:s3], $0xF7A  }
0x26: {  	[smem:$0x3F9A] =	sst s1;
	(tag) =	ssettag s2;
	_ =	strace s9  }
0x27: {  	s1 =	sld [smem:$0x3FAA]  }
0x28: {  	s2 =	sld [smem:$0x3FAB]  }
0x29: {  	s4 =	sld [smem:$0x3FAD]  }
0x2a: {  	p0 =	seq.s32 s5, $0x0;
	s5 =	sld [smem:$0x3FAE]  }
0x2b: {  	s6 =	sld [smem:$0x3FAF]  }
0x2c: {  	s7 =	sld [smem:$0x3FB0]  }
0x2d: {  	s3 =	simm.s32 $0x108;
	s8 =	sld [smem:$0x3FB1]  }
0x2e: {  	s3 =	simm.s32 @!p0 $0x1082;
	s9 =	sld [smem:$0x3FB2]  }
0x2f: {  	lr =	sadd.s32 s0, s3;
	s0 =	sld [smem:$0x3FA9]  }
0x30: {  	s3 =	sld [smem:$0x3FAC]  }
0x31: {  	[smem:$0x3FB5] =	sst s10  }
0x32: {  	s10 =	sld [smem:$0x3FB3];
	_ =	sdelay $0x3  }
0x33: {  	p0 =	seq.s32 s10, $0x1;
	s10 =	sld [smem:$0x3FB5];
	_ =	sdelay $0x3  }
0x34: {  	[smem:$0x3FB5] =	sst s10  }
0x35: {  	s10 =	sld [smem:$0x3FB4];
	_ =	sdelay $0x3  }
0x36: {  	p1 =	seq.s32 s10, $0x1;
	s10 =	sld [smem:$0x3FB5];
	_ =	sdelay $0x3  }
0x37: {  	[smem:$0x3FB5] =	sst s10  }
0x38: {  	s10 =	sld [smem:$0x3FB6]  }
0x39: {  	_ = 	snop;
	(pc) =	sbr.ind lr, $3  }
0x3a: {  	_ = 	snop  }
0x3b: {  	_ = 	snop  }
0x3c: {  	p2 =	seq.s32 s10, $0x1;
	s10 =	sld [smem:$0x3FB5]  }
0x3d: {  	_ =	shalt  }
0x3e: {  	_ =	shalt  }
0x3f: {  	_ =	shalt  }
0x40: {  	_ =	shalt  }
0x41: {  	_ =	shalt  }
0x42: {  	_ =	shalt  }
0x43: {  	_ =	shalt  }
0x44: {  	_ =	shalt  }
0x45: {  	_ =	shalt  }
0x46: {  	_ =	shalt  }
0x47: {  	_ =	shalt  }
0x48: {  	_ =	shalt  }
0x49: {  	_ =	shalt  }
0x4a: {  	_ =	shalt  }
0x4b: {  	_ =	shalt  }
0x4c: {  	_ =	shalt  }
0x4d: {  	_ =	shalt  }
0x4e: {  	_ =	shalt  }
0x4f: {  	_ =	shalt  }
0x50: {  	_ =	shalt  }
0x51: {  	_ =	shalt  }
0x52: {  	_ =	shalt  }
0x53: {  	_ =	shalt  }
0x54: {  	_ =	shalt  }
0x55: {  	_ =	shalt  }
0x56: {  	_ =	shalt  }
0x57: {  	_ =	shalt  }
0x58: {  	_ =	shalt  }
0x59: {  	_ =	shalt  }
0x5a: {  	_ =	shalt  }
0x5b: {  	_ =	shalt  }
0x5c: {  	_ =	shalt  }
0x5d: {  	_ =	shalt  }
0x5e: {  	_ =	shalt  }
0x5f: {  	_ =	shalt  }
0x60: {  	_ =	shalt  }
0x61: {  	_ =	shalt  }
0x62: {  	_ =	shalt  }
0x63: {  	_ =	shalt  }
0x64: {  	_ =	shalt  }
0x65: {  	_ =	shalt  }
0x66: {  	_ =	shalt  }
0x67: {  	_ =	shalt  }
0x68: {  	_ =	shalt  }
0x69: {  	_ =	shalt  }
0x6a: {  	_ =	shalt  }
0x6b: {  	_ =	shalt  }
0x6c: {  	_ =	shalt  }
0x6d: {  	_ =	shalt  }
0x6e: {  	_ =	shalt  }
0x6f: {  	_ =	shalt  }
0x70: {  	_ =	shalt  }
0x71: {  	_ =	shalt  }
0x72: {  	_ =	shalt  }
0x73: {  	_ =	shalt  }
0x74: {  	_ =	shalt  }
0x75: {  	_ =	shalt  }
0x76: {  	_ =	shalt  }
0x77: {  	_ =	shalt  }
0x78: {  	_ =	shalt  }
0x79: {  	_ =	shalt  }
0x7a: {  	_ =	shalt  }
0x7b: {  	_ =	shalt  }
0x7c: {  	_ =	shalt  }
0x7d: {  	_ =	shalt  }
0x7e: {  	_ =	shalt  }
0x7f: {  	_ =	shalt  }
0x80: {  	_ =	shalt  }
0x81: {  	_ =	shalt  }
0x82: {  	_ =	shalt  }
0x83: {  	_ =	shalt  }
0x84: {  	_ =	shalt  }
0x85: {  	_ =	shalt  }
0x86: {  	_ =	shalt  }
0x87: {  	_ =	shalt  }
.Lfunc_end0:
.L_simem_size_0:
called_computation_lowered:
.L_overlay_start_0:
0x88: {  	s2 =	sld [smem:$0x3FD9]  }
0x89: {  	s3 =	sld [smem:$0x3FFE];
	_ =	sdelay $0x1  }
0x8a: {  	s1 =	srdreg.scid  }
0x8b: {  	s0 =	sand.u32 $0x1, s1  }
0x8c: {  	s16 =	sshll.u32 s0, $0xA;
	s2 =	sadd.s32 s3, s2  }
0x8d: {  	s2 =	sadd.s32 s2, s16  }
0x8e: {  	[smem:$0x3FC1] =	sst s2  }
0x8f: {  	_ = 	snop  }
0x90: {  	(tm) =	ssettm $0x1  }
0x91: {  	s17 =	sld [smem:$0x3FFB];
	_ =	sdelay $0x3  }
0x92: {  	_ =	strace s17  }
0x93: {  	s2 =	sld [smem:$0x3FFC];
	_ =	sdelay $0x3  }
0x94: {  	_ =	strace s2  }
0x95: {  	s2 =	sld [smem:$0x3FFD];
	_ =	sdelay $0x3  }
0x96: {  	_ =	strace s2  }
0x97: {  	_ =	strace $0x8FFFFFFF  }
0x98: {  	s18 =	sld [smem:$0x3FDB];
	_ =	sdelay $0x1  }
0x99: {  	s19 =	simm.s32 $_scs_section_size  }
0x9a: {  	s4 =	simm.s32 $_size__tile_overlayer_lowered;
	s5 =	simm.s32 $_tile_overlayer_lowered  }
0x9b: {  	s22 =	simm.s32 $0x1BFF;
	s21 =	sshll.u32 s5, $0x1;
	s2 =	sadd.s32 s19, s18  }
0x9c: {  	s6 =	simm.s32 $0x0;
	s20 =	sshll.u32 s4, $0x1;
	s4 =	sadd.s32 s21, s2  }
0x9d: {  	[timem:s6], [sflag:s22] =	dma.local [hbm:s4], s20  }
0x9e: {  	_ =	swait.ge [sflag:s22], s20  }
0x9f: {  	s3 =	ssub.s32 $0x0, s20;
	[sflag:s22] =	ssyncset.done $0x0  }
0xa0: {  	[sflag:s22] =	ssyncadd.s32 s3;
	_ =	sdelay $0x1  }
0xa1: {  	s23 =	simm.s32 $0x1B8B  }
0xa2: {  	_ =	swait.ge [sflag:s23], $0x1  }
0xa3: {  	[sflag:s23] =	ssyncset.done $0x0  }
0xa4: {  	s25 =	simm.s32 $0x1B8E;
	s24 =	sld [smem:$0x3FFE];
	[sflag:s23] =	ssyncadd.s32 $0xFFFFFFFF  }
0xa5: {  	s26 =	simm.s32 $execute0_lowered;
	[smem:$0x3FD2] =	sst s25  }
0xa6: {  	s4 =	sshll.u32 s26, $0x1;
	_ =	strace $0x80000046;
	[dreg:$0x1] =	wrdreg $0xFFFFFFFF  }
0xa7: {  	s28 =	simm.s32 $_size_execute0_lowered;
	s2 =	sadd.s32 s2, s4;
	[dreg:$0x0] =	wrdreg $0x0  }
0xa8: {  	s4 =	sshll.u32 s28, $0x1;
	[dreg:$0x2] =	wrdreg s2  }
0xa9: {  	[dreg:$0x3] =	wrdreg s4  }
0xaa: {  	[dreg:$0x4] =	wrdreg $0xC0  }
0xab: {  	_ =	task [dreg:s6], $0x5FFFF  }
0xac: {  	[dreg:$0x1] =	wrdreg $0xFFFFFFFF  }
0xad: {  	[dreg:$0x0] =	wrdreg $0x60  }
0xae: {  	[dreg:$0x2] =	wrdreg s24  }
0xaf: {  	[dreg:$0x3] =	wrdreg $0x9  }
0xb0: {  	_ =	task.clear_ibuf [dreg:s6], $0x4FFFF;
	_ =	strace $0x90000046  }
0xb1: {  	s29 =	simm.s32 $0x9;
	_ =	strace $0x80000048  }
0xb2: {  	_ =	swait.ge [sflag:s29], $0x1  }
0xb3: {  	[sflag:s29] =	ssyncadd.s32 $0xFFFFFFFF  }
0xb4: {  	_ =	strace $0x90000048  }
0xb5: {  	_ =	sfence  }
0xb6: {  	s30 =	sld [smem:$0x0];
	_ =	sdelay $0x2  }
0xb7: {  	s31 =	sshll.u32 s1, $0xD;
	s1 =	sshrl.u32 s1, $0x2  }
0xb8: {  	s3 =	sand.u32 $0x4000, s31;
	s1 =	sadd.s32 s1, s30  }
0xb9: {  	s0 =	sor.u32 s3, s0;
	s1 =	sshll.u32 s1, $0x11  }
0xba: {  	s0 =	sor.u32 s1, s0  }
0xbb: {  	s0 =	sadd.s32 $0x8F2B, s0  }
0xbc: {  	[sflag:s0] =	ssyncadd.remote.s32 $0x1  }
0xbd: {  	_ =	sfence.sel $0xFFFF  }
0xbe: {  	[dreg:$0x0] =	wrdreg $0xFFFFFFFF;
	(pc) =	sbr.abs _section_cstart, $3  }
0xbf: {  	[dreg:$0x1] =	wrdreg $0xFFFFFFFF  }
0xc0: {  	_ =	task.clear_ibuf [dreg:s6], $0x2FFFF;
	_ =	strace $0x9FFFFFFF  }
0xc1: {  	(tm) =	ssettm $0x7FFFFFFF  }
tec
execute0_lowered:
.L_overlay_start_1:
0x0: {  	(tag) =	ssettag $0x1  }
0x1: {  	s4 =	rddreg [dreg:$0x0]  }
0x2: {  	s2 =	simm.s32 $0x0;
	s3 =	srdreg.scid;
	s1 =	stileid.u32  }
0x3: {  	s28 =	simm.s32 $0x8;
	s29 =	simm.s32 $0xC8;
	s30 =	simm.s32 $0x200  }
0x4: {  	s31 =	simm.s32 $0x240;
	s10 =	simm.s32 $0x280;
	s9 =	simm.s32 $0xC00  }
0x5: {  	s11 =	simm.s32 $0x2C0;
	s12 =	simm.s32 $0x1C00;
	s13 =	simm.s32 $0x300  }
0x6: {  	v0 =	vlaneseq.u32;
	s14 =	simm.s32 $0x2400;
	s15 =	simm.s32 $0x340;
	s16 =	simm.s32 $0x2C00  }
0x7: {  	s17 =	simm.s32 $0x380;
	s18 =	simm.s32 $0x3400;
	s19 =	simm.s32 $0x3C0;
	v0 =	vmul.u32 $0x8, v0  }
0x8: {  	s20 =	simm.s32 $0x3C00;
	s21 =	simm.s32 $0x1;
	s22 =	simm.s32 $0x20  }
0x9: {  	s23 =	simm.s32 $0x80;
	[smem:$0x7FF] =	sst s2;
	s5 =	sand.u32 $0x1, s3;
	v1 =	vor.u32 $0x80, v0  }
0xa: {  	s6 =	smul.u32 $0xC80, s1;
	_ =	strace $0x80000047;
	[dreg:$0x3] =	wrdreg s28;
	v2 =	vor.u32 $0x100, v0;
	v3 =	vor.u32 $0x180, v0;
	v4 =	vor.u32 $0x1, v0  }
0xb: {  	s7 =	sshll.u32 s1, $0xB;
	s3 =	sadd.s32 $0xF44000, s4;
	[dreg:$0x4] =	wrdreg s29;
	v5 =	vor.u32 $0x81, v0;
	v6 =	vor.u32 $0x101, v0;
	v7 =	vor.u32 $0x181, v0  }
0xc: {  	s26 =	sand.u32 $0xC, s1;
	s8 =	sshll.u32 s5, $0xA;
	[dreg:$0x5] =	wrdreg s30;
	v8 =	vor.u32 $0x2, v0;
	v9 =	vor.u32 $0x82, v0;
	v10 =	vor.u32 $0x102, v0  }
0xd: {  	s24 =	smul.u32 $0x640, s5;
	s5 =	ssub.s32 $0x2, s5;
	[dreg:$0x6] =	wrdreg s31;
	v11 =	vor.u32 $0x182, v0;
	v12 =	vor.u32 $0x3, v0;
	v13 =	vor.u32 $0x83, v0  }
0xe: {  	[dreg:$0x7] =	wrdreg s10;
	s10 =	simm.s32 $0x1400;
	s7 =	sor.u32 s8, s7;
	v14 =	vor.u32 $0x103, v0;
	v15 =	vor.u32 $0x183, v0;
	v16 =	vor.u32 $0x4, v0  }
0xf: {  	s6 =	sadd.s32 s6, s4;
	s25 =	sshrl.u32 s5, $0x1;
	s8 =	simm.s32 $0x400;
	v17 =	vor.u32 $0x84, v0;
	v18 =	vor.u32 $0x104, v0;
	v19 =	vor.u32 $0x184, v0  }
0x10: {  	v20 =	vor.u32 $0x5, v0;
	v21 =	vor.u32 $0x85, v0;
	v22 =	vor.u32 $0x105, v0;
	s7 =	sand.u32 $0x1C00, s7;
	s6 =	sadd.s32 s24, s6;
	s24 =	simm.s32 $0x0  }
0x11: {  	v23 =	vor.u32 $0x185, v0;
	v24 =	vor.u32 $0x6, v0;
	v25 =	vor.u32 $0x86, v0;
	s7 =	sadd.s32 s7, s4;
	s4 =	ssub.s32 s5, s25;
	s6 =	sadd.s32 $0x1C00, s6  }
0x12: {  	v26 =	vor.u32 $0x106, v0;
	v27 =	vor.u32 $0x186, v0;
	v28 =	vor.u32 $0x7, v0;
	s4 =	smax.u32 s4, $0x1;
	[dreg:$0x2] =	wrdreg s6;
	s5 =	sadd.s32 s26, s7  }
0x13: {  	v29 =	vor.u32 $0x87, v0;
	v30 =	vor.u32 $0x107, v0;
	v31 =	vor.u32 $0x187, v0;
	s6 =	simm.s32 $0x2;
	s7 =	simm.s32 $0x40;
	s5 =	sadd.s32 $0xE400, s5  }
.LBB2_1:
0x14: {  	s25 =	rddreg [dreg:$0x4]  }
0x15: {  	s26 =	rddreg [dreg:$0x2]  }
0x16: {  	s28 =	rddreg [dreg:$0x3];
	s26 =	sadd.s32 $0x0, s26  }
0x17: {  	[tilespmem:s2], [sflag:$0x2] =	stream.strided.gather [hbm4b:s26+s28], $0x200, s25, s28, $0x38;
	[tilespmem:$0x4400] =	vst v63  }
0x18: {  	_ =	swait.ge [sflag:s6], $0x200  }
0x19: {  	[sflag:s6] =	ssyncset.done $0x0  }
0x1a: {  	[sflag:s6] =	ssyncadd.s32 $0xFFFFFE00  }
0x1b: {  	v32 =	vld.idx.msk [tilespmem:v0+s2+$0x0], $0xffff;
	_ =	sdelay $0x4  }
0x1c: {  	[tilespmem:$0x200] =	vst v32  }
0x1d: {  	v32 =	vld.idx.msk [tilespmem:v1+s2+$0x0], $0xffff;
	_ =	sdelay $0x4  }
0x1e: {  	[tilespmem:$0x210] =	vst v32  }
0x1f: {  	v32 =	vld.idx.msk [tilespmem:v2+s2+$0x0], $0xffff;
	_ =	sdelay $0x4  }
0x20: {  	[tilespmem:$0x220] =	vst v32  }
0x21: {  	v32 =	vld.idx.msk [tilespmem:v3+s2+$0x0], $0xffff;
	_ =	sdelay $0x4  }
0x22: {  	[tilespmem:$0x230] =	vst v32  }
0x23: {  	v32 =	vld.idx.msk [tilespmem:v4+s2+$0x0], $0xffff;
	_ =	sdelay $0x4  }
0x24: {  	[tilespmem:$0x240] =	vst v32  }
0x25: {  	v32 =	vld.idx.msk [tilespmem:v5+s2+$0x0], $0xffff;
	_ =	sdelay $0x4  }
0x26: {  	[tilespmem:$0x250] =	vst v32  }
0x27: {  	v32 =	vld.idx.msk [tilespmem:v6+s2+$0x0], $0xffff;
	_ =	sdelay $0x4  }
0x28: {  	[tilespmem:$0x260] =	vst v32  }
0x29: {  	v32 =	vld.idx.msk [tilespmem:v7+s2+$0x0], $0xffff;
	_ =	sdelay $0x4  }
0x2a: {  	[tilespmem:$0x270] =	vst v32  }
0x2b: {  	v32 =	vld.idx.msk [tilespmem:v8+s2+$0x0], $0xffff;
	_ =	sdelay $0x4  }
0x2c: {  	[tilespmem:$0x280] =	vst v32  }
0x2d: {  	v32 =	vld.idx.msk [tilespmem:v9+s2+$0x0], $0xffff;
	_ =	sdelay $0x4  }
0x2e: {  	[tilespmem:$0x290] =	vst v32  }
0x2f: {  	v32 =	vld.idx.msk [tilespmem:v10+s2+$0x0], $0xffff;
	_ =	sdelay $0x4  }
0x30: {  	[tilespmem:$0x2A0] =	vst v32  }
0x31: {  	v32 =	vld.idx.msk [tilespmem:v11+s2+$0x0], $0xffff;
	_ =	sdelay $0x4  }
0x32: {  	[tilespmem:$0x2B0] =	vst v32  }
0x33: {  	v32 =	vld.idx.msk [tilespmem:v12+s2+$0x0], $0xffff;
	_ =	sdelay $0x4  }
0x34: {  	[tilespmem:$0x2C0] =	vst v32  }
0x35: {  	v32 =	vld.idx.msk [tilespmem:v13+s2+$0x0], $0xffff;
	_ =	sdelay $0x4  }
0x36: {  	[tilespmem:$0x2D0] =	vst v32  }
0x37: {  	v32 =	vld.idx.msk [tilespmem:v14+s2+$0x0], $0xffff;
	_ =	sdelay $0x4  }
0x38: {  	[tilespmem:$0x2E0] =	vst v32  }
0x39: {  	v32 =	vld.idx.msk [tilespmem:v15+s2+$0x0], $0xffff;
	_ =	sdelay $0x4  }
0x3a: {  	[tilespmem:$0x2F0] =	vst v32  }
0x3b: {  	v32 =	vld.idx.msk [tilespmem:v16+s2+$0x0], $0xffff;
	_ =	sdelay $0x4  }
0x3c: {  	[tilespmem:$0x300] =	vst v32  }
0x3d: {  	v32 =	vld.idx.msk [tilespmem:v17+s2+$0x0], $0xffff;
	_ =	sdelay $0x4  }
0x3e: {  	[tilespmem:$0x310] =	vst v32  }
0x3f: {  	v32 =	vld.idx.msk [tilespmem:v18+s2+$0x0], $0xffff;
	_ =	sdelay $0x4  }
0x40: {  	[tilespmem:$0x320] =	vst v32  }
0x41: {  	v32 =	vld.idx.msk [tilespmem:v19+s2+$0x0], $0xffff;
	_ =	sdelay $0x4  }
0x42: {  	[tilespmem:$0x330] =	vst v32  }
0x43: {  	v32 =	vld.idx.msk [tilespmem:v20+s2+$0x0], $0xffff;
	_ =	sdelay $0x4  }
0x44: {  	[tilespmem:$0x340] =	vst v32  }
0x45: {  	v32 =	vld.idx.msk [tilespmem:v21+s2+$0x0], $0xffff;
	_ =	sdelay $0x4  }
0x46: {  	[tilespmem:$0x350] =	vst v32  }
0x47: {  	v32 =	vld.idx.msk [tilespmem:v22+s2+$0x0], $0xffff;
	_ =	sdelay $0x4  }
0x48: {  	[tilespmem:$0x360] =	vst v32  }
0x49: {  	v32 =	vld.idx.msk [tilespmem:v23+s2+$0x0], $0xffff;
	_ =	sdelay $0x4  }
0x4a: {  	[tilespmem:$0x370] =	vst v32  }
0x4b: {  	v32 =	vld.idx.msk [tilespmem:v24+s2+$0x0], $0xffff;
	_ =	sdelay $0x4  }
0x4c: {  	[tilespmem:$0x380] =	vst v32  }
0x4d: {  	v32 =	vld.idx.msk [tilespmem:v25+s2+$0x0], $0xffff;
	_ =	sdelay $0x4  }
0x4e: {  	[tilespmem:$0x390] =	vst v32  }
0x4f: {  	v32 =	vld.idx.msk [tilespmem:v26+s2+$0x0], $0xffff;
	_ =	sdelay $0x4  }
0x50: {  	[tilespmem:$0x3A0] =	vst v32  }
0x51: {  	v32 =	vld.idx.msk [tilespmem:v27+s2+$0x0], $0xffff;
	_ =	sdelay $0x4  }
0x52: {  	[tilespmem:$0x3B0] =	vst v32  }
0x53: {  	v32 =	vld.idx.msk [tilespmem:v28+s2+$0x0], $0xffff;
	_ =	sdelay $0x4  }
0x54: {  	[tilespmem:$0x3C0] =	vst v32  }
0x55: {  	v32 =	vld.idx.msk [tilespmem:v29+s2+$0x0], $0xffff;
	_ =	sdelay $0x4  }
0x56: {  	[tilespmem:$0x3D0] =	vst v32  }
0x57: {  	v32 =	vld.idx.msk [tilespmem:v30+s2+$0x0], $0xffff;
	_ =	sdelay $0x4  }
0x58: {  	[tilespmem:$0x3E0] =	vst v32  }
0x59: {  	v32 =	vld.idx.msk [tilespmem:v31+s2+$0x0], $0xffff;
	_ =	sdelay $0x4  }
0x5a: {  	s30 =	rddreg [dreg:$0x5];
	[tilespmem:$0x3F0] =	vst v32  }
0x5b: {  	[tilespmem:s8], [sflag:$0x1] =	stream.indirect.gather [hbm4b:s3+s7], $0x20, s30, s7, $0xb8;
	[tilespmem:$0x4400] =	vst v63  }
0x5c: {  	s31 =	rddreg [dreg:$0x6]  }
0x5d: {  	[tilespmem:s9], [sflag:$0x1] =	stream.indirect.gather [hbm4b:s3+s7], $0x20, s31, s7, $0xb8;
	[tilespmem:$0x4400] =	vst v63  }
0x5e: {  	s0 =	rddreg [dreg:$0x7]  }
0x5f: {  	[tilespmem:s10], [sflag:$0x1] =	stream.indirect.gather [hbm4b:s3+s7], $0x20, s0, s7, $0xb8;
	[tilespmem:$0x4400] =	vst v63  }
0x60: {  	_ = 	snop  }
0x61: {  	[tilespmem:s12], [sflag:$0x1] =	stream.indirect.gather [hbm4b:s3+s7], $0x20, s11, s7, $0xb8;
	[tilespmem:$0x4400] =	vst v63  }
0x62: {  	_ = 	snop  }
0x63: {  	[tilespmem:s14], [sflag:$0x1] =	stream.indirect.gather [hbm4b:s3+s7], $0x20, s13, s7, $0xb8;
	[tilespmem:$0x4400] =	vst v63  }
0x64: {  	_ = 	snop  }
0x65: {  	[tilespmem:s16], [sflag:$0x1] =	stream.indirect.gather [hbm4b:s3+s7], $0x20, s15, s7, $0xb8;
	[tilespmem:$0x4400] =	vst v63  }
0x66: {  	_ = 	snop  }
0x67: {  	[tilespmem:s18], [sflag:$0x1] =	stream.indirect.gather [hbm4b:s3+s7], $0x20, s17, s7, $0xb8;
	[tilespmem:$0x4400] =	vst v63  }
0x68: {  	_ = 	snop  }
0x69: {  	[tilespmem:s20], [sflag:$0x1] =	stream.indirect.gather [hbm4b:s3+s7], $0x20, s19, s7, $0xb8;
	[tilespmem:$0x4400] =	vst v63  }
0x6a: {  	_ =	swait.ge [sflag:s21], $0x800  }
0x6b: {  	[sflag:s21] =	ssyncset.done $0x0  }
0x6c: {  	[sflag:s21] =	ssyncadd.s32 $0xFFFFF800  }
0x6d: {  	_ =	swait.ge [sflag:s21], $0x800  }
0x6e: {  	[sflag:s21] =	ssyncset.done $0x0  }
0x6f: {  	[sflag:s21] =	ssyncadd.s32 $0xFFFFF800  }
0x70: {  	_ =	swait.ge [sflag:s21], $0x800  }
0x71: {  	[sflag:s21] =	ssyncset.done $0x0  }
0x72: {  	[sflag:s21] =	ssyncadd.s32 $0xFFFFF800  }
0x73: {  	_ =	swait.ge [sflag:s21], $0x800  }
0x74: {  	[sflag:s21] =	ssyncset.done $0x0  }
0x75: {  	[sflag:s21] =	ssyncadd.s32 $0xFFFFF800  }
0x76: {  	_ =	swait.ge [sflag:s21], $0x800  }
0x77: {  	[sflag:s21] =	ssyncset.done $0x0  }
0x78: {  	[sflag:s21] =	ssyncadd.s32 $0xFFFFF800  }
0x79: {  	_ =	swait.ge [sflag:s21], $0x800  }
0x7a: {  	[sflag:s21] =	ssyncset.done $0x0  }
0x7b: {  	[sflag:s21] =	ssyncadd.s32 $0xFFFFF800  }
0x7c: {  	_ =	swait.ge [sflag:s21], $0x800  }
0x7d: {  	[sflag:s21] =	ssyncset.done $0x0  }
0x7e: {  	[sflag:s21] =	ssyncadd.s32 $0xFFFFF800  }
0x7f: {  	_ =	swait.ge [sflag:s21], $0x800  }
0x80: {  	[sflag:s21] =	ssyncset.done $0x0  }
0x81: {  	[sflag:s21] =	ssyncadd.s32 $0xFFFFF800  }
0x82: {  	[hbm4b:s5+s22] =	stream.strided.scatter [tilespmem:s8], [sflag:$0x2], $0x800, s23, s22, $0x38;
	[tilespmem:$0x4400] =	vst v63  }
0x83: {  	s26 =	sadd.s32 $0x2000, s5  }
0x84: {  	[hbm4b:s26+s22] =	stream.strided.scatter [tilespmem:s9], [sflag:$0x2], $0x800, s23, s22, $0x38;
	[tilespmem:$0x4400] =	vst v63  }
0x85: {  	s30 =	sadd.s32 $0x4000, s5  }
0x86: {  	[hbm4b:s30+s22] =	stream.strided.scatter [tilespmem:s10], [sflag:$0x2], $0x800, s23, s22, $0x38;
	[tilespmem:$0x4400] =	vst v63  }
0x87: {  	s31 =	sadd.s32 $0x6000, s5  }
0x88: {  	[hbm4b:s31+s22] =	stream.strided.scatter [tilespmem:s12], [sflag:$0x2], $0x800, s23, s22, $0x38;
	[tilespmem:$0x4400] =	vst v63  }
0x89: {  	s0 =	sadd.s32 $0x8000, s5  }
0x8a: {  	[hbm4b:s0+s22] =	stream.strided.scatter [tilespmem:s14], [sflag:$0x2], $0x800, s23, s22, $0x38;
	[tilespmem:$0x4400] =	vst v63  }
0x8b: {  	s26 =	sadd.s32 $0xA000, s5  }
0x8c: {  	[hbm4b:s26+s22] =	stream.strided.scatter [tilespmem:s16], [sflag:$0x2], $0x800, s23, s22, $0x38;
	[tilespmem:$0x4400] =	vst v63  }
0x8d: {  	s30 =	sadd.s32 $0xC000, s5  }
0x8e: {  	[hbm4b:s30+s22] =	stream.strided.scatter [tilespmem:s18], [sflag:$0x2], $0x800, s23, s22, $0x38;
	[tilespmem:$0x4400] =	vst v63  }
0x8f: {  	s31 =	sadd.s32 $0xE000, s5  }
0x90: {  	[hbm4b:s31+s22] =	stream.strided.scatter [tilespmem:s20], [sflag:$0x2], $0x800, s23, s22, $0x38;
	[tilespmem:$0x4400] =	vst v63  }
0x91: {  	s28 =	simm.s32 $0x2;
	s25 =	smov.u32 s5;
	_ =	swait.ge [sflag:s6], $0x4000  }
0x92: {  	s26 =	simm.s32 $0x1;
	s29 =	rddreg [dreg:$0x4];
	[sflag:s6] =	ssyncset.done $0x0  }
.LBB2_2:
0x93: {  	s30 =	rddreg [dreg:$0x2]  }
0x94: {  	[sflag:s6] =	ssyncadd.s32 $0xFFFFC000;
	s0 =	rddreg [dreg:$0x3];
	s30 =	sadd.s32 s26, s30  }
0x95: {  	[tilespmem:s2], [sflag:$0x2] =	stream.strided.gather [hbm4b:s30+s0], $0x200, s29, s0, $0x38;
	[tilespmem:$0x4400] =	vst v63  }
0x96: {  	_ =	swait.ge [sflag:s6], $0x200  }
0x97: {  	[sflag:s6] =	ssyncset.done $0x0  }
0x98: {  	[sflag:s6] =	ssyncadd.s32 $0xFFFFFE00  }
0x99: {  	v32 =	vld.idx.msk [tilespmem:v0+s2+$0x0], $0xffff;
	_ =	sdelay $0x4  }
0x9a: {  	[tilespmem:$0x200] =	vst v32  }
0x9b: {  	v32 =	vld.idx.msk [tilespmem:v1+s2+$0x0], $0xffff;
	_ =	sdelay $0x4  }
0x9c: {  	[tilespmem:$0x210] =	vst v32  }
0x9d: {  	v32 =	vld.idx.msk [tilespmem:v2+s2+$0x0], $0xffff;
	_ =	sdelay $0x4  }
0x9e: {  	[tilespmem:$0x220] =	vst v32  }
0x9f: {  	v32 =	vld.idx.msk [tilespmem:v3+s2+$0x0], $0xffff;
	_ =	sdelay $0x4  }
0xa0: {  	[tilespmem:$0x230] =	vst v32  }
0xa1: {  	v32 =	vld.idx.msk [tilespmem:v4+s2+$0x0], $0xffff;
	_ =	sdelay $0x4  }
0xa2: {  	[tilespmem:$0x240] =	vst v32  }
0xa3: {  	v32 =	vld.idx.msk [tilespmem:v5+s2+$0x0], $0xffff;
	_ =	sdelay $0x4  }
0xa4: {  	[tilespmem:$0x250] =	vst v32  }
0xa5: {  	v32 =	vld.idx.msk [tilespmem:v6+s2+$0x0], $0xffff;
	_ =	sdelay $0x4  }
0xa6: {  	[tilespmem:$0x260] =	vst v32  }
0xa7: {  	v32 =	vld.idx.msk [tilespmem:v7+s2+$0x0], $0xffff;
	_ =	sdelay $0x4  }
0xa8: {  	[tilespmem:$0x270] =	vst v32  }
0xa9: {  	v32 =	vld.idx.msk [tilespmem:v8+s2+$0x0], $0xffff;
	_ =	sdelay $0x4  }
0xaa: {  	[tilespmem:$0x280] =	vst v32  }
0xab: {  	v32 =	vld.idx.msk [tilespmem:v9+s2+$0x0], $0xffff;
	_ =	sdelay $0x4  }
0xac: {  	[tilespmem:$0x290] =	vst v32  }
0xad: {  	v32 =	vld.idx.msk [tilespmem:v10+s2+$0x0], $0xffff;
	_ =	sdelay $0x4  }
0xae: {  	[tilespmem:$0x2A0] =	vst v32  }
0xaf: {  	v32 =	vld.idx.msk [tilespmem:v11+s2+$0x0], $0xffff;
	_ =	sdelay $0x4  }
0xb0: {  	[tilespmem:$0x2B0] =	vst v32  }
0xb1: {  	v32 =	vld.idx.msk [tilespmem:v12+s2+$0x0], $0xffff;
	_ =	sdelay $0x4  }
0xb2: {  	[tilespmem:$0x2C0] =	vst v32  }
0xb3: {  	v32 =	vld.idx.msk [tilespmem:v13+s2+$0x0], $0xffff;
	_ =	sdelay $0x4  }
0xb4: {  	[tilespmem:$0x2D0] =	vst v32  }
0xb5: {  	v32 =	vld.idx.msk [tilespmem:v14+s2+$0x0], $0xffff;
	_ =	sdelay $0x4  }
0xb6: {  	[tilespmem:$0x2E0] =	vst v32  }
0xb7: {  	v32 =	vld.idx.msk [tilespmem:v15+s2+$0x0], $0xffff;
	_ =	sdelay $0x4  }
0xb8: {  	[tilespmem:$0x2F0] =	vst v32  }
0xb9: {  	v32 =	vld.idx.msk [tilespmem:v16+s2+$0x0], $0xffff;
	_ =	sdelay $0x4  }
0xba: {  	[tilespmem:$0x300] =	vst v32  }
0xbb: {  	v32 =	vld.idx.msk [tilespmem:v17+s2+$0x0], $0xffff;
	_ =	sdelay $0x4  }
0xbc: {  	[tilespmem:$0x310] =	vst v32  }
0xbd: {  	v32 =	vld.idx.msk [tilespmem:v18+s2+$0x0], $0xffff;
	_ =	sdelay $0x4  }
0xbe: {  	[tilespmem:$0x320] =	vst v32  }
0xbf: {  	v32 =	vld.idx.msk [tilespmem:v19+s2+$0x0], $0xffff;
	_ =	sdelay $0x4  }
0xc0: {  	[tilespmem:$0x330] =	vst v32  }
0xc1: {  	v32 =	vld.idx.msk [tilespmem:v20+s2+$0x0], $0xffff;
	_ =	sdelay $0x4  }
0xc2: {  	[tilespmem:$0x340] =	vst v32  }
0xc3: {  	v32 =	vld.idx.msk [tilespmem:v21+s2+$0x0], $0xffff;
	_ =	sdelay $0x4  }
0xc4: {  	[tilespmem:$0x350] =	vst v32  }
0xc5: {  	v32 =	vld.idx.msk [tilespmem:v22+s2+$0x0], $0xffff;
	_ =	sdelay $0x4  }
0xc6: {  	[tilespmem:$0x360] =	vst v32  }
0xc7: {  	v32 =	vld.idx.msk [tilespmem:v23+s2+$0x0], $0xffff;
	_ =	sdelay $0x4  }
0xc8: {  	[tilespmem:$0x370] =	vst v32  }
0xc9: {  	v32 =	vld.idx.msk [tilespmem:v24+s2+$0x0], $0xffff;
	_ =	sdelay $0x4  }
0xca: {  	[tilespmem:$0x380] =	vst v32  }
0xcb: {  	v32 =	vld.idx.msk [tilespmem:v25+s2+$0x0], $0xffff;
	_ =	sdelay $0x4  }
0xcc: {  	[tilespmem:$0x390] =	vst v32  }
0xcd: {  	v32 =	vld.idx.msk [tilespmem:v26+s2+$0x0], $0xffff;
	_ =	sdelay $0x4  }
0xce: {  	[tilespmem:$0x3A0] =	vst v32  }
0xcf: {  	v32 =	vld.idx.msk [tilespmem:v27+s2+$0x0], $0xffff;
	_ =	sdelay $0x4  }
0xd0: {  	[tilespmem:$0x3B0] =	vst v32  }
0xd1: {  	v32 =	vld.idx.msk [tilespmem:v28+s2+$0x0], $0xffff;
	_ =	sdelay $0x4  }
0xd2: {  	[tilespmem:$0x3C0] =	vst v32  }
0xd3: {  	v32 =	vld.idx.msk [tilespmem:v29+s2+$0x0], $0xffff;
	_ =	sdelay $0x4  }
0xd4: {  	[tilespmem:$0x3D0] =	vst v32  }
0xd5: {  	v32 =	vld.idx.msk [tilespmem:v30+s2+$0x0], $0xffff;
	_ =	sdelay $0x4  }
0xd6: {  	[tilespmem:$0x3E0] =	vst v32  }
0xd7: {  	v32 =	vld.idx.msk [tilespmem:v31+s2+$0x0], $0xffff;
	_ =	sdelay $0x3  }
0xd8: {  	s31 =	smov.u32 s28  }
0xd9: {  	s26 =	smov.u32 s31;
	s31 =	rddreg [dreg:$0x5];
	[tilespmem:$0x3F0] =	vst v32  }
0xda: {  	[tilespmem:s8], [sflag:$0x1] =	stream.indirect.gather [hbm4b:s3+s7], $0x20, s31, s7, $0xb8;
	[tilespmem:$0x4400] =	vst v63  }
0xdb: {  	s29 =	rddreg [dreg:$0x6]  }
0xdc: {  	[tilespmem:s9], [sflag:$0x1] =	stream.indirect.gather [hbm4b:s3+s7], $0x20, s29, s7, $0xb8;
	[tilespmem:$0x4400] =	vst v63  }
0xdd: {  	s30 =	rddreg [dreg:$0x7]  }
0xde: {  	[tilespmem:s10], [sflag:$0x1] =	stream.indirect.gather [hbm4b:s3+s7], $0x20, s30, s7, $0xb8;
	[tilespmem:$0x4400] =	vst v63  }
0xdf: {  	_ = 	snop  }
0xe0: {  	[tilespmem:s12], [sflag:$0x1] =	stream.indirect.gather [hbm4b:s3+s7], $0x20, s11, s7, $0xb8;
	[tilespmem:$0x4400] =	vst v63  }
0xe1: {  	_ = 	snop  }
0xe2: {  	[tilespmem:s14], [sflag:$0x1] =	stream.indirect.gather [hbm4b:s3+s7], $0x20, s13, s7, $0xb8;
	[tilespmem:$0x4400] =	vst v63  }
0xe3: {  	_ = 	snop  }
0xe4: {  	[tilespmem:s16], [sflag:$0x1] =	stream.indirect.gather [hbm4b:s3+s7], $0x20, s15, s7, $0xb8;
	[tilespmem:$0x4400] =	vst v63  }
0xe5: {  	_ = 	snop  }
0xe6: {  	[tilespmem:s18], [sflag:$0x1] =	stream.indirect.gather [hbm4b:s3+s7], $0x20, s17, s7, $0xb8;
	[tilespmem:$0x4400] =	vst v63  }
0xe7: {  	_ = 	snop  }
0xe8: {  	[tilespmem:s20], [sflag:$0x1] =	stream.indirect.gather [hbm4b:s3+s7], $0x20, s19, s7, $0xb8;
	[tilespmem:$0x4400] =	vst v63  }
0xe9: {  	_ =	swait.ge [sflag:s21], $0x800  }
0xea: {  	[sflag:s21] =	ssyncset.done $0x0  }
0xeb: {  	[sflag:s21] =	ssyncadd.s32 $0xFFFFF800  }
0xec: {  	_ =	swait.ge [sflag:s21], $0x800  }
0xed: {  	[sflag:s21] =	ssyncset.done $0x0  }
0xee: {  	[sflag:s21] =	ssyncadd.s32 $0xFFFFF800  }
0xef: {  	_ =	swait.ge [sflag:s21], $0x800  }
0xf0: {  	[sflag:s21] =	ssyncset.done $0x0  }
0xf1: {  	[sflag:s21] =	ssyncadd.s32 $0xFFFFF800  }
0xf2: {  	_ =	swait.ge [sflag:s21], $0x800  }
0xf3: {  	[sflag:s21] =	ssyncset.done $0x0  }
0xf4: {  	[sflag:s21] =	ssyncadd.s32 $0xFFFFF800  }
0xf5: {  	_ =	swait.ge [sflag:s21], $0x800  }
0xf6: {  	[sflag:s21] =	ssyncset.done $0x0  }
0xf7: {  	[sflag:s21] =	ssyncadd.s32 $0xFFFFF800  }
0xf8: {  	_ =	swait.ge [sflag:s21], $0x800  }
0xf9: {  	[sflag:s21] =	ssyncset.done $0x0  }
0xfa: {  	[sflag:s21] =	ssyncadd.s32 $0xFFFFF800  }
0xfb: {  	_ =	swait.ge [sflag:s21], $0x800  }
0xfc: {  	[sflag:s21] =	ssyncset.done $0x0  }
0xfd: {  	[sflag:s21] =	ssyncadd.s32 $0xFFFFF800  }
0xfe: {  	_ =	swait.ge [sflag:s21], $0x800  }
0xff: {  	[sflag:s21] =	ssyncset.done $0x0  }
0x100: {  	s25 =	sadd.s32 $0x10000, s25;
	[sflag:s21] =	ssyncadd.s32 $0xFFFFF800  }
0x101: {  	[hbm4b:s25+s22] =	stream.strided.scatter [tilespmem:s8], [sflag:$0x2], $0x800, s23, s22, $0x38;
	[tilespmem:$0x4400] =	vst v63  }
0x102: {  	s31 =	sadd.s32 $0x2000, s25  }
0x103: {  	[hbm4b:s31+s22] =	stream.strided.scatter [tilespmem:s9], [sflag:$0x2], $0x800, s23, s22, $0x38;
	[tilespmem:$0x4400] =	vst v63  }
0x104: {  	s30 =	sadd.s32 $0x4000, s25  }
0x105: {  	[hbm4b:s30+s22] =	stream.strided.scatter [tilespmem:s10], [sflag:$0x2], $0x800, s23, s22, $0x38;
	[tilespmem:$0x4400] =	vst v63  }
0x106: {  	s31 =	sadd.s32 $0x6000, s25  }
0x107: {  	[hbm4b:s31+s22] =	stream.strided.scatter [tilespmem:s12], [sflag:$0x2], $0x800, s23, s22, $0x38;
	[tilespmem:$0x4400] =	vst v63  }
0x108: {  	s30 =	sadd.s32 $0x8000, s25  }
0x109: {  	[hbm4b:s30+s22] =	stream.strided.scatter [tilespmem:s14], [sflag:$0x2], $0x800, s23, s22, $0x38;
	[tilespmem:$0x4400] =	vst v63  }
0x10a: {  	s31 =	sadd.s32 $0xA000, s25  }
0x10b: {  	[hbm4b:s31+s22] =	stream.strided.scatter [tilespmem:s16], [sflag:$0x2], $0x800, s23, s22, $0x38;
	[tilespmem:$0x4400] =	vst v63  }
0x10c: {  	p0 =	sne.s32 s28, $0x18;
	s30 =	sadd.s32 $0xC000, s25  }
0x10d: {  	[hbm4b:s30+s22] =	stream.strided.scatter [tilespmem:s18], [sflag:$0x2], $0x800, s23, s22, $0x38;
	[tilespmem:$0x4400] =	vst v63  }
.Ltmp0:
0x10e: {  	_ = 	snop;
	(pc) =	sbr.rel @p0 .LBB2_2-.Ltmp0, $4  }
0x10f: {  	s31 =	sadd.s32 $0xE000, s25  }
0x110: {  	[hbm4b:s31+s22] =	stream.strided.scatter [tilespmem:s20], [sflag:$0x2], $0x800, s23, s22, $0x38;
	[tilespmem:$0x4400] =	vst v63  }
0x111: {  	_ =	swait.ge [sflag:s6], $0x4000  }
0x112: {  	s28 =	sadd.s32 $0x1, s28;
	s29 =	rddreg [dreg:$0x4];
	[sflag:s6] =	ssyncset.done $0x0  }
0x113: {  	s0 =	rddreg [dreg:$0x2]  }
0x114: {  	s28 =	rddreg [dreg:$0x3];
	[sflag:s6] =	ssyncadd.s32 $0xFFFFC000;
	s0 =	sadd.s32 s26, s0  }
0x115: {  	[tilespmem:s2], [sflag:$0x2] =	stream.strided.gather [hbm4b:s0+s28], $0x200, s29, s28, $0x38;
	[tilespmem:$0x4400] =	vst v63  }
0x116: {  	_ =	swait.ge [sflag:s6], $0x200  }
0x117: {  	[sflag:s6] =	ssyncset.done $0x0  }
0x118: {  	[sflag:s6] =	ssyncadd.s32 $0xFFFFFE00  }
0x119: {  	v32 =	vld.idx.msk [tilespmem:v0+s2+$0x0], $0xffff;
	_ =	sdelay $0x4  }
0x11a: {  	[tilespmem:$0x200] =	vst v32  }
0x11b: {  	v32 =	vld.idx.msk [tilespmem:v1+s2+$0x0], $0xffff;
	_ =	sdelay $0x4  }
0x11c: {  	[tilespmem:$0x210] =	vst v32  }
0x11d: {  	v32 =	vld.idx.msk [tilespmem:v2+s2+$0x0], $0xffff;
	_ =	sdelay $0x4  }
0x11e: {  	[tilespmem:$0x220] =	vst v32  }
0x11f: {  	v32 =	vld.idx.msk [tilespmem:v3+s2+$0x0], $0xffff;
	_ =	sdelay $0x4  }
0x120: {  	[tilespmem:$0x230] =	vst v32  }
0x121: {  	v32 =	vld.idx.msk [tilespmem:v4+s2+$0x0], $0xffff;
	_ =	sdelay $0x4  }
0x122: {  	[tilespmem:$0x240] =	vst v32  }
0x123: {  	v32 =	vld.idx.msk [tilespmem:v5+s2+$0x0], $0xffff;
	_ =	sdelay $0x4  }
0x124: {  	[tilespmem:$0x250] =	vst v32  }
0x125: {  	v32 =	vld.idx.msk [tilespmem:v6+s2+$0x0], $0xffff;
	_ =	sdelay $0x4  }
0x126: {  	[tilespmem:$0x260] =	vst v32  }
0x127: {  	v32 =	vld.idx.msk [tilespmem:v7+s2+$0x0], $0xffff;
	_ =	sdelay $0x4  }
0x128: {  	[tilespmem:$0x270] =	vst v32  }
0x129: {  	v32 =	vld.idx.msk [tilespmem:v8+s2+$0x0], $0xffff;
	_ =	sdelay $0x4  }
0x12a: {  	[tilespmem:$0x280] =	vst v32  }
0x12b: {  	v32 =	vld.idx.msk [tilespmem:v9+s2+$0x0], $0xffff;
	_ =	sdelay $0x4  }
0x12c: {  	[tilespmem:$0x290] =	vst v32  }
0x12d: {  	v32 =	vld.idx.msk [tilespmem:v10+s2+$0x0], $0xffff;
	_ =	sdelay $0x4  }
0x12e: {  	[tilespmem:$0x2A0] =	vst v32  }
0x12f: {  	v32 =	vld.idx.msk [tilespmem:v11+s2+$0x0], $0xffff;
	_ =	sdelay $0x4  }
0x130: {  	[tilespmem:$0x2B0] =	vst v32  }
0x131: {  	v32 =	vld.idx.msk [tilespmem:v12+s2+$0x0], $0xffff;
	_ =	sdelay $0x4  }
0x132: {  	[tilespmem:$0x2C0] =	vst v32  }
0x133: {  	v32 =	vld.idx.msk [tilespmem:v13+s2+$0x0], $0xffff;
	_ =	sdelay $0x4  }
0x134: {  	[tilespmem:$0x2D0] =	vst v32  }
0x135: {  	v32 =	vld.idx.msk [tilespmem:v14+s2+$0x0], $0xffff;
	_ =	sdelay $0x4  }
0x136: {  	[tilespmem:$0x2E0] =	vst v32  }
0x137: {  	v32 =	vld.idx.msk [tilespmem:v15+s2+$0x0], $0xffff;
	_ =	sdelay $0x4  }
0x138: {  	[tilespmem:$0x2F0] =	vst v32  }
0x139: {  	v32 =	vld.idx.msk [tilespmem:v16+s2+$0x0], $0xffff;
	_ =	sdelay $0x4  }
0x13a: {  	[tilespmem:$0x300] =	vst v32  }
0x13b: {  	v32 =	vld.idx.msk [tilespmem:v17+s2+$0x0], $0xffff;
	_ =	sdelay $0x4  }
0x13c: {  	[tilespmem:$0x310] =	vst v32  }
0x13d: {  	v32 =	vld.idx.msk [tilespmem:v18+s2+$0x0], $0xffff;
	_ =	sdelay $0x4  }
0x13e: {  	[tilespmem:$0x320] =	vst v32  }
0x13f: {  	v32 =	vld.idx.msk [tilespmem:v19+s2+$0x0], $0xffff;
	_ =	sdelay $0x4  }
0x140: {  	[tilespmem:$0x330] =	vst v32  }
0x141: {  	v32 =	vld.idx.msk [tilespmem:v20+s2+$0x0], $0xffff;
	_ =	sdelay $0x4  }
0x142: {  	[tilespmem:$0x340] =	vst v32  }
0x143: {  	v32 =	vld.idx.msk [tilespmem:v21+s2+$0x0], $0xffff;
	_ =	sdelay $0x4  }
0x144: {  	[tilespmem:$0x350] =	vst v32  }
0x145: {  	v32 =	vld.idx.msk [tilespmem:v22+s2+$0x0], $0xffff;
	_ =	sdelay $0x4  }
0x146: {  	[tilespmem:$0x360] =	vst v32  }
0x147: {  	v32 =	vld.idx.msk [tilespmem:v23+s2+$0x0], $0xffff;
	_ =	sdelay $0x4  }
0x148: {  	[tilespmem:$0x370] =	vst v32  }
0x149: {  	v32 =	vld.idx.msk [tilespmem:v24+s2+$0x0], $0xffff;
	_ =	sdelay $0x4  }
0x14a: {  	[tilespmem:$0x380] =	vst v32  }
0x14b: {  	v32 =	vld.idx.msk [tilespmem:v25+s2+$0x0], $0xffff;
	_ =	sdelay $0x4  }
0x14c: {  	[tilespmem:$0x390] =	vst v32  }
0x14d: {  	v32 =	vld.idx.msk [tilespmem:v26+s2+$0x0], $0xffff;
	_ =	sdelay $0x4  }
0x14e: {  	[tilespmem:$0x3A0] =	vst v32  }
0x14f: {  	v32 =	vld.idx.msk [tilespmem:v27+s2+$0x0], $0xffff;
	_ =	sdelay $0x4  }
0x150: {  	[tilespmem:$0x3B0] =	vst v32  }
0x151: {  	v32 =	vld.idx.msk [tilespmem:v28+s2+$0x0], $0xffff;
	_ =	sdelay $0x4  }
0x152: {  	[tilespmem:$0x3C0] =	vst v32  }
0x153: {  	v32 =	vld.idx.msk [tilespmem:v29+s2+$0x0], $0xffff;
	_ =	sdelay $0x4  }
0x154: {  	[tilespmem:$0x3D0] =	vst v32  }
0x155: {  	v32 =	vld.idx.msk [tilespmem:v30+s2+$0x0], $0xffff;
	_ =	sdelay $0x4  }
0x156: {  	[tilespmem:$0x3E0] =	vst v32  }
0x157: {  	v32 =	vld.idx.msk [tilespmem:v31+s2+$0x0], $0xffff;
	_ =	sdelay $0x4  }
0x158: {  	s29 =	rddreg [dreg:$0x5];
	[tilespmem:$0x3F0] =	vst v32  }
0x159: {  	[tilespmem:s8], [sflag:$0x1] =	stream.indirect.gather [hbm4b:s3+s7], $0x20, s29, s7, $0xb8;
	[tilespmem:$0x4400] =	vst v63  }
0x15a: {  	s30 =	rddreg [dreg:$0x6]  }
0x15b: {  	[tilespmem:s9], [sflag:$0x1] =	stream.indirect.gather [hbm4b:s3+s7], $0x20, s30, s7, $0xb8;
	[tilespmem:$0x4400] =	vst v63  }
0x15c: {  	s31 =	rddreg [dreg:$0x7]  }
0x15d: {  	[tilespmem:s10], [sflag:$0x1] =	stream.indirect.gather [hbm4b:s3+s7], $0x20, s31, s7, $0xb8;
	[tilespmem:$0x4400] =	vst v63  }
0x15e: {  	_ = 	snop  }
0x15f: {  	[tilespmem:s12], [sflag:$0x1] =	stream.indirect.gather [hbm4b:s3+s7], $0x20, s11, s7, $0xb8;
	[tilespmem:$0x4400] =	vst v63  }
0x160: {  	_ = 	snop  }
0x161: {  	[tilespmem:s14], [sflag:$0x1] =	stream.indirect.gather [hbm4b:s3+s7], $0x20, s13, s7, $0xb8;
	[tilespmem:$0x4400] =	vst v63  }
0x162: {  	_ = 	snop  }
0x163: {  	[tilespmem:s16], [sflag:$0x1] =	stream.indirect.gather [hbm4b:s3+s7], $0x20, s15, s7, $0xb8;
	[tilespmem:$0x4400] =	vst v63  }
0x164: {  	_ = 	snop  }
0x165: {  	[tilespmem:s18], [sflag:$0x1] =	stream.indirect.gather [hbm4b:s3+s7], $0x20, s17, s7, $0xb8;
	[tilespmem:$0x4400] =	vst v63  }
0x166: {  	_ = 	snop  }
0x167: {  	[tilespmem:s20], [sflag:$0x1] =	stream.indirect.gather [hbm4b:s3+s7], $0x20, s19, s7, $0xb8;
	[tilespmem:$0x4400] =	vst v63  }
0x168: {  	_ =	swait.ge [sflag:s21], $0x800  }
0x169: {  	[sflag:s21] =	ssyncset.done $0x0  }
0x16a: {  	[sflag:s21] =	ssyncadd.s32 $0xFFFFF800  }
0x16b: {  	_ =	swait.ge [sflag:s21], $0x800  }
0x16c: {  	[sflag:s21] =	ssyncset.done $0x0  }
0x16d: {  	[sflag:s21] =	ssyncadd.s32 $0xFFFFF800  }
0x16e: {  	_ =	swait.ge [sflag:s21], $0x800  }
0x16f: {  	[sflag:s21] =	ssyncset.done $0x0  }
0x170: {  	[sflag:s21] =	ssyncadd.s32 $0xFFFFF800  }
0x171: {  	_ =	swait.ge [sflag:s21], $0x800  }
0x172: {  	[sflag:s21] =	ssyncset.done $0x0  }
0x173: {  	[sflag:s21] =	ssyncadd.s32 $0xFFFFF800  }
0x174: {  	_ =	swait.ge [sflag:s21], $0x800  }
0x175: {  	[sflag:s21] =	ssyncset.done $0x0  }
0x176: {  	[sflag:s21] =	ssyncadd.s32 $0xFFFFF800  }
0x177: {  	_ =	swait.ge [sflag:s21], $0x800  }
0x178: {  	[sflag:s21] =	ssyncset.done $0x0  }
0x179: {  	[sflag:s21] =	ssyncadd.s32 $0xFFFFF800  }
0x17a: {  	_ =	swait.ge [sflag:s21], $0x800  }
0x17b: {  	[sflag:s21] =	ssyncset.done $0x0  }
0x17c: {  	[sflag:s21] =	ssyncadd.s32 $0xFFFFF800  }
0x17d: {  	_ =	swait.ge [sflag:s21], $0x800  }
0x17e: {  	[sflag:s21] =	ssyncset.done $0x0  }
0x17f: {  	s0 =	sadd.s32 $0x10000, s25;
	[sflag:s21] =	ssyncadd.s32 $0xFFFFF800  }
0x180: {  	[hbm4b:s0+s22] =	stream.strided.scatter [tilespmem:s8], [sflag:$0x2], $0x800, s23, s22, $0x38;
	[tilespmem:$0x4400] =	vst v63  }
0x181: {  	s25 =	sadd.s32 $0x2000, s0  }
0x182: {  	[hbm4b:s25+s22] =	stream.strided.scatter [tilespmem:s9], [sflag:$0x2], $0x800, s23, s22, $0x38;
	[tilespmem:$0x4400] =	vst v63  }
0x183: {  	s26 =	sadd.s32 $0x4000, s0  }
0x184: {  	[hbm4b:s26+s22] =	stream.strided.scatter [tilespmem:s10], [sflag:$0x2], $0x800, s23, s22, $0x38;
	[tilespmem:$0x4400] =	vst v63  }
0x185: {  	s28 =	sadd.s32 $0x6000, s0  }
0x186: {  	[hbm4b:s28+s22] =	stream.strided.scatter [tilespmem:s12], [sflag:$0x2], $0x800, s23, s22, $0x38;
	[tilespmem:$0x4400] =	vst v63  }
0x187: {  	s29 =	sadd.s32 $0x8000, s0  }
0x188: {  	[hbm4b:s29+s22] =	stream.strided.scatter [tilespmem:s14], [sflag:$0x2], $0x800, s23, s22, $0x38;
	[tilespmem:$0x4400] =	vst v63  }
0x189: {  	s24 =	sadd.s32 $0x1, s24;
	s30 =	sadd.s32 $0xA000, s0  }
0x18a: {  	[hbm4b:s30+s22] =	stream.strided.scatter [tilespmem:s16], [sflag:$0x2], $0x800, s23, s22, $0x38;
	[tilespmem:$0x4400] =	vst v63  }
0x18b: {  	p0 =	sne.s32 s24, s4;
	s31 =	sadd.s32 $0xC000, s0  }
0x18c: {  	[hbm4b:s31+s22] =	stream.strided.scatter [tilespmem:s18], [sflag:$0x2], $0x800, s23, s22, $0x38;
	[tilespmem:$0x4400] =	vst v63  }
.Ltmp1:
0x18d: {  	s0 =	sadd.s32 $0xE000, s0;
	(pc) =	sbr.rel @p0 .LBB2_1-.Ltmp1, $4  }
0x18e: {  	[hbm4b:s0+s22] =	stream.strided.scatter [tilespmem:s20], [sflag:$0x2], $0x800, s23, s22, $0x38;
	[tilespmem:$0x4400] =	vst v63  }
0x18f: {  	_ =	swait.ge [sflag:s6], $0x4000  }
0x190: {  	[sflag:s6] =	ssyncset.done $0x0  }
0x191: {  	[sflag:s6] =	ssyncadd.s32 $0xFFFFC000  }
0x192: {  	_ =	sfence.sel $0x180000  }
0x193: {  	[bflag:$0x0] =	sbarrier.arrive $0xFFFF  }
0x194: {  	_ =	strace $0x90000047  }
0x195: {  	[bflag:$0x2] =	sbarrier.arrive $0xFFFF  }
0x196: {  	p0 =	sne.s32 s1, $0x0;
	s0 =	rddreg [dreg:$0x1]  }
0x197: {  	s0 =	sadd.s32 @!p0 $0x100000, s0  }
0x198: {  	[sflag:s0] =	ssyncadd.tile.s32 @!p0 $0x1;
	_ =	shalt  }
.Lfunc_end2:
_tile_overlayer_lowered:
.L_overlay_start_2:
0x199: {  	(tag) =	ssettag $0x2  }
0x19a: {  	s0 =	rddreg [dreg:$0x0];
	s2 =	stileid.u32  }
0x19b: {  	s1 =	rddreg [dreg:$0x1];
	p0 =	sne.s32 s2, $0x0  }
0x19c: {  	s3 =	rddreg [dreg:$0x2];
	[bflag:$0x3] =	sbarrier.arrive $0xFFFF;
	s2 =	simm.s32 @!p0 $0x1C02  }
0x19d: {  	[timem:s3], [sflag:s2] =	dma.local @!p0 [hbm:s0], s1  }
0x19e: {  	s0 =	simm.s32 @!p0 $0x2  }
0x19f: {  	_ =	swait.ge @!p0 [sflag:s0], s1  }
0x1a0: {  	s1 =	ssub.s32 @!p0 $0x0, s1;
	[sflag:s0] =	ssyncset.done @!p0 $0x0  }
0x1a1: {  	[sflag:s0] =	ssyncadd.s32 @!p0 s1  }
0x1a2: {  	[bflag:$0x3] =	sbarrier.arrive $0xFFFF  }
0x1a3: {  	_ =	shalt  }

// kernel: kernel.9.cloned.1.call-start
scs
__scs_entry_jumppad:
0x0: {  	(pc) =	sbr.rel $0x88, $3  }
0x1: {  	(tag) =	ssettag $0x0;
	lr =	simm.s32 $0x1  }
0x2: {  	[smem:$0x3F9A] =	sst lr;
	_ =	strace $0xD0000000  }
0x3: {  	_ = 	snop  }
0x4: {  	_ = 	snop  }
0x5: {  	_ = 	snop  }
0x6: {  	_ = 	snop  }
0x7: {  	_ = 	snop  }
__scs_overlays_trampoline_lowered:
0x8: {  	[smem:$0x3FA9] =	sst s0  }
0x9: {  	[smem:$0x3FAA] =	sst s1  }
0xa: {  	[smem:$0x3FAB] =	sst s2  }
0xb: {  	[smem:$0x3FAC] =	sst s3  }
0xc: {  	[smem:$0x3FAD] =	sst s4  }
0xd: {  	[smem:$0x3FAE] =	sst s5  }
0xe: {  	[smem:$0x3FAF] =	sst s6  }
0xf: {  	[smem:$0x3FB0] =	sst s7  }
0x10: {  	[smem:$0x3FB1] =	sst s8  }
0x11: {  	[smem:$0x3FB2] =	sst s9;
	s0 =	simm.s32 @!p0 $0x0  }
0x12: {  	s1 =	sld [smem:$0x3F98];
	s0 =	simm.s32 @p0 $0x1  }
0x13: {  	[smem:$0x3FB3] =	sst s0;
	s0 =	simm.s32 @!p1 $0x0  }
0x14: {  	s2 =	sld [smem:$0x3F97];
	s0 =	simm.s32 @p1 $0x1  }
0x15: {  	[smem:$0x3FB4] =	sst s0;
	s0 =	simm.s32 @!p2 $0x0  }
0x16: {  	s3 =	sld [smem:$0x3FDB];
	s0 =	simm.s32 @p2 $0x1  }
0x17: {  	s4 =	simm.s32 $0x1BF5;
	[smem:$0x3FB6] =	sst s0  }
0x18: {  	s0 =	sld [smem:$0x3F99];
	_ =	swait.ge [sflag:s4], $0x0  }
0x19: {  	s7 =	sld [smem:$0x3F9A]  }
0x1a: {  	s8 =	sadd.s32 $0xFFFFE003, lr  }
0x1b: {  	s9 =	sadd.s32 $0xFFFFFEF7, lr;
	s5 =	simm.s32 $0xFFFFFFFF;
	p2 =	slt.u32 s8, $0xFFFFF086  }
0x1c: {  	p1 =	slt.u32 s9, $0xF7A;
	s5 =	simm.s32 @!p2 $0x0  }
0x1d: {  	s5 =	simm.s32 @p1 $0x1;
	p0 =	seq.s32 s7, s2  }
0x1e: {  	s7 =	smul.u32 @!p0 $0xF7A, s2;
	p2 =	seq.s32 @!p0 s5, $0x0  }
0x1f: {  	s9 =	smul.u32 $0xF7A, s1;
	s8 =	simm.s32 @!p0 $0x1BF5;
	p2 =	por !p2, p0  }
0x20: {  	[sflag:s8] =	ssyncset.s32 @!p0 $0xFFFFF086;
	s6 =	sadd.s32 @!p0 s3, s7;
	s7 =	simm.s32 @!p0 $0x108  }
0x21: {  	s3 =	sadd.s32 s3, s9;
	s6 =	sadd.s32 @!p0 $0x88, s6;
	s7 =	simm.s32 @p2 $0x1082  }
0x22: {  	[simem:s7], [sflag:s8] =	dma.local @!p0 [hbm:s6], $0xF7A  }
0x23: {  	s9 =	sor.u32 $0xD0000000, s2;
	s6 =	simm.s32 $0x108;
	_ =	swait.ge @!p0 [sflag:s8], $0x0  }
0x24: {  	s3 =	sadd.s32 $0x88, s3;
	s6 =	simm.s32 @!p1 $0x1082;
	[sflag:s4] =	ssyncset.s32 $0xFFFFF086  }
0x25: {  	[simem:s6], [sflag:s4] =	dma.local [hbm:s3], $0xF7A  }
0x26: {  	[smem:$0x3F9A] =	sst s1;
	(tag) =	ssettag s2;
	_ =	strace s9  }
0x27: {  	s1 =	sld [smem:$0x3FAA]  }
0x28: {  	s2 =	sld [smem:$0x3FAB]  }
0x29: {  	s4 =	sld [smem:$0x3FAD]  }
0x2a: {  	p0 =	seq.s32 s5, $0x0;
	s5 =	sld [smem:$0x3FAE]  }
0x2b: {  	s6 =	sld [smem:$0x3FAF]  }
0x2c: {  	s7 =	sld [smem:$0x3FB0]  }
0x2d: {  	s3 =	simm.s32 $0x108;
	s8 =	sld [smem:$0x3FB1]  }
0x2e: {  	s3 =	simm.s32 @!p0 $0x1082;
	s9 =	sld [smem:$0x3FB2]  }
0x2f: {  	lr =	sadd.s32 s0, s3;
	s0 =	sld [smem:$0x3FA9]  }
0x30: {  	s3 =	sld [smem:$0x3FAC]  }
0x31: {  	[smem:$0x3FB5] =	sst s10  }
0x32: {  	s10 =	sld [smem:$0x3FB3];
	_ =	sdelay $0x3  }
0x33: {  	p0 =	seq.s32 s10, $0x1;
	s10 =	sld [smem:$0x3FB5];
	_ =	sdelay $0x3  }
0x34: {  	[smem:$0x3FB5] =	sst s10  }
0x35: {  	s10 =	sld [smem:$0x3FB4];
	_ =	sdelay $0x3  }
0x36: {  	p1 =	seq.s32 s10, $0x1;
	s10 =	sld [smem:$0x3FB5];
	_ =	sdelay $0x3  }
0x37: {  	[smem:$0x3FB5] =	sst s10  }
0x38: {  	s10 =	sld [smem:$0x3FB6]  }
0x39: {  	_ = 	snop;
	(pc) =	sbr.ind lr, $3  }
0x3a: {  	_ = 	snop  }
0x3b: {  	_ = 	snop  }
0x3c: {  	p2 =	seq.s32 s10, $0x1;
	s10 =	sld [smem:$0x3FB5]  }
0x3d: {  	_ =	shalt  }
0x3e: {  	_ =	shalt  }
0x3f: {  	_ =	shalt  }
0x40: {  	_ =	shalt  }
0x41: {  	_ =	shalt  }
0x42: {  	_ =	shalt  }
0x43: {  	_ =	shalt  }
0x44: {  	_ =	shalt  }
0x45: {  	_ =	shalt  }
0x46: {  	_ =	shalt  }
0x47: {  	_ =	shalt  }
0x48: {  	_ =	shalt  }
0x49: {  	_ =	shalt  }
0x4a: {  	_ =	shalt  }
0x4b: {  	_ =	shalt  }
0x4c: {  	_ =	shalt  }
0x4d: {  	_ =	shalt  }
0x4e: {  	_ =	shalt  }
0x4f: {  	_ =	shalt  }
0x50: {  	_ =	shalt  }
0x51: {  	_ =	shalt  }
0x52: {  	_ =	shalt  }
0x53: {  	_ =	shalt  }
0x54: {  	_ =	shalt  }
0x55: {  	_ =	shalt  }
0x56: {  	_ =	shalt  }
0x57: {  	_ =	shalt  }
0x58: {  	_ =	shalt  }
0x59: {  	_ =	shalt  }
0x5a: {  	_ =	shalt  }
0x5b: {  	_ =	shalt  }
0x5c: {  	_ =	shalt  }
0x5d: {  	_ =	shalt  }
0x5e: {  	_ =	shalt  }
0x5f: {  	_ =	shalt  }
0x60: {  	_ =	shalt  }
0x61: {  	_ =	shalt  }
0x62: {  	_ =	shalt  }
0x63: {  	_ =	shalt  }
0x64: {  	_ =	shalt  }
0x65: {  	_ =	shalt  }
0x66: {  	_ =	shalt  }
0x67: {  	_ =	shalt  }
0x68: {  	_ =	shalt  }
0x69: {  	_ =	shalt  }
0x6a: {  	_ =	shalt  }
0x6b: {  	_ =	shalt  }
0x6c: {  	_ =	shalt  }
0x6d: {  	_ =	shalt  }
0x6e: {  	_ =	shalt  }
0x6f: {  	_ =	shalt  }
0x70: {  	_ =	shalt  }
0x71: {  	_ =	shalt  }
0x72: {  	_ =	shalt  }
0x73: {  	_ =	shalt  }
0x74: {  	_ =	shalt  }
0x75: {  	_ =	shalt  }
0x76: {  	_ =	shalt  }
0x77: {  	_ =	shalt  }
0x78: {  	_ =	shalt  }
0x79: {  	_ =	shalt  }
0x7a: {  	_ =	shalt  }
0x7b: {  	_ =	shalt  }
0x7c: {  	_ =	shalt  }
0x7d: {  	_ =	shalt  }
0x7e: {  	_ =	shalt  }
0x7f: {  	_ =	shalt  }
0x80: {  	_ =	shalt  }
0x81: {  	_ =	shalt  }
0x82: {  	_ =	shalt  }
0x83: {  	_ =	shalt  }
0x84: {  	_ =	shalt  }
0x85: {  	_ =	shalt  }
0x86: {  	_ =	shalt  }
0x87: {  	_ =	shalt  }
.Lfunc_end0:
.L_simem_size_0:
called_computation.1_lowered:
.L_overlay_start_0:
0x88: {  	s2 =	sld [smem:$0x3FD9]  }
0x89: {  	s3 =	sld [smem:$0x3FFE];
	_ =	sdelay $0x1  }
0x8a: {  	s1 =	srdreg.scid  }
0x8b: {  	s0 =	sand.u32 $0x1, s1  }
0x8c: {  	s17 =	sshll.u32 s0, $0xA;
	s2 =	sadd.s32 s3, s2  }
0x8d: {  	s2 =	sadd.s32 s2, s17  }
0x8e: {  	[smem:$0x3FC1] =	sst s2  }
0x8f: {  	_ = 	snop  }
0x90: {  	(tm) =	ssettm $0x1  }
0x91: {  	s18 =	sld [smem:$0x3FFB];
	_ =	sdelay $0x3  }
0x92: {  	_ =	strace s18  }
0x93: {  	s2 =	sld [smem:$0x3FFC];
	_ =	sdelay $0x3  }
0x94: {  	_ =	strace s2  }
0x95: {  	s2 =	sld [smem:$0x3FFD];
	_ =	sdelay $0x3  }
0x96: {  	_ =	strace s2  }
0x97: {  	_ =	strace $0x8FFFFFFF  }
0x98: {  	s19 =	sld [smem:$0x3FDB];
	_ =	sdelay $0x1  }
0x99: {  	s20 =	simm.s32 $_scs_section_size  }
0x9a: {  	s4 =	simm.s32 $_size__tile_overlayer_lowered;
	s5 =	simm.s32 $_tile_overlayer_lowered  }
0x9b: {  	s6 =	simm.s32 $0x1BFF;
	s21 =	sshll.u32 s5, $0x1;
	s3 =	sadd.s32 s20, s19  }
0x9c: {  	s22 =	simm.s32 $0x0;
	s4 =	sshll.u32 s4, $0x1;
	s5 =	sadd.s32 s21, s3  }
0x9d: {  	[timem:s22], [sflag:s6] =	dma.local [hbm:s5], s4  }
0x9e: {  	_ =	swait.ge [sflag:s6], s4  }
0x9f: {  	s4 =	ssub.s32 $0x0, s4;
	[sflag:s6] =	ssyncset.done $0x0  }
0xa0: {  	[sflag:s6] =	ssyncadd.s32 s4;
	_ =	sdelay $0x1  }
0xa1: {  	s23 =	simm.s32 $0x1B8B  }
0xa2: {  	_ =	swait.ge [sflag:s23], $0x1  }
0xa3: {  	[sflag:s23] =	ssyncset.done $0x0  }
0xa4: {  	[sflag:s23] =	ssyncadd.s32 $0xFFFFFFFF  }
0xa5: {  	s4 =	sld [smem:$0x0]  }
0xa6: {  	s5 =	sand.u32 $0xFFFFFFFE, s1  }
0xa7: {  	p0 =	sne.s32 s1, s5  }
0xa8: {  	s5 =	sshll.u32 @p0 s5, $0xE  }
0xa9: {  	s5 =	sadd.s32 @p0 $0x11B8D, s5;
	s6 =	sshll.u32 @p0 s4, $0x11  }
0xaa: {  	s5 =	sor.u32 @p0 s6, s5  }
0xab: {  	[sflag:s5] =	ssyncadd.remote.s32 @p0 $0x1;
	_ =	sdelay $0x1  }
0xac: {  	s5 =	simm.s32 @p0 $0x1B8D  }
0xad: {  	_ =	swait.eq @p0 [sflag:s5], $0x1  }
0xae: {  	[sflag:s5] =	ssyncadd.s32 @p0 $0xFFFFFFFF  }
0xaf: {  	s6 =	sshll.u32 @!p0 s1, $0xE  }
0xb0: {  	s6 =	sor.u32 @!p0 $0x4000, s6;
	s5 =	simm.s32 @!p0 $0x1B8D  }
0xb1: {  	s4 =	sshll.u32 @!p0 s4, $0x11;
	s6 =	sadd.s32 @!p0 $0x11B8D, s6;
	_ =	swait.eq @!p0 [sflag:s5], $0x1  }
0xb2: {  	s4 =	sor.u32 @!p0 s4, s6;
	[sflag:s5] =	ssyncadd.s32 @!p0 $0xFFFFFFFF  }
0xb3: {  	s25 =	simm.s32 $0x1B8E;
	s24 =	sld [smem:$0x3FFE];
	[sflag:s4] =	ssyncadd.remote.s32 @!p0 $0x1  }
0xb4: {  	s26 =	simm.s32 $execute0_lowered;
	[smem:$0x3FD2] =	sst s25  }
0xb5: {  	s5 =	sshll.u32 s26, $0x1;
	_ =	strace $0x80000049;
	[dreg:$0x1] =	wrdreg $0xFFFFFFFF  }
0xb6: {  	s28 =	simm.s32 $_size_execute0_lowered;
	s3 =	sadd.s32 s3, s5;
	[dreg:$0x0] =	wrdreg $0x0  }
0xb7: {  	s5 =	sshll.u32 s28, $0x1;
	[dreg:$0x2] =	wrdreg s3  }
0xb8: {  	[dreg:$0x3] =	wrdreg s5  }
0xb9: {  	[dreg:$0x4] =	wrdreg $0xC0  }
0xba: {  	_ =	task [dreg:s22], $0x5FFFF  }
0xbb: {  	[dreg:$0x1] =	wrdreg $0xFFFFFFFF  }
0xbc: {  	[dreg:$0x0] =	wrdreg $0x60  }
0xbd: {  	[dreg:$0x2] =	wrdreg s24  }
0xbe: {  	[dreg:$0x3] =	wrdreg $0xA  }
0xbf: {  	_ =	task.clear_ibuf [dreg:s22], $0x4FFFF;
	_ =	strace $0x90000049  }
0xc0: {  	s29 =	simm.s32 $0xA;
	_ =	strace $0x8000004B  }
0xc1: {  	_ =	swait.ge [sflag:s29], $0x1  }
0xc2: {  	[sflag:s29] =	ssyncadd.s32 $0xFFFFFFFF  }
0xc3: {  	_ =	strace $0x9000004B  }
0xc4: {  	_ =	sfence  }
0xc5: {  	s30 =	sld [smem:$0x0];
	_ =	sdelay $0x2  }
0xc6: {  	s31 =	sshll.u32 s1, $0xD;
	s1 =	sshrl.u32 s1, $0x2  }
0xc7: {  	s4 =	sand.u32 $0x4000, s31;
	s1 =	sadd.s32 s1, s30  }
0xc8: {  	s0 =	sor.u32 s4, s0;
	s1 =	sshll.u32 s1, $0x11  }
0xc9: {  	s0 =	sor.u32 s1, s0  }
0xca: {  	s0 =	sadd.s32 $0x8F2B, s0  }
0xcb: {  	[sflag:s0] =	ssyncadd.remote.s32 $0x1  }
0xcc: {  	_ =	sfence.sel $0xFFFF  }
0xcd: {  	[dreg:$0x0] =	wrdreg $0xFFFFFFFF;
	(pc) =	sbr.abs _section_cstart, $3  }
0xce: {  	[dreg:$0x1] =	wrdreg $0xFFFFFFFF  }
0xcf: {  	_ =	task.clear_ibuf [dreg:s22], $0x2FFFF;
	_ =	strace $0x9FFFFFFF  }
0xd0: {  	(tm) =	ssettm $0x7FFFFFFF  }
0xd1: {  	_ =	shalt  }
tec
execute0_lowered:
.L_overlay_start_1:
0x0: {  	(tag) =	ssettag $0x1  }
0x1: {  	s4 =	rddreg [dreg:$0x0]  }
0x2: {  	s2 =	simm.s32 $0x0;
	s3 =	srdreg.scid;
	s1 =	stileid.u32  }
0x3: {  	s28 =	simm.s32 $0x8;
	s29 =	simm.s32 $0xC8;
	s30 =	simm.s32 $0x200  }
0x4: {  	s31 =	simm.s32 $0x240;
	s10 =	simm.s32 $0x280;
	s9 =	simm.s32 $0xC00  }
0x5: {  	s11 =	simm.s32 $0x2C0;
	s12 =	simm.s32 $0x1C00;
	s13 =	simm.s32 $0x300  }
0x6: {  	v0 =	vlaneseq.u32;
	s14 =	simm.s32 $0x2400;
	s15 =	simm.s32 $0x340;
	s16 =	simm.s32 $0x2C00  }
0x7: {  	s17 =	simm.s32 $0x380;
	s18 =	simm.s32 $0x3400;
	s19 =	simm.s32 $0x3C0;
	v0 =	vmul.u32 $0x8, v0  }
0x8: {  	s20 =	simm.s32 $0x3C00;
	s21 =	simm.s32 $0x1;
	s22 =	simm.s32 $0x20  }
0x9: {  	s23 =	simm.s32 $0x80;
	[smem:$0x7FF] =	sst s2;
	s5 =	sand.u32 $0x1, s3;
	v1 =	vor.u32 $0x80, v0  }
0xa: {  	s6 =	smul.u32 $0xC80, s1;
	_ =	strace $0x8000004A;
	[dreg:$0x3] =	wrdreg s28;
	v2 =	vor.u32 $0x100, v0;
	v3 =	vor.u32 $0x180, v0;
	v4 =	vor.u32 $0x1, v0  }
0xb: {  	s7 =	sshll.u32 s1, $0xB;
	s3 =	sadd.s32 $0xF44000, s4;
	[dreg:$0x4] =	wrdreg s29;
	v5 =	vor.u32 $0x81, v0;
	v6 =	vor.u32 $0x101, v0;
	v7 =	vor.u32 $0x181, v0  }
0xc: {  	s26 =	sand.u32 $0xC, s1;
	s8 =	sshll.u32 s5, $0xA;
	[dreg:$0x5] =	wrdreg s30;
	v8 =	vor.u32 $0x2, v0;
	v9 =	vor.u32 $0x82, v0;
	v10 =	vor.u32 $0x102, v0  }
0xd: {  	s24 =	smul.u32 $0x640, s5;
	s5 =	ssub.s32 $0x2, s5;
	[dreg:$0x6] =	wrdreg s31;
	v11 =	vor.u32 $0x182, v0;
	v12 =	vor.u32 $0x3, v0;
	v13 =	vor.u32 $0x83, v0  }
0xe: {  	[dreg:$0x7] =	wrdreg s10;
	s10 =	simm.s32 $0x1400;
	s7 =	sor.u32 s8, s7;
	v14 =	vor.u32 $0x103, v0;
	v15 =	vor.u32 $0x183, v0;
	v16 =	vor.u32 $0x4, v0  }
0xf: {  	s6 =	sadd.s32 s6, s4;
	s25 =	sshrl.u32 s5, $0x1;
	s8 =	simm.s32 $0x400;
	v17 =	vor.u32 $0x84, v0;
	v18 =	vor.u32 $0x104, v0;
	v19 =	vor.u32 $0x184, v0  }
0x10: {  	v20 =	vor.u32 $0x5, v0;
	v21 =	vor.u32 $0x85, v0;
	v22 =	vor.u32 $0x105, v0;
	s7 =	sand.u32 $0x1C00, s7;
	s6 =	sadd.s32 s24, s6;
	s24 =	simm.s32 $0x0  }
0x11: {  	v23 =	vor.u32 $0x185, v0;
	v24 =	vor.u32 $0x6, v0;
	v25 =	vor.u32 $0x86, v0;
	s7 =	sadd.s32 s7, s4;
	s4 =	ssub.s32 s5, s25;
	s6 =	sadd.s32 $0x19E400, s6  }
0x12: {  	v26 =	vor.u32 $0x106, v0;
	v27 =	vor.u32 $0x186, v0;
	v28 =	vor.u32 $0x7, v0;
	s4 =	smax.u32 s4, $0x1;
	[dreg:$0x2] =	wrdreg s6;
	s5 =	sadd.s32 s26, s7  }
0x13: {  	v29 =	vor.u32 $0x87, v0;
	v30 =	vor.u32 $0x107, v0;
	v31 =	vor.u32 $0x187, v0;
	s6 =	simm.s32 $0x2;
	s7 =	simm.s32 $0x40;
	s5 =	sadd.s32 $0x1AAC00, s5  }
.LBB2_1:
0x14: {  	s25 =	rddreg [dreg:$0x4]  }
0x15: {  	s26 =	rddreg [dreg:$0x2]  }
0x16: {  	s28 =	rddreg [dreg:$0x3];
	s26 =	sadd.s32 $0x0, s26  }
0x17: {  	[tilespmem:s2], [sflag:$0x2] =	stream.strided.gather [hbm4b:s26+s28], $0x200, s25, s28, $0x38;
	[tilespmem:$0x4400] =	vst v63  }
0x18: {  	_ =	swait.ge [sflag:s6], $0x200  }
0x19: {  	[sflag:s6] =	ssyncset.done $0x0  }
0x1a: {  	[sflag:s6] =	ssyncadd.s32 $0xFFFFFE00  }
0x1b: {  	v32 =	vld.idx.msk [tilespmem:v0+s2+$0x0], $0xffff;
	_ =	sdelay $0x4  }
0x1c: {  	[tilespmem:$0x200] =	vst v32  }
0x1d: {  	v32 =	vld.idx.msk [tilespmem:v1+s2+$0x0], $0xffff;
	_ =	sdelay $0x4  }
0x1e: {  	[tilespmem:$0x210] =	vst v32  }
0x1f: {  	v32 =	vld.idx.msk [tilespmem:v2+s2+$0x0], $0xffff;
	_ =	sdelay $0x4  }
0x20: {  	[tilespmem:$0x220] =	vst v32  }
0x21: {  	v32 =	vld.idx.msk [tilespmem:v3+s2+$0x0], $0xffff;
	_ =	sdelay $0x4  }
0x22: {  	[tilespmem:$0x230] =	vst v32  }
0x23: {  	v32 =	vld.idx.msk [tilespmem:v4+s2+$0x0], $0xffff;
	_ =	sdelay $0x4  }
0x24: {  	[tilespmem:$0x240] =	vst v32  }
0x25: {  	v32 =	vld.idx.msk [tilespmem:v5+s2+$0x0], $0xffff;
	_ =	sdelay $0x4  }
0x26: {  	[tilespmem:$0x250] =	vst v32  }
0x27: {  	v32 =	vld.idx.msk [tilespmem:v6+s2+$0x0], $0xffff;
	_ =	sdelay $0x4  }
0x28: {  	[tilespmem:$0x260] =	vst v32  }
0x29: {  	v32 =	vld.idx.msk [tilespmem:v7+s2+$0x0], $0xffff;
	_ =	sdelay $0x4  }
0x2a: {  	[tilespmem:$0x270] =	vst v32  }
0x2b: {  	v32 =	vld.idx.msk [tilespmem:v8+s2+$0x0], $0xffff;
	_ =	sdelay $0x4  }
0x2c: {  	[tilespmem:$0x280] =	vst v32  }
0x2d: {  	v32 =	vld.idx.msk [tilespmem:v9+s2+$0x0], $0xffff;
	_ =	sdelay $0x4  }
0x2e: {  	[tilespmem:$0x290] =	vst v32  }
0x2f: {  	v32 =	vld.idx.msk [tilespmem:v10+s2+$0x0], $0xffff;
	_ =	sdelay $0x4  }
0x30: {  	[tilespmem:$0x2A0] =	vst v32  }
0x31: {  	v32 =	vld.idx.msk [tilespmem:v11+s2+$0x0], $0xffff;
	_ =	sdelay $0x4  }
0x32: {  	[tilespmem:$0x2B0] =	vst v32  }
0x33: {  	v32 =	vld.idx.msk [tilespmem:v12+s2+$0x0], $0xffff;
	_ =	sdelay $0x4  }
0x34: {  	[tilespmem:$0x2C0] =	vst v32  }
0x35: {  	v32 =	vld.idx.msk [tilespmem:v13+s2+$0x0], $0xffff;
	_ =	sdelay $0x4  }
0x36: {  	[tilespmem:$0x2D0] =	vst v32  }
0x37: {  	v32 =	vld.idx.msk [tilespmem:v14+s2+$0x0], $0xffff;
	_ =	sdelay $0x4  }
0x38: {  	[tilespmem:$0x2E0] =	vst v32  }
0x39: {  	v32 =	vld.idx.msk [tilespmem:v15+s2+$0x0], $0xffff;
	_ =	sdelay $0x4  }
0x3a: {  	[tilespmem:$0x2F0] =	vst v32  }
0x3b: {  	v32 =	vld.idx.msk [tilespmem:v16+s2+$0x0], $0xffff;
	_ =	sdelay $0x4  }
0x3c: {  	[tilespmem:$0x300] =	vst v32  }
0x3d: {  	v32 =	vld.idx.msk [tilespmem:v17+s2+$0x0], $0xffff;
	_ =	sdelay $0x4  }
0x3e: {  	[tilespmem:$0x310] =	vst v32  }
0x3f: {  	v32 =	vld.idx.msk [tilespmem:v18+s2+$0x0], $0xffff;
	_ =	sdelay $0x4  }
0x40: {  	[tilespmem:$0x320] =	vst v32  }
0x41: {  	v32 =	vld.idx.msk [tilespmem:v19+s2+$0x0], $0xffff;
	_ =	sdelay $0x4  }
0x42: {  	[tilespmem:$0x330] =	vst v32  }
0x43: {  	v32 =	vld.idx.msk [tilespmem:v20+s2+$0x0], $0xffff;
	_ =	sdelay $0x4  }
0x44: {  	[tilespmem:$0x340] =	vst v32  }
0x45: {  	v32 =	vld.idx.msk [tilespmem:v21+s2+$0x0], $0xffff;
	_ =	sdelay $0x4  }
0x46: {  	[tilespmem:$0x350] =	vst v32  }
0x47: {  	v32 =	vld.idx.msk [tilespmem:v22+s2+$0x0], $0xffff;
	_ =	sdelay $0x4  }
0x48: {  	[tilespmem:$0x360] =	vst v32  }
0x49: {  	v32 =	vld.idx.msk [tilespmem:v23+s2+$0x0], $0xffff;
	_ =	sdelay $0x4  }
0x4a: {  	[tilespmem:$0x370] =	vst v32  }
0x4b: {  	v32 =	vld.idx.msk [tilespmem:v24+s2+$0x0], $0xffff;
	_ =	sdelay $0x4  }
0x4c: {  	[tilespmem:$0x380] =	vst v32  }
0x4d: {  	v32 =	vld.idx.msk [tilespmem:v25+s2+$0x0], $0xffff;
	_ =	sdelay $0x4  }
0x4e: {  	[tilespmem:$0x390] =	vst v32  }
0x4f: {  	v32 =	vld.idx.msk [tilespmem:v26+s2+$0x0], $0xffff;
	_ =	sdelay $0x4  }
0x50: {  	[tilespmem:$0x3A0] =	vst v32  }
0x51: {  	v32 =	vld.idx.msk [tilespmem:v27+s2+$0x0], $0xffff;
	_ =	sdelay $0x4  }
0x52: {  	[tilespmem:$0x3B0] =	vst v32  }
0x53: {  	v32 =	vld.idx.msk [tilespmem:v28+s2+$0x0], $0xffff;
	_ =	sdelay $0x4  }
0x54: {  	[tilespmem:$0x3C0] =	vst v32  }
0x55: {  	v32 =	vld.idx.msk [tilespmem:v29+s2+$0x0], $0xffff;
	_ =	sdelay $0x4  }
0x56: {  	[tilespmem:$0x3D0] =	vst v32  }
0x57: {  	v32 =	vld.idx.msk [tilespmem:v30+s2+$0x0], $0xffff;
	_ =	sdelay $0x4  }
0x58: {  	[tilespmem:$0x3E0] =	vst v32  }
0x59: {  	v32 =	vld.idx.msk [tilespmem:v31+s2+$0x0], $0xffff;
	_ =	sdelay $0x4  }
0x5a: {  	s30 =	rddreg [dreg:$0x5];
	[tilespmem:$0x3F0] =	vst v32  }
0x5b: {  	[tilespmem:s8], [sflag:$0x1] =	stream.indirect.gather [hbm4b:s3+s7], $0x20, s30, s7, $0xb8;
	[tilespmem:$0x4400] =	vst v63  }
0x5c: {  	s31 =	rddreg [dreg:$0x6]  }
0x5d: {  	[tilespmem:s9], [sflag:$0x1] =	stream.indirect.gather [hbm4b:s3+s7], $0x20, s31, s7, $0xb8;
	[tilespmem:$0x4400] =	vst v63  }
0x5e: {  	s0 =	rddreg [dreg:$0x7]  }
0x5f: {  	[tilespmem:s10], [sflag:$0x1] =	stream.indirect.gather [hbm4b:s3+s7], $0x20, s0, s7, $0xb8;
	[tilespmem:$0x4400] =	vst v63  }
0x60: {  	_ = 	snop  }
0x61: {  	[tilespmem:s12], [sflag:$0x1] =	stream.indirect.gather [hbm4b:s3+s7], $0x20, s11, s7, $0xb8;
	[tilespmem:$0x4400] =	vst v63  }
0x62: {  	_ = 	snop  }
0x63: {  	[tilespmem:s14], [sflag:$0x1] =	stream.indirect.gather [hbm4b:s3+s7], $0x20, s13, s7, $0xb8;
	[tilespmem:$0x4400] =	vst v63  }
0x64: {  	_ = 	snop  }
0x65: {  	[tilespmem:s16], [sflag:$0x1] =	stream.indirect.gather [hbm4b:s3+s7], $0x20, s15, s7, $0xb8;
	[tilespmem:$0x4400] =	vst v63  }
0x66: {  	_ = 	snop  }
0x67: {  	[tilespmem:s18], [sflag:$0x1] =	stream.indirect.gather [hbm4b:s3+s7], $0x20, s17, s7, $0xb8;
	[tilespmem:$0x4400] =	vst v63  }
0x68: {  	_ = 	snop  }
0x69: {  	[tilespmem:s20], [sflag:$0x1] =	stream.indirect.gather [hbm4b:s3+s7], $0x20, s19, s7, $0xb8;
	[tilespmem:$0x4400] =	vst v63  }
0x6a: {  	_ =	swait.ge [sflag:s21], $0x800  }
0x6b: {  	[sflag:s21] =	ssyncset.done $0x0  }
0x6c: {  	[sflag:s21] =	ssyncadd.s32 $0xFFFFF800  }
0x6d: {  	_ =	swait.ge [sflag:s21], $0x800  }
0x6e: {  	[sflag:s21] =	ssyncset.done $0x0  }
0x6f: {  	[sflag:s21] =	ssyncadd.s32 $0xFFFFF800  }
0x70: {  	_ =	swait.ge [sflag:s21], $0x800  }
0x71: {  	[sflag:s21] =	ssyncset.done $0x0  }
0x72: {  	[sflag:s21] =	ssyncadd.s32 $0xFFFFF800  }
0x73: {  	_ =	swait.ge [sflag:s21], $0x800  }
0x74: {  	[sflag:s21] =	ssyncset.done $0x0  }
0x75: {  	[sflag:s21] =	ssyncadd.s32 $0xFFFFF800  }
0x76: {  	_ =	swait.ge [sflag:s21], $0x800  }
0x77: {  	[sflag:s21] =	ssyncset.done $0x0  }
0x78: {  	[sflag:s21] =	ssyncadd.s32 $0xFFFFF800  }
0x79: {  	_ =	swait.ge [sflag:s21], $0x800  }
0x7a: {  	[sflag:s21] =	ssyncset.done $0x0  }
0x7b: {  	[sflag:s21] =	ssyncadd.s32 $0xFFFFF800  }
0x7c: {  	_ =	swait.ge [sflag:s21], $0x800  }
0x7d: {  	[sflag:s21] =	ssyncset.done $0x0  }
0x7e: {  	[sflag:s21] =	ssyncadd.s32 $0xFFFFF800  }
0x7f: {  	_ =	swait.ge [sflag:s21], $0x800  }
0x80: {  	[sflag:s21] =	ssyncset.done $0x0  }
0x81: {  	[sflag:s21] =	ssyncadd.s32 $0xFFFFF800  }
0x82: {  	[hbm4b:s5+s22] =	stream.strided.scatter [tilespmem:s8], [sflag:$0x2], $0x800, s23, s22, $0x38;
	[tilespmem:$0x4400] =	vst v63  }
0x83: {  	s26 =	sadd.s32 $0x2000, s5  }
0x84: {  	[hbm4b:s26+s22] =	stream.strided.scatter [tilespmem:s9], [sflag:$0x2], $0x800, s23, s22, $0x38;
	[tilespmem:$0x4400] =	vst v63  }
0x85: {  	s30 =	sadd.s32 $0x4000, s5  }
0x86: {  	[hbm4b:s30+s22] =	stream.strided.scatter [tilespmem:s10], [sflag:$0x2], $0x800, s23, s22, $0x38;
	[tilespmem:$0x4400] =	vst v63  }
0x87: {  	s31 =	sadd.s32 $0x6000, s5  }
0x88: {  	[hbm4b:s31+s22] =	stream.strided.scatter [tilespmem:s12], [sflag:$0x2], $0x800, s23, s22, $0x38;
	[tilespmem:$0x4400] =	vst v63  }
0x89: {  	s0 =	sadd.s32 $0x8000, s5  }
0x8a: {  	[hbm4b:s0+s22] =	stream.strided.scatter [tilespmem:s14], [sflag:$0x2], $0x800, s23, s22, $0x38;
	[tilespmem:$0x4400] =	vst v63  }
0x8b: {  	s26 =	sadd.s32 $0xA000, s5  }
0x8c: {  	[hbm4b:s26+s22] =	stream.strided.scatter [tilespmem:s16], [sflag:$0x2], $0x800, s23, s22, $0x38;
	[tilespmem:$0x4400] =	vst v63  }
0x8d: {  	s30 =	sadd.s32 $0xC000, s5  }
0x8e: {  	[hbm4b:s30+s22] =	stream.strided.scatter [tilespmem:s18], [sflag:$0x2], $0x800, s23, s22, $0x38;
	[tilespmem:$0x4400] =	vst v63  }
0x8f: {  	s31 =	sadd.s32 $0xE000, s5  }
0x90: {  	[hbm4b:s31+s22] =	stream.strided.scatter [tilespmem:s20], [sflag:$0x2], $0x800, s23, s22, $0x38;
	[tilespmem:$0x4400] =	vst v63  }
0x91: {  	s28 =	simm.s32 $0x2;
	s25 =	smov.u32 s5;
	_ =	swait.ge [sflag:s6], $0x4000  }
0x92: {  	s26 =	simm.s32 $0x1;
	s29 =	rddreg [dreg:$0x4];
	[sflag:s6] =	ssyncset.done $0x0  }
.LBB2_2:
0x93: {  	s30 =	rddreg [dreg:$0x2]  }
0x94: {  	[sflag:s6] =	ssyncadd.s32 $0xFFFFC000;
	s0 =	rddreg [dreg:$0x3];
	s30 =	sadd.s32 s26, s30  }
0x95: {  	[tilespmem:s2], [sflag:$0x2] =	stream.strided.gather [hbm4b:s30+s0], $0x200, s29, s0, $0x38;
	[tilespmem:$0x4400] =	vst v63  }
0x96: {  	_ =	swait.ge [sflag:s6], $0x200  }
0x97: {  	[sflag:s6] =	ssyncset.done $0x0  }
0x98: {  	[sflag:s6] =	ssyncadd.s32 $0xFFFFFE00  }
0x99: {  	v32 =	vld.idx.msk [tilespmem:v0+s2+$0x0], $0xffff;
	_ =	sdelay $0x4  }
0x9a: {  	[tilespmem:$0x200] =	vst v32  }
0x9b: {  	v32 =	vld.idx.msk [tilespmem:v1+s2+$0x0], $0xffff;
	_ =	sdelay $0x4  }
0x9c: {  	[tilespmem:$0x210] =	vst v32  }
0x9d: {  	v32 =	vld.idx.msk [tilespmem:v2+s2+$0x0], $0xffff;
	_ =	sdelay $0x4  }
0x9e: {  	[tilespmem:$0x220] =	vst v32  }
0x9f: {  	v32 =	vld.idx.msk [tilespmem:v3+s2+$0x0], $0xffff;
	_ =	sdelay $0x4  }
0xa0: {  	[tilespmem:$0x230] =	vst v32  }
0xa1: {  	v32 =	vld.idx.msk [tilespmem:v4+s2+$0x0], $0xffff;
	_ =	sdelay $0x4  }
0xa2: {  	[tilespmem:$0x240] =	vst v32  }
0xa3: {  	v32 =	vld.idx.msk [tilespmem:v5+s2+$0x0], $0xffff;
	_ =	sdelay $0x4  }
0xa4: {  	[tilespmem:$0x250] =	vst v32  }
0xa5: {  	v32 =	vld.idx.msk [tilespmem:v6+s2+$0x0], $0xffff;
	_ =	sdelay $0x4  }
0xa6: {  	[tilespmem:$0x260] =	vst v32  }
0xa7: {  	v32 =	vld.idx.msk [tilespmem:v7+s2+$0x0], $0xffff;
	_ =	sdelay $0x4  }
0xa8: {  	[tilespmem:$0x270] =	vst v32  }
0xa9: {  	v32 =	vld.idx.msk [tilespmem:v8+s2+$0x0], $0xffff;
	_ =	sdelay $0x4  }
0xaa: {  	[tilespmem:$0x280] =	vst v32  }
0xab: {  	v32 =	vld.idx.msk [tilespmem:v9+s2+$0x0], $0xffff;
	_ =	sdelay $0x4  }
0xac: {  	[tilespmem:$0x290] =	vst v32  }
0xad: {  	v32 =	vld.idx.msk [tilespmem:v10+s2+$0x0], $0xffff;
	_ =	sdelay $0x4  }
0xae: {  	[tilespmem:$0x2A0] =	vst v32  }
0xaf: {  	v32 =	vld.idx.msk [tilespmem:v11+s2+$0x0], $0xffff;
	_ =	sdelay $0x4  }
0xb0: {  	[tilespmem:$0x2B0] =	vst v32  }
0xb1: {  	v32 =	vld.idx.msk [tilespmem:v12+s2+$0x0], $0xffff;
	_ =	sdelay $0x4  }
0xb2: {  	[tilespmem:$0x2C0] =	vst v32  }
0xb3: {  	v32 =	vld.idx.msk [tilespmem:v13+s2+$0x0], $0xffff;
	_ =	sdelay $0x4  }
0xb4: {  	[tilespmem:$0x2D0] =	vst v32  }
0xb5: {  	v32 =	vld.idx.msk [tilespmem:v14+s2+$0x0], $0xffff;
	_ =	sdelay $0x4  }
0xb6: {  	[tilespmem:$0x2E0] =	vst v32  }
0xb7: {  	v32 =	vld.idx.msk [tilespmem:v15+s2+$0x0], $0xffff;
	_ =	sdelay $0x4  }
0xb8: {  	[tilespmem:$0x2F0] =	vst v32  }
0xb9: {  	v32 =	vld.idx.msk [tilespmem:v16+s2+$0x0], $0xffff;
	_ =	sdelay $0x4  }
0xba: {  	[tilespmem:$0x300] =	vst v32  }
0xbb: {  	v32 =	vld.idx.msk [tilespmem:v17+s2+$0x0], $0xffff;
	_ =	sdelay $0x4  }
0xbc: {  	[tilespmem:$0x310] =	vst v32  }
0xbd: {  	v32 =	vld.idx.msk [tilespmem:v18+s2+$0x0], $0xffff;
	_ =	sdelay $0x4  }
0xbe: {  	[tilespmem:$0x320] =	vst v32  }
0xbf: {  	v32 =	vld.idx.msk [tilespmem:v19+s2+$0x0], $0xffff;
	_ =	sdelay $0x4  }
0xc0: {  	[tilespmem:$0x330] =	vst v32  }
0xc1: {  	v32 =	vld.idx.msk [tilespmem:v20+s2+$0x0], $0xffff;
	_ =	sdelay $0x4  }
0xc2: {  	[tilespmem:$0x340] =	vst v32  }
0xc3: {  	v32 =	vld.idx.msk [tilespmem:v21+s2+$0x0], $0xffff;
	_ =	sdelay $0x4  }
0xc4: {  	[tilespmem:$0x350] =	vst v32  }
0xc5: {  	v32 =	vld.idx.msk [tilespmem:v22+s2+$0x0], $0xffff;
	_ =	sdelay $0x4  }
0xc6: {  	[tilespmem:$0x360] =	vst v32  }
0xc7: {  	v32 =	vld.idx.msk [tilespmem:v23+s2+$0x0], $0xffff;
	_ =	sdelay $0x4  }
0xc8: {  	[tilespmem:$0x370] =	vst v32  }
0xc9: {  	v32 =	vld.idx.msk [tilespmem:v24+s2+$0x0], $0xffff;
	_ =	sdelay $0x4  }
0xca: {  	[tilespmem:$0x380] =	vst v32  }
0xcb: {  	v32 =	vld.idx.msk [tilespmem:v25+s2+$0x0], $0xffff;
	_ =	sdelay $0x4  }
0xcc: {  	[tilespmem:$0x390] =	vst v32  }
0xcd: {  	v32 =	vld.idx.msk [tilespmem:v26+s2+$0x0], $0xffff;
	_ =	sdelay $0x4  }
0xce: {  	[tilespmem:$0x3A0] =	vst v32  }
0xcf: {  	v32 =	vld.idx.msk [tilespmem:v27+s2+$0x0], $0xffff;
	_ =	sdelay $0x4  }
0xd0: {  	[tilespmem:$0x3B0] =	vst v32  }
0xd1: {  	v32 =	vld.idx.msk [tilespmem:v28+s2+$0x0], $0xffff;
	_ =	sdelay $0x4  }
0xd2: {  	[tilespmem:$0x3C0] =	vst v32  }
0xd3: {  	v32 =	vld.idx.msk [tilespmem:v29+s2+$0x0], $0xffff;
	_ =	sdelay $0x4  }
0xd4: {  	[tilespmem:$0x3D0] =	vst v32  }
0xd5: {  	v32 =	vld.idx.msk [tilespmem:v30+s2+$0x0], $0xffff;
	_ =	sdelay $0x4  }
0xd6: {  	[tilespmem:$0x3E0] =	vst v32  }
0xd7: {  	v32 =	vld.idx.msk [tilespmem:v31+s2+$0x0], $0xffff;
	_ =	sdelay $0x3  }
0xd8: {  	s31 =	smov.u32 s28  }
0xd9: {  	s26 =	smov.u32 s31;
	s31 =	rddreg [dreg:$0x5];
	[tilespmem:$0x3F0] =	vst v32  }
0xda: {  	[tilespmem:s8], [sflag:$0x1] =	stream.indirect.gather [hbm4b:s3+s7], $0x20, s31, s7, $0xb8;
	[tilespmem:$0x4400] =	vst v63  }
0xdb: {  	s29 =	rddreg [dreg:$0x6]  }
0xdc: {  	[tilespmem:s9], [sflag:$0x1] =	stream.indirect.gather [hbm4b:s3+s7], $0x20, s29, s7, $0xb8;
	[tilespmem:$0x4400] =	vst v63  }
0xdd: {  	s30 =	rddreg [dreg:$0x7]  }
0xde: {  	[tilespmem:s10], [sflag:$0x1] =	stream.indirect.gather [hbm4b:s3+s7], $0x20, s30, s7, $0xb8;
	[tilespmem:$0x4400] =	vst v63  }
0xdf: {  	_ = 	snop  }
0xe0: {  	[tilespmem:s12], [sflag:$0x1] =	stream.indirect.gather [hbm4b:s3+s7], $0x20, s11, s7, $0xb8;
	[tilespmem:$0x4400] =	vst v63  }
0xe1: {  	_ = 	snop  }
0xe2: {  	[tilespmem:s14], [sflag:$0x1] =	stream.indirect.gather [hbm4b:s3+s7], $0x20, s13, s7, $0xb8;
	[tilespmem:$0x4400] =	vst v63  }
0xe3: {  	_ = 	snop  }
0xe4: {  	[tilespmem:s16], [sflag:$0x1] =	stream.indirect.gather [hbm4b:s3+s7], $0x20, s15, s7, $0xb8;
	[tilespmem:$0x4400] =	vst v63  }
0xe5: {  	_ = 	snop  }
0xe6: {  	[tilespmem:s18], [sflag:$0x1] =	stream.indirect.gather [hbm4b:s3+s7], $0x20, s17, s7, $0xb8;
	[tilespmem:$0x4400] =	vst v63  }
0xe7: {  	_ = 	snop  }
0xe8: {  	[tilespmem:s20], [sflag:$0x1] =	stream.indirect.gather [hbm4b:s3+s7], $0x20, s19, s7, $0xb8;
	[tilespmem:$0x4400] =	vst v63  }
0xe9: {  	_ =	swait.ge [sflag:s21], $0x800  }
0xea: {  	[sflag:s21] =	ssyncset.done $0x0  }
0xeb: {  	[sflag:s21] =	ssyncadd.s32 $0xFFFFF800  }
0xec: {  	_ =	swait.ge [sflag:s21], $0x800  }
0xed: {  	[sflag:s21] =	ssyncset.done $0x0  }
0xee: {  	[sflag:s21] =	ssyncadd.s32 $0xFFFFF800  }
0xef: {  	_ =	swait.ge [sflag:s21], $0x800  }
0xf0: {  	[sflag:s21] =	ssyncset.done $0x0  }
0xf1: {  	[sflag:s21] =	ssyncadd.s32 $0xFFFFF800  }
0xf2: {  	_ =	swait.ge [sflag:s21], $0x800  }
0xf3: {  	[sflag:s21] =	ssyncset.done $0x0  }
0xf4: {  	[sflag:s21] =	ssyncadd.s32 $0xFFFFF800  }
0xf5: {  	_ =	swait.ge [sflag:s21], $0x800  }
0xf6: {  	[sflag:s21] =	ssyncset.done $0x0  }
0xf7: {  	[sflag:s21] =	ssyncadd.s32 $0xFFFFF800  }
0xf8: {  	_ =	swait.ge [sflag:s21], $0x800  }
0xf9: {  	[sflag:s21] =	ssyncset.done $0x0  }
0xfa: {  	[sflag:s21] =	ssyncadd.s32 $0xFFFFF800  }
0xfb: {  	_ =	swait.ge [sflag:s21], $0x800  }
0xfc: {  	[sflag:s21] =	ssyncset.done $0x0  }
0xfd: {  	[sflag:s21] =	ssyncadd.s32 $0xFFFFF800  }
0xfe: {  	_ =	swait.ge [sflag:s21], $0x800  }
0xff: {  	[sflag:s21] =	ssyncset.done $0x0  }
0x100: {  	s25 =	sadd.s32 $0x10000, s25;
	[sflag:s21] =	ssyncadd.s32 $0xFFFFF800  }
0x101: {  	[hbm4b:s25+s22] =	stream.strided.scatter [tilespmem:s8], [sflag:$0x2], $0x800, s23, s22, $0x38;
	[tilespmem:$0x4400] =	vst v63  }
0x102: {  	s31 =	sadd.s32 $0x2000, s25  }
0x103: {  	[hbm4b:s31+s22] =	stream.strided.scatter [tilespmem:s9], [sflag:$0x2], $0x800, s23, s22, $0x38;
	[tilespmem:$0x4400] =	vst v63  }
0x104: {  	s30 =	sadd.s32 $0x4000, s25  }
0x105: {  	[hbm4b:s30+s22] =	stream.strided.scatter [tilespmem:s10], [sflag:$0x2], $0x800, s23, s22, $0x38;
	[tilespmem:$0x4400] =	vst v63  }
0x106: {  	s31 =	sadd.s32 $0x6000, s25  }
0x107: {  	[hbm4b:s31+s22] =	stream.strided.scatter [tilespmem:s12], [sflag:$0x2], $0x800, s23, s22, $0x38;
	[tilespmem:$0x4400] =	vst v63  }
0x108: {  	s30 =	sadd.s32 $0x8000, s25  }
0x109: {  	[hbm4b:s30+s22] =	stream.strided.scatter [tilespmem:s14], [sflag:$0x2], $0x800, s23, s22, $0x38;
	[tilespmem:$0x4400] =	vst v63  }
0x10a: {  	s31 =	sadd.s32 $0xA000, s25  }
0x10b: {  	[hbm4b:s31+s22] =	stream.strided.scatter [tilespmem:s16], [sflag:$0x2], $0x800, s23, s22, $0x38;
	[tilespmem:$0x4400] =	vst v63  }
0x10c: {  	p0 =	sne.s32 s28, $0x18;
	s30 =	sadd.s32 $0xC000, s25  }
0x10d: {  	[hbm4b:s30+s22] =	stream.strided.scatter [tilespmem:s18], [sflag:$0x2], $0x800, s23, s22, $0x38;
	[tilespmem:$0x4400] =	vst v63  }
.Ltmp0:
0x10e: {  	_ = 	snop;
	(pc) =	sbr.rel @p0 .LBB2_2-.Ltmp0, $4  }
0x10f: {  	s31 =	sadd.s32 $0xE000, s25  }
0x110: {  	[hbm4b:s31+s22] =	stream.strided.scatter [tilespmem:s20], [sflag:$0x2], $0x800, s23, s22, $0x38;
	[tilespmem:$0x4400] =	vst v63  }
0x111: {  	_ =	swait.ge [sflag:s6], $0x4000  }
0x112: {  	s28 =	sadd.s32 $0x1, s28;
	s29 =	rddreg [dreg:$0x4];
	[sflag:s6] =	ssyncset.done $0x0  }
0x113: {  	s0 =	rddreg [dreg:$0x2]  }
0x114: {  	s28 =	rddreg [dreg:$0x3];
	[sflag:s6] =	ssyncadd.s32 $0xFFFFC000;
	s0 =	sadd.s32 s26, s0  }
0x115: {  	[tilespmem:s2], [sflag:$0x2] =	stream.strided.gather [hbm4b:s0+s28], $0x200, s29, s28, $0x38;
	[tilespmem:$0x4400] =	vst v63  }
0x116: {  	_ =	swait.ge [sflag:s6], $0x200  }
0x117: {  	[sflag:s6] =	ssyncset.done $0x0  }
0x118: {  	[sflag:s6] =	ssyncadd.s32 $0xFFFFFE00  }
0x119: {  	v32 =	vld.idx.msk [tilespmem:v0+s2+$0x0], $0xffff;
	_ =	sdelay $0x4  }
0x11a: {  	[tilespmem:$0x200] =	vst v32  }
0x11b: {  	v32 =	vld.idx.msk [tilespmem:v1+s2+$0x0], $0xffff;
	_ =	sdelay $0x4  }
0x11c: {  	[tilespmem:$0x210] =	vst v32  }
0x11d: {  	v32 =	vld.idx.msk [tilespmem:v2+s2+$0x0], $0xffff;
	_ =	sdelay $0x4  }
0x11e: {  	[tilespmem:$0x220] =	vst v32  }
0x11f: {  	v32 =	vld.idx.msk [tilespmem:v3+s2+$0x0], $0xffff;
	_ =	sdelay $0x4  }
0x120: {  	[tilespmem:$0x230] =	vst v32  }
0x121: {  	v32 =	vld.idx.msk [tilespmem:v4+s2+$0x0], $0xffff;
	_ =	sdelay $0x4  }
0x122: {  	[tilespmem:$0x240] =	vst v32  }
0x123: {  	v32 =	vld.idx.msk [tilespmem:v5+s2+$0x0], $0xffff;
	_ =	sdelay $0x4  }
0x124: {  	[tilespmem:$0x250] =	vst v32  }
0x125: {  	v32 =	vld.idx.msk [tilespmem:v6+s2+$0x0], $0xffff;
	_ =	sdelay $0x4  }
0x126: {  	[tilespmem:$0x260] =	vst v32  }
0x127: {  	v32 =	vld.idx.msk [tilespmem:v7+s2+$0x0], $0xffff;
	_ =	sdelay $0x4  }
0x128: {  	[tilespmem:$0x270] =	vst v32  }
0x129: {  	v32 =	vld.idx.msk [tilespmem:v8+s2+$0x0], $0xffff;
	_ =	sdelay $0x4  }
0x12a: {  	[tilespmem:$0x280] =	vst v32  }
0x12b: {  	v32 =	vld.idx.msk [tilespmem:v9+s2+$0x0], $0xffff;
	_ =	sdelay $0x4  }
0x12c: {  	[tilespmem:$0x290] =	vst v32  }
0x12d: {  	v32 =	vld.idx.msk [tilespmem:v10+s2+$0x0], $0xffff;
	_ =	sdelay $0x4  }
0x12e: {  	[tilespmem:$0x2A0] =	vst v32  }
0x12f: {  	v32 =	vld.idx.msk [tilespmem:v11+s2+$0x0], $0xffff;
	_ =	sdelay $0x4  }
0x130: {  	[tilespmem:$0x2B0] =	vst v32  }
0x131: {  	v32 =	vld.idx.msk [tilespmem:v12+s2+$0x0], $0xffff;
	_ =	sdelay $0x4  }
0x132: {  	[tilespmem:$0x2C0] =	vst v32  }
0x133: {  	v32 =	vld.idx.msk [tilespmem:v13+s2+$0x0], $0xffff;
	_ =	sdelay $0x4  }
0x134: {  	[tilespmem:$0x2D0] =	vst v32  }
0x135: {  	v32 =	vld.idx.msk [tilespmem:v14+s2+$0x0], $0xffff;
	_ =	sdelay $0x4  }
0x136: {  	[tilespmem:$0x2E0] =	vst v32  }
0x137: {  	v32 =	vld.idx.msk [tilespmem:v15+s2+$0x0], $0xffff;
	_ =	sdelay $0x4  }
0x138: {  	[tilespmem:$0x2F0] =	vst v32  }
0x139: {  	v32 =	vld.idx.msk [tilespmem:v16+s2+$0x0], $0xffff;
	_ =	sdelay $0x4  }
0x13a: {  	[tilespmem:$0x300] =	vst v32  }
0x13b: {  	v32 =	vld.idx.msk [tilespmem:v17+s2+$0x0], $0xffff;
	_ =	sdelay $0x4  }
0x13c: {  	[tilespmem:$0x310] =	vst v32  }
0x13d: {  	v32 =	vld.idx.msk [tilespmem:v18+s2+$0x0], $0xffff;
	_ =	sdelay $0x4  }
0x13e: {  	[tilespmem:$0x320] =	vst v32  }
0x13f: {  	v32 =	vld.idx.msk [tilespmem:v19+s2+$0x0], $0xffff;
	_ =	sdelay $0x4  }
0x140: {  	[tilespmem:$0x330] =	vst v32  }
0x141: {  	v32 =	vld.idx.msk [tilespmem:v20+s2+$0x0], $0xffff;
	_ =	sdelay $0x4  }
0x142: {  	[tilespmem:$0x340] =	vst v32  }
0x143: {  	v32 =	vld.idx.msk [tilespmem:v21+s2+$0x0], $0xffff;
	_ =	sdelay $0x4  }
0x144: {  	[tilespmem:$0x350] =	vst v32  }
0x145: {  	v32 =	vld.idx.msk [tilespmem:v22+s2+$0x0], $0xffff;
	_ =	sdelay $0x4  }
0x146: {  	[tilespmem:$0x360] =	vst v32  }
0x147: {  	v32 =	vld.idx.msk [tilespmem:v23+s2+$0x0], $0xffff;
	_ =	sdelay $0x4  }
0x148: {  	[tilespmem:$0x370] =	vst v32  }
0x149: {  	v32 =	vld.idx.msk [tilespmem:v24+s2+$0x0], $0xffff;
	_ =	sdelay $0x4  }
0x14a: {  	[tilespmem:$0x380] =	vst v32  }
0x14b: {  	v32 =	vld.idx.msk [tilespmem:v25+s2+$0x0], $0xffff;
	_ =	sdelay $0x4  }
0x14c: {  	[tilespmem:$0x390] =	vst v32  }
0x14d: {  	v32 =	vld.idx.msk [tilespmem:v26+s2+$0x0], $0xffff;
	_ =	sdelay $0x4  }
0x14e: {  	[tilespmem:$0x3A0] =	vst v32  }
0x14f: {  	v32 =	vld.idx.msk [tilespmem:v27+s2+$0x0], $0xffff;
	_ =	sdelay $0x4  }
0x150: {  	[tilespmem:$0x3B0] =	vst v32  }
0x151: {  	v32 =	vld.idx.msk [tilespmem:v28+s2+$0x0], $0xffff;
	_ =	sdelay $0x4  }
0x152: {  	[tilespmem:$0x3C0] =	vst v32  }
0x153: {  	v32 =	vld.idx.msk [tilespmem:v29+s2+$0x0], $0xffff;
	_ =	sdelay $0x4  }
0x154: {  	[tilespmem:$0x3D0] =	vst v32  }
0x155: {  	v32 =	vld.idx.msk [tilespmem:v30+s2+$0x0], $0xffff;
	_ =	sdelay $0x4  }
0x156: {  	[tilespmem:$0x3E0] =	vst v32  }
0x157: {  	v32 =	vld.idx.msk [tilespmem:v31+s2+$0x0], $0xffff;
	_ =	sdelay $0x4  }
0x158: {  	s29 =	rddreg [dreg:$0x5];
	[tilespmem:$0x3F0] =	vst v32  }
0x159: {  	[tilespmem:s8], [sflag:$0x1] =	stream.indirect.gather [hbm4b:s3+s7], $0x20, s29, s7, $0xb8;
	[tilespmem:$0x4400] =	vst v63  }
0x15a: {  	s30 =	rddreg [dreg:$0x6]  }
0x15b: {  	[tilespmem:s9], [sflag:$0x1] =	stream.indirect.gather [hbm4b:s3+s7], $0x20, s30, s7, $0xb8;
	[tilespmem:$0x4400] =	vst v63  }
0x15c: {  	s31 =	rddreg [dreg:$0x7]  }
0x15d: {  	[tilespmem:s10], [sflag:$0x1] =	stream.indirect.gather [hbm4b:s3+s7], $0x20, s31, s7, $0xb8;
	[tilespmem:$0x4400] =	vst v63  }
0x15e: {  	_ = 	snop  }
0x15f: {  	[tilespmem:s12], [sflag:$0x1] =	stream.indirect.gather [hbm4b:s3+s7], $0x20, s11, s7, $0xb8;
	[tilespmem:$0x4400] =	vst v63  }
0x160: {  	_ = 	snop  }
0x161: {  	[tilespmem:s14], [sflag:$0x1] =	stream.indirect.gather [hbm4b:s3+s7], $0x20, s13, s7, $0xb8;
	[tilespmem:$0x4400] =	vst v63  }
0x162: {  	_ = 	snop  }
0x163: {  	[tilespmem:s16], [sflag:$0x1] =	stream.indirect.gather [hbm4b:s3+s7], $0x20, s15, s7, $0xb8;
	[tilespmem:$0x4400] =	vst v63  }
0x164: {  	_ = 	snop  }
0x165: {  	[tilespmem:s18], [sflag:$0x1] =	stream.indirect.gather [hbm4b:s3+s7], $0x20, s17, s7, $0xb8;
	[tilespmem:$0x4400] =	vst v63  }
0x166: {  	_ = 	snop  }
0x167: {  	[tilespmem:s20], [sflag:$0x1] =	stream.indirect.gather [hbm4b:s3+s7], $0x20, s19, s7, $0xb8;
	[tilespmem:$0x4400] =	vst v63  }
0x168: {  	_ =	swait.ge [sflag:s21], $0x800  }
0x169: {  	[sflag:s21] =	ssyncset.done $0x0  }
0x16a: {  	[sflag:s21] =	ssyncadd.s32 $0xFFFFF800  }
0x16b: {  	_ =	swait.ge [sflag:s21], $0x800  }
0x16c: {  	[sflag:s21] =	ssyncset.done $0x0  }
0x16d: {  	[sflag:s21] =	ssyncadd.s32 $0xFFFFF800  }
0x16e: {  	_ =	swait.ge [sflag:s21], $0x800  }
0x16f: {  	[sflag:s21] =	ssyncset.done $0x0  }
0x170: {  	[sflag:s21] =	ssyncadd.s32 $0xFFFFF800  }
0x171: {  	_ =	swait.ge [sflag:s21], $0x800  }
0x172: {  	[sflag:s21] =	ssyncset.done $0x0  }
0x173: {  	[sflag:s21] =	ssyncadd.s32 $0xFFFFF800  }
0x174: {  	_ =	swait.ge [sflag:s21], $0x800  }
0x175: {  	[sflag:s21] =	ssyncset.done $0x0  }
0x176: {  	[sflag:s21] =	ssyncadd.s32 $0xFFFFF800  }
0x177: {  	_ =	swait.ge [sflag:s21], $0x800  }
0x178: {  	[sflag:s21] =	ssyncset.done $0x0  }
0x179: {  	[sflag:s21] =	ssyncadd.s32 $0xFFFFF800  }
0x17a: {  	_ =	swait.ge [sflag:s21], $0x800  }
0x17b: {  	[sflag:s21] =	ssyncset.done $0x0  }
0x17c: {  	[sflag:s21] =	ssyncadd.s32 $0xFFFFF800  }
0x17d: {  	_ =	swait.ge [sflag:s21], $0x800  }
0x17e: {  	[sflag:s21] =	ssyncset.done $0x0  }
0x17f: {  	s0 =	sadd.s32 $0x10000, s25;
	[sflag:s21] =	ssyncadd.s32 $0xFFFFF800  }
0x180: {  	[hbm4b:s0+s22] =	stream.strided.scatter [tilespmem:s8], [sflag:$0x2], $0x800, s23, s22, $0x38;
	[tilespmem:$0x4400] =	vst v63  }
0x181: {  	s25 =	sadd.s32 $0x2000, s0  }
0x182: {  	[hbm4b:s25+s22] =	stream.strided.scatter [tilespmem:s9], [sflag:$0x2], $0x800, s23, s22, $0x38;
	[tilespmem:$0x4400] =	vst v63  }
0x183: {  	s26 =	sadd.s32 $0x4000, s0  }
0x184: {  	[hbm4b:s26+s22] =	stream.strided.scatter [tilespmem:s10], [sflag:$0x2], $0x800, s23, s22, $0x38;
	[tilespmem:$0x4400] =	vst v63  }
0x185: {  	s28 =	sadd.s32 $0x6000, s0  }
0x186: {  	[hbm4b:s28+s22] =	stream.strided.scatter [tilespmem:s12], [sflag:$0x2], $0x800, s23, s22, $0x38;
	[tilespmem:$0x4400] =	vst v63  }
0x187: {  	s29 =	sadd.s32 $0x8000, s0  }
0x188: {  	[hbm4b:s29+s22] =	stream.strided.scatter [tilespmem:s14], [sflag:$0x2], $0x800, s23, s22, $0x38;
	[tilespmem:$0x4400] =	vst v63  }
0x189: {  	s24 =	sadd.s32 $0x1, s24;
	s30 =	sadd.s32 $0xA000, s0  }
0x18a: {  	[hbm4b:s30+s22] =	stream.strided.scatter [tilespmem:s16], [sflag:$0x2], $0x800, s23, s22, $0x38;
	[tilespmem:$0x4400] =	vst v63  }
0x18b: {  	p0 =	sne.s32 s24, s4;
	s31 =	sadd.s32 $0xC000, s0  }
0x18c: {  	[hbm4b:s31+s22] =	stream.strided.scatter [tilespmem:s18], [sflag:$0x2], $0x800, s23, s22, $0x38;
	[tilespmem:$0x4400] =	vst v63  }
.Ltmp1:
0x18d: {  	s0 =	sadd.s32 $0xE000, s0;
	(pc) =	sbr.rel @p0 .LBB2_1-.Ltmp1, $4  }
0x18e: {  	[hbm4b:s0+s22] =	stream.strided.scatter [tilespmem:s20], [sflag:$0x2], $0x800, s23, s22, $0x38;
	[tilespmem:$0x4400] =	vst v63  }
0x18f: {  	_ =	swait.ge [sflag:s6], $0x4000  }
0x190: {  	[sflag:s6] =	ssyncset.done $0x0  }
0x191: {  	[sflag:s6] =	ssyncadd.s32 $0xFFFFC000  }
0x192: {  	_ =	sfence.sel $0x180000  }
0x193: {  	[bflag:$0x0] =	sbarrier.arrive $0xFFFF  }
0x194: {  	_ =	strace $0x9000004A  }
0x195: {  	[bflag:$0x2] =	sbarrier.arrive $0xFFFF  }
0x196: {  	p0 =	sne.s32 s1, $0x0;
	s0 =	rddreg [dreg:$0x1]  }
0x197: {  	s0 =	sadd.s32 @!p0 $0x100000, s0  }
0x198: {  	[sflag:s0] =	ssyncadd.tile.s32 @!p0 $0x1;
	_ =	shalt  }
.Lfunc_end2:
_tile_overlayer_lowered:
.L_overlay_start_2:
0x199: {  	(tag) =	ssettag $0x2  }
0x19a: {  	s0 =	rddreg [dreg:$0x0];
	s2 =	stileid.u32  }
0x19b: {  	s1 =	rddreg [dreg:$0x1];
	p0 =	sne.s32 s2, $0x0  }
0x19c: {  	s3 =	rddreg [dreg:$0x2];
	[bflag:$0x3] =	sbarrier.arrive $0xFFFF;
	s2 =	simm.s32 @!p0 $0x1C02  }
0x19d: {  	[timem:s3], [sflag:s2] =	dma.local @!p0 [hbm:s0], s1  }
0x19e: {  	s0 =	simm.s32 @!p0 $0x2  }
0x19f: {  	_ =	swait.ge @!p0 [sflag:s0], s1  }
0x1a0: {  	s1 =	ssub.s32 @!p0 $0x0, s1;
	[sflag:s0] =	ssyncset.done @!p0 $0x0  }
0x1a1: {  	[sflag:s0] =	ssyncadd.s32 @!p0 s1  }
0x1a2: {  	[bflag:$0x3] =	sbarrier.arrive $0xFFFF  }
0x1a3: {  	_ =	shalt  }

</sc_bundles>
